<compile_context>
chip_gen: v7x
topology: tpu7x:2x2x1
jax: 0.10.2.dev20260603
libtpu: 0.0.44.dev20260713+nightly
codegen_flags: <defaults>
</compile_context>

<pallas_src>
import functools

import jax
import jax.numpy as jnp
from jax import lax
from jax.experimental import pallas as pl
from jax.experimental.pallas import tpu as pltpu
from jax.experimental.pallas import tpu_sc as plsc

N_PROMPTS = 1024
SEQ = 77
SEQ_OUT = 76
D = 768
NW = 32
CHUNK = 64
N_CHUNKS = N_PROMPTS // CHUNK
N_COLS = 68
COLS_PER_W = N_COLS // 2
DC = D // 128


def _sc_assemble(tok, table, pos3, p_input):
    mesh = plsc.VectorSubcoreMesh(core_axis_name="c", subcore_axis_name="s")

    @functools.partial(
        pl.kernel,
        mesh=mesh,
        compiler_params=pltpu.CompilerParams(needs_layout_passes=False),
        out_type=jax.ShapeDtypeStruct((SEQ_OUT, N_PROMPTS, D), jnp.float32),
        scratch_types=[
            pltpu.VMEM((CHUNK, SEQ), jnp.int32),
            pltpu.VMEM((CHUNK,), jnp.int32),
            pltpu.VMEM((CHUNK,), jnp.int32),
            pltpu.VMEM((CHUNK, D), jnp.float32),
            pltpu.VMEM((CHUNK, D), jnp.float32),
            pltpu.VMEM((1, D), jnp.float32),
            pltpu.VMEM((1, D), jnp.float32),
            pltpu.VMEM((8, D), jnp.float32),
            pltpu.SemaphoreType.DMA,
            pltpu.SemaphoreType.DMA,
            pltpu.SemaphoreType.DMA,
            pltpu.SemaphoreType.DMA,
        ],
    )
    def k(tok_hbm, table_hbm, pos_hbm, pin_hbm, out_hbm,
          tokv, idx0, idx1, ab0, ab1, pv0, pv1, pinv,
          gsem0, gsem1, osem0, osem1):
        wid = lax.axis_index("s") * 2 + lax.axis_index("c")
        lane = lax.broadcasted_iota(jnp.int32, (16,), 0)
        p0 = pl.multiple_of((wid // 2) * CHUNK, 8)
        cbase = (wid % 2) * COLS_PER_W

        pltpu.sync_copy(pin_hbm, pinv)
        pltpu.sync_copy(tok_hbm.at[pl.ds(p0, CHUNK), pl.ds(0, SEQ)], tokv)

        def col_of(t):
            c = cbase + t
            return jnp.where(c == 0, 0, c + 8)

        def build_fire(t, idxv, ab, pv, gsem):
            s_col = col_of(t)
            cv = jnp.zeros((16,), jnp.int32) + s_col
            for k2 in range(CHUNK // 16):
                iv = k2 * 16 + lane
                idxv[pl.ds(k2 * 16, 16)] = plsc.load_gather(tokv, [iv, cv])
            pltpu.async_copy(table_hbm.at[idxv], ab, gsem)
            pltpu.async_copy(pos_hbm.at[s_col], pv, gsem)

        def process(t, ab, pv, gsem, osem):
            s_col = col_of(t)
            pltpu.make_async_copy(table_hbm.at[pl.ds(0, CHUNK)], ab,
                                  gsem).wait()
            pltpu.make_async_copy(pos_hbm.at[0], pv, gsem).wait()
            for cb in range(DC):
                off0 = cb * 128
                pvs = [pv[0, pl.ds(off0 + kk * 16, 16)] for kk in range(8)]

                def abody(r, c0, _pvs=pvs, _off0=off0):
                    for kk in range(8):
                        plsc.addupdate(ab.at[r, pl.ds(_off0 + kk * 16, 16)],
                                       _pvs[kk])
                    return c0

                lax.fori_loop(0, CHUNK, abody, 0)
            pltpu.async_copy(ab, out_hbm.at[s_col, pl.ds(p0, CHUNK)], osem)

        def drain_out(ab, osem):
            pltpu.make_async_copy(table_hbm.at[pl.ds(0, CHUNK)], ab,
                                  osem).wait()

        build_fire(0, idx0, ab0, pv0, gsem0)

        cw = 1 + (wid % 8)
        for cb in range(DC):
            off0 = cb * 128
            pvx = [pinv[cw - 1, pl.ds(off0 + kk * 16, 16)] for kk in range(8)]

            def fbody(r, c0, _pvx=pvx, _off0=off0):
                for kk in range(8):
                    ab1[r, pl.ds(_off0 + kk * 16, 16)] = _pvx[kk]
                return c0

            lax.fori_loop(0, CHUNK, fbody, 0)
        for kf in range(N_CHUNKS // 4):
            pf = pl.multiple_of(((wid // 8) * 4 + kf) * CHUNK, 8)
            pltpu.async_copy(ab1, out_hbm.at[cw, pl.ds(pf, CHUNK)], osem1)
        for kf in range(N_CHUNKS // 4):
            drain_out(ab1, osem1)

        def loop(tt, carry):
            t0 = 2 * tt
            t1 = 2 * tt + 1

            @pl.when(tt > 0)
            def _():
                drain_out(ab1, osem1)

            build_fire(t1, idx1, ab1, pv1, gsem1)
            process(t0, ab0, pv0, gsem0, osem0)

            @pl.when(tt < COLS_PER_W // 2 - 1)
            def _():
                drain_out(ab0, osem0)
                build_fire(t0 + 2, idx0, ab0, pv0, gsem0)

            process(t1, ab1, pv1, gsem1, osem1)
            return carry

        lax.fori_loop(0, COLS_PER_W // 2, loop, 0)
        drain_out(ab0, osem0)
        drain_out(ab1, osem1)

    return k(tok, table, pos3, p_input)


def _pins_body(f_ref, w_ref, b_ref, out_ref):
    x = f_ref[0]
    y = lax.dot_general(
        x, w_ref[...], (((1,), (1,)), ((), ())),
        preferred_element_type=jnp.float32,
    )
    out_ref[0] = x + y + b_ref[...]


def _tc_pins(f3, W_proj, b_proj):
    L, n = f3.shape[0], f3.shape[1]
    return pl.pallas_call(
        _pins_body,
        grid=(L,),
        in_specs=[
            pl.BlockSpec((1, n, D), lambda l: (l, 0, 0)),
            pl.BlockSpec((D, D), lambda l: (0, 0)),
            pl.BlockSpec((1, D), lambda l: (0, 0)),
        ],
        out_specs=pl.BlockSpec((1, n, D), lambda l: (l, 0, 0)),
        out_shape=jax.ShapeDtypeStruct((L, n, D), jnp.float32),
    )(f3, W_proj, b_proj.reshape(1, D))


def kernel(feats, tokenized_prompts, token_embedding, positional_embedding,
           p_input, p_uni, W_proj, b_proj, attn_mask):
    pos3 = positional_embedding.reshape(SEQ, 1, D)
    p_ori_t = _sc_assemble(tokenized_prompts, token_embedding, pos3, p_input)
    p_ori = jnp.transpose(p_ori_t, (1, 0, 2))

    c, l1, n_tok, d = feats.shape
    f3 = jnp.transpose(feats, (1, 0, 2, 3)).reshape(l1, c * n_tok, d)
    p_ins = _tc_pins(f3, W_proj, b_proj)

    return (p_ori, p_ins, p_uni, attn_mask)

# --- scband reference (transcript-rebuilt; emitter-appended) ---
"""Pipeline reference for scband-myprompt-learner-65343632441954 (READ-ONLY COPY).

The authoritative reference and input builder live on the scoring server;
editing this copy changes nothing except your own understanding.
"""

import jax, jax.numpy as jnp
import numpy as np

N_TPRO = 4
N_HIGH = 4
CTX_DIM = 768
LAYERS = 12
VOCAB = 49408
N_PROMPTS = 1024
SEQ = 77
C = 64
N_TOK = 4


def setup_inputs(seed: int = 0) -> dict:
    key = jax.random.key(seed)
    ks = jax.random.split(key, 9)
    feats = jax.random.normal(ks[0], (C, LAYERS - 1, N_TOK, CTX_DIM), dtype=jnp.float32)
    tokenized_prompts = jax.random.randint(ks[1], (N_PROMPTS, SEQ), 0, VOCAB, dtype=jnp.int32)
    token_embedding = jax.random.normal(ks[2], (VOCAB, CTX_DIM), dtype=jnp.float32) * 0.02
    positional_embedding = jax.random.normal(ks[3], (SEQ, CTX_DIM), dtype=jnp.float32) * 0.01
    p_input = jax.random.normal(ks[4], (N_TPRO + N_HIGH, CTX_DIM), dtype=jnp.float32) * 0.02
    p_uni = jax.random.normal(ks[5], (LAYERS - 1, N_TPRO, CTX_DIM), dtype=jnp.float32) * 0.02
    W_proj = jax.random.normal(ks[6], (CTX_DIM, CTX_DIM), dtype=jnp.float32) * (1.0 / np.sqrt(CTX_DIM))
    b_proj = jnp.zeros((CTX_DIM,), dtype=jnp.float32)
    causal = jnp.where(jnp.triu(jnp.ones((SEQ, SEQ), dtype=bool), k=1), -1e9, 0.0).astype(jnp.float32)
    return {
        "feats": feats,
        "tokenized_prompts": tokenized_prompts,
        "token_embedding": token_embedding,
        "positional_embedding": positional_embedding,
        "p_input": p_input,
        "p_uni": p_uni,
        "W_proj": W_proj,
        "b_proj": b_proj,
        "attn_mask": causal,
    }


def reference(feats, tokenized_prompts, token_embedding, positional_embedding, p_input, p_uni, W_proj, b_proj, attn_mask):
    # embed_cls=True path: drop last token
    tok = tokenized_prompts[:, :-1]
    seq_len = tok.shape[1]
    # torch.no_grad() block: token embedding gather + positional embedding
    embedding = jnp.take(token_embedding, tok, axis=0)
    embedding = embedding + positional_embedding[:seq_len][None, :, :]
    embedding = jax.lax.stop_gradient(embedding)
    n_prompt = p_input.shape[0]
    p_in = jnp.broadcast_to(p_input[None, :, :], (tok.shape[0], n_prompt, p_input.shape[1]))
    prefix = embedding[:, :1]
    suffix = embedding[:, 1 + n_prompt:]
    p_ori = jnp.concatenate([prefix, p_in, suffix], axis=1)
    # feats: [c, l, n, d] -> permute -> [l, c, n, d] -> reshape [l, c*n, d]
    f = jnp.transpose(feats, (1, 0, 2, 3))
    l, c, n, d = f.shape
    f = f.reshape(l, c * n, d).astype(jnp.float32)
    # feat = feat + Linear(feat), vectorized over layers (nn.Linear: x @ W.T + b)
    p_ins = f + (jnp.einsum('lnd,ed->lne', f, W_proj) + b_proj)
    return (p_ori, p_ins, p_uni, attn_mask)

if __name__ == "__main__":
    import jax
    _d = setup_inputs()
    print(jax.jit(kernel)(*tuple(_d.values())))

</pallas_src>

<mosaic_0001>
#map = affine_map<(d0, d1) -> (0, 0)>
#map1 = affine_map<(d0, d1) -> (0, 0, 0)>
module attributes {stable_mosaic.version = 14 : i64} {
  func.func @k(%arg0: i32, %arg1: i32, %arg2: memref<1024x77xi32, #tpu.memory_space<hbm>>, %arg3: memref<49408x768xf32, #tpu.memory_space<hbm>>, %arg4: memref<77x1x768xf32, #tpu.memory_space<hbm>>, %arg5: memref<8x768xf32, #tpu.memory_space<hbm>>, %arg6: memref<76x1024x768xf32, #tpu.memory_space<hbm>>, %arg7: memref<64x77xi32, #tpu.memory_space<vmem>>, %arg8: memref<64xi32, #tpu.memory_space<vmem>>, %arg9: memref<64xi32, #tpu.memory_space<vmem>>, %arg10: memref<64x768xf32, #tpu.memory_space<vmem>>, %arg11: memref<64x768xf32, #tpu.memory_space<vmem>>, %arg12: memref<1x768xf32, #tpu.memory_space<vmem>>, %arg13: memref<1x768xf32, #tpu.memory_space<vmem>>, %arg14: memref<8x768xf32, #tpu.memory_space<vmem>>, %arg15: memref<!tpu.dma_semaphore, #tpu.memory_space<semaphore_mem>>, %arg16: memref<!tpu.dma_semaphore, #tpu.memory_space<semaphore_mem>>, %arg17: memref<!tpu.dma_semaphore, #tpu.memory_space<semaphore_mem>>, %arg18: memref<!tpu.dma_semaphore, #tpu.memory_space<semaphore_mem>>) attributes {dimension_semantics = [#tpu.dimension_semantics<core_parallel>, #tpu.dimension_semantics<subcore_parallel>], iteration_bounds = array<i64: 2, 16>, scalar_prefetch = 0 : i64, scratch_operands = 12 : i64, tpu.core_type = #tpu.core_type<sc_vector_subcore>, window_params = [{transform_indices = #map}, {transform_indices = #map}, {transform_indices = #map1}, {transform_indices = #map}, {transform_indices = #map1}]} {
    %mul3A = arith.constant 2 : i32
    %mul3A_0 = arith.muli %arg1, %mul3A : i32
    %add3A = arith.addi %mul3A_0, %arg0 : i32
    %iota3A = tpu.iota {dimensions = array<i32: 0>} : vector<16xi32>
    %jit3A = arith.constant 2 : i32
    %div3A = arith.divsi %add3A, %jit3A : i32
    %sign3A = arith.constant 0 : i32
    %sign3A_1 = arith.cmpi sgt, %add3A, %sign3A : i32
    %sign3A_2 = arith.extui %sign3A_1 : i1 to i32
    %sign3A_3 = arith.constant 0 : i32
    %sign3A_4 = arith.cmpi slt, %add3A, %sign3A_3 : i32
    %sign3A_5 = arith.extui %sign3A_4 : i1 to i32
    %sign3A_6 = arith.subi %sign3A_2, %sign3A_5 : i32
    %sign3A_7 = arith.constant 0 : i32
    %sign3A_8 = arith.cmpi sgt, %jit3A, %sign3A_7 : i32
    %sign3A_9 = arith.extui %sign3A_8 : i1 to i32
    %sign3A_10 = arith.constant 0 : i32
    %sign3A_11 = arith.cmpi slt, %jit3A, %sign3A_10 : i32
    %sign3A_12 = arith.extui %sign3A_11 : i1 to i32
    %sign3A_13 = arith.subi %sign3A_9, %sign3A_12 : i32
    %ne3A = arith.cmpi ne, %sign3A_6, %sign3A_13 : i32
    %rem3A = arith.remsi %add3A, %jit3A : i32
    %ne3A_14 = arith.constant 0 : i32
    %ne3A_15 = arith.cmpi ne, %rem3A, %ne3A_14 : i32
    %and3A = arith.andi %ne3A, %ne3A_15 : i1
    %sub3A = arith.constant 1 : i32
    %sub3A_16 = arith.subi %div3A, %sub3A : i32
    %select_n3A = arith.select %and3A, %sub3A_16, %div3A : i32
    %mul3A_17 = arith.constant 64 : i32
    %mul3A_18 = arith.muli %select_n3A, %mul3A_17 : i32
    %multiple_of3A = tpu.assume_multiple %mul3A_18, 8 : i32
    %jit3A_19 = arith.constant 2 : i32
    %eq3A = arith.constant 0 : i32
    %eq3A_20 = arith.cmpi eq, %jit3A_19, %eq3A : i32
    %jit3A_21 = arith.constant 1 : i32
    %select_n3A_22 = arith.select %eq3A_20, %jit3A_21, %jit3A_19 : i32
    %rem3A_23 = arith.remsi %add3A, %select_n3A_22 : i32
    %ne3A_24 = arith.constant 0 : i32
    %ne3A_25 = arith.cmpi ne, %rem3A_23, %ne3A_24 : i32
    %lt3A = arith.constant 0 : i32
    %lt3A_26 = arith.cmpi slt, %rem3A_23, %lt3A : i32
    %lt3A_27 = arith.constant 0 : i32
    %lt3A_28 = arith.cmpi slt, %select_n3A_22, %lt3A_27 : i32
    %ne3A_29 = arith.xori %lt3A_26, %lt3A_28 : i1
    %and3A_30 = arith.andi %ne3A_29, %ne3A_25 : i1
    %add3A_31 = arith.addi %rem3A_23, %select_n3A_22 : i32
    %select_n3A_32 = arith.select %and3A_30, %add3A_31, %rem3A_23 : i32
    %mul3A_33 = arith.constant 34 : i32
    %mul3A_34 = arith.muli %select_n3A_32, %mul3A_33 : i32
    "tpu.region"() ({
      %run_scoped3A = tpu.sem_alloc : memref<!tpu.dma_semaphore, #tpu.memory_space<semaphore_mem>>
      tpu.enqueue_dma source(%arg5 : memref<8x768xf32, #tpu.memory_space<hbm>>) target(%arg14 : memref<8x768xf32, #tpu.memory_space<vmem>>) target_semaphore(%run_scoped3A : memref<!tpu.dma_semaphore, #tpu.memory_space<semaphore_mem>>)
      tpu.wait_dma2 semaphore(%run_scoped3A : memref<!tpu.dma_semaphore, #tpu.memory_space<semaphore_mem>>) src(%arg5 : memref<8x768xf32, #tpu.memory_space<hbm>>) dst(%arg14 : memref<8x768xf32, #tpu.memory_space<vmem>>)
      tpu.yield
    }) : () -> ()
    "tpu.region"() ({
      %run_scoped3A = tpu.sem_alloc : memref<!tpu.dma_semaphore, #tpu.memory_space<semaphore_mem>>
      %dma_start3A_559 = arith.constant 0 : i32
      %dma_start3A_560 = tpu.memref_slice %arg2[%multiple_of3A, %dma_start3A_559] : memref<1024x77xi32, #tpu.memory_space<hbm>> -> memref<64x77xi32, #tpu.memory_space<hbm>>
      %dma_start3A_561 = arith.constant 0 : i32
      %dma_start3A_562 = tpu.memref_slice %arg2[%multiple_of3A, %dma_start3A_561] : memref<1024x77xi32, #tpu.memory_space<hbm>> -> memref<64x77xi32, #tpu.memory_space<hbm>>
      tpu.enqueue_dma source(%dma_start3A_562 : memref<64x77xi32, #tpu.memory_space<hbm>>) target(%arg7 : memref<64x77xi32, #tpu.memory_space<vmem>>) target_semaphore(%run_scoped3A : memref<!tpu.dma_semaphore, #tpu.memory_space<semaphore_mem>>)
      %dma_wait3A_563 = arith.constant 0 : i32
      %dma_wait3A_564 = tpu.memref_slice %arg2[%multiple_of3A, %dma_wait3A_563] : memref<1024x77xi32, #tpu.memory_space<hbm>> -> memref<64x77xi32, #tpu.memory_space<hbm>>
      %dma_wait3A_565 = arith.constant 0 : i32
      %dma_wait3A_566 = tpu.memref_slice %arg2[%multiple_of3A, %dma_wait3A_565] : memref<1024x77xi32, #tpu.memory_space<hbm>> -> memref<64x77xi32, #tpu.memory_space<hbm>>
      tpu.wait_dma2 semaphore(%run_scoped3A : memref<!tpu.dma_semaphore, #tpu.memory_space<semaphore_mem>>) src(%dma_wait3A_566 : memref<64x77xi32, #tpu.memory_space<hbm>>) dst(%arg7 : memref<64x77xi32, #tpu.memory_space<vmem>>)
      tpu.yield
    }) : () -> ()
    %add3A_35 = arith.constant 0 : i32
    %add3A_36 = arith.addi %mul3A_34, %add3A_35 : i32
    %eq3A_37 = arith.constant 0 : i32
    %eq3A_38 = arith.cmpi eq, %add3A_36, %eq3A_37 : i32
    %add3A_39 = arith.constant 8 : i32
    %add3A_40 = arith.addi %add3A_36, %add3A_39 : i32
    %jit3A_41 = arith.constant 0 : i32
    %select_n3A_42 = arith.select %eq3A_38, %jit3A_41, %add3A_40 : i32
    %broadcast_in_dim3A = arith.constant 0 : i32
    %broadcast_in_dim3A_43 = vector.broadcast %broadcast_in_dim3A : i32 to vector<16xi32>
    %add3A_44 = vector.broadcast %select_n3A_42 : i32 to vector<16xi32>
    %add3A_45 = arith.addi %broadcast_in_dim3A_43, %add3A_44 : vector<16xi32>
    %add3A_46 = arith.constant 0 : i32
    %add3A_47 = vector.broadcast %add3A_46 : i32 to vector<16xi32>
    %add3A_48 = arith.addi %add3A_47, %iota3A : vector<16xi32>
    %gather3A = tpu.vector_load_idx %arg7[%add3A_48, %add3A_45] : memref<64x77xi32, #tpu.memory_space<vmem>>[vector<16xi32>, vector<16xi32>], vector<16xi32>,
    %swap3A = arith.constant 0 : index
    %swap3A_49 = tpu.vector_load %arg8[%swap3A] {strides = array<i32>} : memref<64xi32, #tpu.memory_space<vmem>>, vector<16xi32>,
    tpu.vector_store %arg8[%swap3A], %gather3A {strides = array<i32>} : memref<64xi32, #tpu.memory_space<vmem>>, vector<16xi32>,
    %add3A_50 = arith.constant 16 : i32
    %add3A_51 = vector.broadcast %add3A_50 : i32 to vector<16xi32>
    %add3A_52 = arith.addi %add3A_51, %iota3A : vector<16xi32>
    %gather3A_53 = tpu.vector_load_idx %arg7[%add3A_52, %add3A_45] : memref<64x77xi32, #tpu.memory_space<vmem>>[vector<16xi32>, vector<16xi32>], vector<16xi32>,
    %swap3A_54 = arith.constant 16 : index
    %swap3A_55 = tpu.vector_load %arg8[%swap3A_54] {strides = array<i32>} : memref<64xi32, #tpu.memory_space<vmem>>, vector<16xi32>,
    tpu.vector_store %arg8[%swap3A_54], %gather3A_53 {strides = array<i32>} : memref<64xi32, #tpu.memory_space<vmem>>, vector<16xi32>,
    %add3A_56 = arith.constant 32 : i32
    %add3A_57 = vector.broadcast %add3A_56 : i32 to vector<16xi32>
    %add3A_58 = arith.addi %add3A_57, %iota3A : vector<16xi32>
    %gather3A_59 = tpu.vector_load_idx %arg7[%add3A_58, %add3A_45] : memref<64x77xi32, #tpu.memory_space<vmem>>[vector<16xi32>, vector<16xi32>], vector<16xi32>,
    %swap3A_60 = arith.constant 32 : index
    %swap3A_61 = tpu.vector_load %arg8[%swap3A_60] {strides = array<i32>} : memref<64xi32, #tpu.memory_space<vmem>>, vector<16xi32>,
    tpu.vector_store %arg8[%swap3A_60], %gather3A_59 {strides = array<i32>} : memref<64xi32, #tpu.memory_space<vmem>>, vector<16xi32>,
    %add3A_62 = arith.constant 48 : i32
    %add3A_63 = vector.broadcast %add3A_62 : i32 to vector<16xi32>
    %add3A_64 = arith.addi %add3A_63, %iota3A : vector<16xi32>
    %gather3A_65 = tpu.vector_load_idx %arg7[%add3A_64, %add3A_45] : memref<64x77xi32, #tpu.memory_space<vmem>>[vector<16xi32>, vector<16xi32>], vector<16xi32>,
    %swap3A_66 = arith.constant 48 : index
    %swap3A_67 = tpu.vector_load %arg8[%swap3A_66] {strides = array<i32>} : memref<64xi32, #tpu.memory_space<vmem>>, vector<16xi32>,
    tpu.vector_store %arg8[%swap3A_66], %gather3A_65 {strides = array<i32>} : memref<64xi32, #tpu.memory_space<vmem>>, vector<16xi32>,
    %dma_start3A = arith.constant 0 : i32
    %dma_start3A_68 = arith.constant 0 : i32
    %dma_start3A_69 = tpu.memref_slice %arg3[%dma_start3A, %dma_start3A_68] : memref<49408x768xf32, #tpu.memory_space<hbm>> -> memref<49408x768xf32, #tpu.memory_space<hbm>>
    tpu.enqueue_indirect_dma source(%dma_start3A_69 : memref<49408x768xf32, #tpu.memory_space<hbm>>) target(%arg10 : memref<64x768xf32, #tpu.memory_space<vmem>>) offsets(%arg8 : memref<64xi32, #tpu.memory_space<vmem>>) semaphore(%arg15 : memref<!tpu.dma_semaphore, #tpu.memory_space<semaphore_mem>>)
    %dma_start3A_70 = arith.constant 0 : i32
    %dma_start3A_71 = arith.constant 0 : i32
    %dma_start3A_72 = tpu.memref_slice %arg4[%select_n3A_42, %dma_start3A_70, %dma_start3A_71] : memref<77x1x768xf32, #tpu.memory_space<hbm>> -> memref<1x1x768xf32, #tpu.memory_space<hbm>>
    %dma_start3A_73 = tpu.memref_squeeze %dma_start3A_72 : memref<1x1x768xf32, #tpu.memory_space<hbm>> -> memref<1x768xf32, #tpu.memory_space<hbm>>
    %dma_start3A_74 = arith.constant 0 : i32
    %dma_start3A_75 = arith.constant 0 : i32
    %dma_start3A_76 = tpu.memref_slice %arg4[%select_n3A_42, %dma_start3A_74, %dma_start3A_75] : memref<77x1x768xf32, #tpu.memory_space<hbm>> -> memref<1x1x768xf32, #tpu.memory_space<hbm>>
    %dma_start3A_77 = tpu.memref_squeeze %dma_start3A_76 : memref<1x1x768xf32, #tpu.memory_space<hbm>> -> memref<1x768xf32, #tpu.memory_space<hbm>>
    tpu.enqueue_dma source(%dma_start3A_77 : memref<1x768xf32, #tpu.memory_space<hbm>>) target(%arg12 : memref<1x768xf32, #tpu.memory_space<vmem>>) target_semaphore(%arg15 : memref<!tpu.dma_semaphore, #tpu.memory_space<semaphore_mem>>)
    %jit3A_78 = arith.constant 8 : i32
    %eq3A_79 = arith.constant 0 : i32
    %eq3A_80 = arith.cmpi eq, %jit3A_78, %eq3A_79 : i32
    %jit3A_81 = arith.constant 1 : i32
    %select_n3A_82 = arith.select %eq3A_80, %jit3A_81, %jit3A_78 : i32
    %rem3A_83 = arith.remsi %add3A, %select_n3A_82 : i32
    %ne3A_84 = arith.constant 0 : i32
    %ne3A_85 = arith.cmpi ne, %rem3A_83, %ne3A_84 : i32
    %lt3A_86 = arith.constant 0 : i32
    %lt3A_87 = arith.cmpi slt, %rem3A_83, %lt3A_86 : i32
    %lt3A_88 = arith.constant 0 : i32
    %lt3A_89 = arith.cmpi slt, %select_n3A_82, %lt3A_88 : i32
    %ne3A_90 = arith.xori %lt3A_87, %lt3A_89 : i1
    %and3A_91 = arith.andi %ne3A_90, %ne3A_85 : i1
    %add3A_92 = arith.addi %rem3A_83, %select_n3A_82 : i32
    %select_n3A_93 = arith.select %and3A_91, %add3A_92, %rem3A_83 : i32
    %add3A_94 = arith.constant 1 : i32
    %add3A_95 = arith.addi %add3A_94, %select_n3A_93 : i32
    %sub3A_96 = arith.constant 1 : i32
    %sub3A_97 = arith.subi %add3A_95, %sub3A_96 : i32
    %get3A = arith.index_cast %sub3A_97 : i32 to index
    %get3A_98 = arith.constant 0 : index
    %get3A_99 = tpu.vector_load %arg14[%get3A, %get3A_98] {strides = array<i32>} : memref<8x768xf32, #tpu.memory_space<vmem>>, vector<16xf32>,
    %sub3A_100 = arith.constant 1 : i32
    %sub3A_101 = arith.subi %add3A_95, %sub3A_100 : i32
    %get3A_102 = arith.index_cast %sub3A_101 : i32 to index
    %get3A_103 = arith.constant 16 : index
    %get3A_104 = tpu.vector_load %arg14[%get3A_102, %get3A_103] {strides = array<i32>} : memref<8x768xf32, #tpu.memory_space<vmem>>, vector<16xf32>,
    %sub3A_105 = arith.constant 1 : i32
    %sub3A_106 = arith.subi %add3A_95, %sub3A_105 : i32
    %get3A_107 = arith.index_cast %sub3A_106 : i32 to index
    %get3A_108 = arith.constant 32 : index
    %get3A_109 = tpu.vector_load %arg14[%get3A_107, %get3A_108] {strides = array<i32>} : memref<8x768xf32, #tpu.memory_space<vmem>>, vector<16xf32>,
    %sub3A_110 = arith.constant 1 : i32
    %sub3A_111 = arith.subi %add3A_95, %sub3A_110 : i32
    %get3A_112 = arith.index_cast %sub3A_111 : i32 to index
    %get3A_113 = arith.constant 48 : index
    %get3A_114 = tpu.vector_load %arg14[%get3A_112, %get3A_113] {strides = array<i32>} : memref<8x768xf32, #tpu.memory_space<vmem>>, vector<16xf32>,
    %sub3A_115 = arith.constant 1 : i32
    %sub3A_116 = arith.subi %add3A_95, %sub3A_115 : i32
    %get3A_117 = arith.index_cast %sub3A_116 : i32 to index
    %get3A_118 = arith.constant 64 : index
    %get3A_119 = tpu.vector_load %arg14[%get3A_117, %get3A_118] {strides = array<i32>} : memref<8x768xf32, #tpu.memory_space<vmem>>, vector<16xf32>,
    %sub3A_120 = arith.constant 1 : i32
    %sub3A_121 = arith.subi %add3A_95, %sub3A_120 : i32
    %get3A_122 = arith.index_cast %sub3A_121 : i32 to index
    %get3A_123 = arith.constant 80 : index
    %get3A_124 = tpu.vector_load %arg14[%get3A_122, %get3A_123] {strides = array<i32>} : memref<8x768xf32, #tpu.memory_space<vmem>>, vector<16xf32>,
    %sub3A_125 = arith.constant 1 : i32
    %sub3A_126 = arith.subi %add3A_95, %sub3A_125 : i32
    %get3A_127 = arith.index_cast %sub3A_126 : i32 to index
    %get3A_128 = arith.constant 96 : index
    %get3A_129 = tpu.vector_load %arg14[%get3A_127, %get3A_128] {strides = array<i32>} : memref<8x768xf32, #tpu.memory_space<vmem>>, vector<16xf32>,
    %sub3A_130 = arith.constant 1 : i32
    %sub3A_131 = arith.subi %add3A_95, %sub3A_130 : i32
    %get3A_132 = arith.index_cast %sub3A_131 : i32 to index
    %get3A_133 = arith.constant 112 : index
    %get3A_134 = tpu.vector_load %arg14[%get3A_132, %get3A_133] {strides = array<i32>} : memref<8x768xf32, #tpu.memory_space<vmem>>, vector<16xf32>,
    %scan3A = arith.constant 0 : i32
    %scan3A_135 = arith.constant 0 : i32
    %scan3A_136 = arith.constant 64 : i32
    %scan3A_137 = arith.addi %scan3A_135, %scan3A_136 : i32
    %scan3A_138 = arith.constant 1 : i32
    scf.for %scan3A_559 = %scan3A_135 to %scan3A_137 step %scan3A_138  : i32 {
      %swap3A_560 = arith.index_cast %scan3A_559 : i32 to index
      %swap3A_561 = arith.constant 0 : index
      %swap3A_562 = tpu.vector_load %arg11[%swap3A_560, %swap3A_561] {strides = array<i32>} : memref<64x768xf32, #tpu.memory_space<vmem>>, vector<16xf32>,
      tpu.vector_store %arg11[%swap3A_560, %swap3A_561], %get3A_99 {strides = array<i32>} : memref<64x768xf32, #tpu.memory_space<vmem>>, vector<16xf32>,
      %swap3A_563 = arith.index_cast %scan3A_559 : i32 to index
      %swap3A_564 = arith.constant 16 : index
      %swap3A_565 = tpu.vector_load %arg11[%swap3A_563, %swap3A_564] {strides = array<i32>} : memref<64x768xf32, #tpu.memory_space<vmem>>, vector<16xf32>,
      tpu.vector_store %arg11[%swap3A_563, %swap3A_564], %get3A_104 {strides = array<i32>} : memref<64x768xf32, #tpu.memory_space<vmem>>, vector<16xf32>,
      %swap3A_566 = arith.index_cast %scan3A_559 : i32 to index
      %swap3A_567 = arith.constant 32 : index
      %swap3A_568 = tpu.vector_load %arg11[%swap3A_566, %swap3A_567] {strides = array<i32>} : memref<64x768xf32, #tpu.memory_space<vmem>>, vector<16xf32>,
      tpu.vector_store %arg11[%swap3A_566, %swap3A_567], %get3A_109 {strides = array<i32>} : memref<64x768xf32, #tpu.memory_space<vmem>>, vector<16xf32>,
      %swap3A_569 = arith.index_cast %scan3A_559 : i32 to index
      %swap3A_570 = arith.constant 48 : index
      %swap3A_571 = tpu.vector_load %arg11[%swap3A_569, %swap3A_570] {strides = array<i32>} : memref<64x768xf32, #tpu.memory_space<vmem>>, vector<16xf32>,
      tpu.vector_store %arg11[%swap3A_569, %swap3A_570], %get3A_114 {strides = array<i32>} : memref<64x768xf32, #tpu.memory_space<vmem>>, vector<16xf32>,
      %swap3A_572 = arith.index_cast %scan3A_559 : i32 to index
      %swap3A_573 = arith.constant 64 : index
      %swap3A_574 = tpu.vector_load %arg11[%swap3A_572, %swap3A_573] {strides = array<i32>} : memref<64x768xf32, #tpu.memory_space<vmem>>, vector<16xf32>,
      tpu.vector_store %arg11[%swap3A_572, %swap3A_573], %get3A_119 {strides = array<i32>} : memref<64x768xf32, #tpu.memory_space<vmem>>, vector<16xf32>,
      %swap3A_575 = arith.index_cast %scan3A_559 : i32 to index
      %swap3A_576 = arith.constant 80 : index
      %swap3A_577 = tpu.vector_load %arg11[%swap3A_575, %swap3A_576] {strides = array<i32>} : memref<64x768xf32, #tpu.memory_space<vmem>>, vector<16xf32>,
      tpu.vector_store %arg11[%swap3A_575, %swap3A_576], %get3A_124 {strides = array<i32>} : memref<64x768xf32, #tpu.memory_space<vmem>>, vector<16xf32>,
      %swap3A_578 = arith.index_cast %scan3A_559 : i32 to index
      %swap3A_579 = arith.constant 96 : index
      %swap3A_580 = tpu.vector_load %arg11[%swap3A_578, %swap3A_579] {strides = array<i32>} : memref<64x768xf32, #tpu.memory_space<vmem>>, vector<16xf32>,
      tpu.vector_store %arg11[%swap3A_578, %swap3A_579], %get3A_129 {strides = array<i32>} : memref<64x768xf32, #tpu.memory_space<vmem>>, vector<16xf32>,
      %swap3A_581 = arith.index_cast %scan3A_559 : i32 to index
      %swap3A_582 = arith.constant 112 : index
      %swap3A_583 = tpu.vector_load %arg11[%swap3A_581, %swap3A_582] {strides = array<i32>} : memref<64x768xf32, #tpu.memory_space<vmem>>, vector<16xf32>,
      tpu.vector_store %arg11[%swap3A_581, %swap3A_582], %get3A_134 {strides = array<i32>} : memref<64x768xf32, #tpu.memory_space<vmem>>, vector<16xf32>,
    }
    %scan3A_139 = arith.constant 64 : i32
    %sub3A_140 = arith.constant 1 : i32
    %sub3A_141 = arith.subi %add3A_95, %sub3A_140 : i32
    %get3A_142 = arith.index_cast %sub3A_141 : i32 to index
    %get3A_143 = arith.constant 128 : index
    %get3A_144 = tpu.vector_load %arg14[%get3A_142, %get3A_143] {strides = array<i32>} : memref<8x768xf32, #tpu.memory_space<vmem>>, vector<16xf32>,
    %sub3A_145 = arith.constant 1 : i32
    %sub3A_146 = arith.subi %add3A_95, %sub3A_145 : i32
    %get3A_147 = arith.index_cast %sub3A_146 : i32 to index
    %get3A_148 = arith.constant 144 : index
    %get3A_149 = tpu.vector_load %arg14[%get3A_147, %get3A_148] {strides = array<i32>} : memref<8x768xf32, #tpu.memory_space<vmem>>, vector<16xf32>,
    %sub3A_150 = arith.constant 1 : i32
    %sub3A_151 = arith.subi %add3A_95, %sub3A_150 : i32
    %get3A_152 = arith.index_cast %sub3A_151 : i32 to index
    %get3A_153 = arith.constant 160 : index
    %get3A_154 = tpu.vector_load %arg14[%get3A_152, %get3A_153] {strides = array<i32>} : memref<8x768xf32, #tpu.memory_space<vmem>>, vector<16xf32>,
    %sub3A_155 = arith.constant 1 : i32
    %sub3A_156 = arith.subi %add3A_95, %sub3A_155 : i32
    %get3A_157 = arith.index_cast %sub3A_156 : i32 to index
    %get3A_158 = arith.constant 176 : index
    %get3A_159 = tpu.vector_load %arg14[%get3A_157, %get3A_158] {strides = array<i32>} : memref<8x768xf32, #tpu.memory_space<vmem>>, vector<16xf32>,
    %sub3A_160 = arith.constant 1 : i32
    %sub3A_161 = arith.subi %add3A_95, %sub3A_160 : i32
    %get3A_162 = arith.index_cast %sub3A_161 : i32 to index
    %get3A_163 = arith.constant 192 : index
    %get3A_164 = tpu.vector_load %arg14[%get3A_162, %get3A_163] {strides = array<i32>} : memref<8x768xf32, #tpu.memory_space<vmem>>, vector<16xf32>,
    %sub3A_165 = arith.constant 1 : i32
    %sub3A_166 = arith.subi %add3A_95, %sub3A_165 : i32
    %get3A_167 = arith.index_cast %sub3A_166 : i32 to index
    %get3A_168 = arith.constant 208 : index
    %get3A_169 = tpu.vector_load %arg14[%get3A_167, %get3A_168] {strides = array<i32>} : memref<8x768xf32, #tpu.memory_space<vmem>>, vector<16xf32>,
    %sub3A_170 = arith.constant 1 : i32
    %sub3A_171 = arith.subi %add3A_95, %sub3A_170 : i32
    %get3A_172 = arith.index_cast %sub3A_171 : i32 to index
    %get3A_173 = arith.constant 224 : index
    %get3A_174 = tpu.vector_load %arg14[%get3A_172, %get3A_173] {strides = array<i32>} : memref<8x768xf32, #tpu.memory_space<vmem>>, vector<16xf32>,
    %sub3A_175 = arith.constant 1 : i32
    %sub3A_176 = arith.subi %add3A_95, %sub3A_175 : i32
    %get3A_177 = arith.index_cast %sub3A_176 : i32 to index
    %get3A_178 = arith.constant 240 : index
    %get3A_179 = tpu.vector_load %arg14[%get3A_177, %get3A_178] {strides = array<i32>} : memref<8x768xf32, #tpu.memory_space<vmem>>, vector<16xf32>,
    %scan3A_180 = arith.constant 0 : i32
    %scan3A_181 = arith.constant 0 : i32
    %scan3A_182 = arith.constant 64 : i32
    %scan3A_183 = arith.addi %scan3A_181, %scan3A_182 : i32
    %scan3A_184 = arith.constant 1 : i32
    scf.for %scan3A_559 = %scan3A_181 to %scan3A_183 step %scan3A_184  : i32 {
      %swap3A_560 = arith.index_cast %scan3A_559 : i32 to index
      %swap3A_561 = arith.constant 128 : index
      %swap3A_562 = tpu.vector_load %arg11[%swap3A_560, %swap3A_561] {strides = array<i32>} : memref<64x768xf32, #tpu.memory_space<vmem>>, vector<16xf32>,
      tpu.vector_store %arg11[%swap3A_560, %swap3A_561], %get3A_144 {strides = array<i32>} : memref<64x768xf32, #tpu.memory_space<vmem>>, vector<16xf32>,
      %swap3A_563 = arith.index_cast %scan3A_559 : i32 to index
      %swap3A_564 = arith.constant 144 : index
      %swap3A_565 = tpu.vector_load %arg11[%swap3A_563, %swap3A_564] {strides = array<i32>} : memref<64x768xf32, #tpu.memory_space<vmem>>, vector<16xf32>,
      tpu.vector_store %arg11[%swap3A_563, %swap3A_564], %get3A_149 {strides = array<i32>} : memref<64x768xf32, #tpu.memory_space<vmem>>, vector<16xf32>,
      %swap3A_566 = arith.index_cast %scan3A_559 : i32 to index
      %swap3A_567 = arith.constant 160 : index
      %swap3A_568 = tpu.vector_load %arg11[%swap3A_566, %swap3A_567] {strides = array<i32>} : memref<64x768xf32, #tpu.memory_space<vmem>>, vector<16xf32>,
      tpu.vector_store %arg11[%swap3A_566, %swap3A_567], %get3A_154 {strides = array<i32>} : memref<64x768xf32, #tpu.memory_space<vmem>>, vector<16xf32>,
      %swap3A_569 = arith.index_cast %scan3A_559 : i32 to index
      %swap3A_570 = arith.constant 176 : index
      %swap3A_571 = tpu.vector_load %arg11[%swap3A_569, %swap3A_570] {strides = array<i32>} : memref<64x768xf32, #tpu.memory_space<vmem>>, vector<16xf32>,
      tpu.vector_store %arg11[%swap3A_569, %swap3A_570], %get3A_159 {strides = array<i32>} : memref<64x768xf32, #tpu.memory_space<vmem>>, vector<16xf32>,
      %swap3A_572 = arith.index_cast %scan3A_559 : i32 to index
      %swap3A_573 = arith.constant 192 : index
      %swap3A_574 = tpu.vector_load %arg11[%swap3A_572, %swap3A_573] {strides = array<i32>} : memref<64x768xf32, #tpu.memory_space<vmem>>, vector<16xf32>,
      tpu.vector_store %arg11[%swap3A_572, %swap3A_573], %get3A_164 {strides = array<i32>} : memref<64x768xf32, #tpu.memory_space<vmem>>, vector<16xf32>,
      %swap3A_575 = arith.index_cast %scan3A_559 : i32 to index
      %swap3A_576 = arith.constant 208 : index
      %swap3A_577 = tpu.vector_load %arg11[%swap3A_575, %swap3A_576] {strides = array<i32>} : memref<64x768xf32, #tpu.memory_space<vmem>>, vector<16xf32>,
      tpu.vector_store %arg11[%swap3A_575, %swap3A_576], %get3A_169 {strides = array<i32>} : memref<64x768xf32, #tpu.memory_space<vmem>>, vector<16xf32>,
      %swap3A_578 = arith.index_cast %scan3A_559 : i32 to index
      %swap3A_579 = arith.constant 224 : index
      %swap3A_580 = tpu.vector_load %arg11[%swap3A_578, %swap3A_579] {strides = array<i32>} : memref<64x768xf32, #tpu.memory_space<vmem>>, vector<16xf32>,
      tpu.vector_store %arg11[%swap3A_578, %swap3A_579], %get3A_174 {strides = array<i32>} : memref<64x768xf32, #tpu.memory_space<vmem>>, vector<16xf32>,
      %swap3A_581 = arith.index_cast %scan3A_559 : i32 to index
      %swap3A_582 = arith.constant 240 : index
      %swap3A_583 = tpu.vector_load %arg11[%swap3A_581, %swap3A_582] {strides = array<i32>} : memref<64x768xf32, #tpu.memory_space<vmem>>, vector<16xf32>,
      tpu.vector_store %arg11[%swap3A_581, %swap3A_582], %get3A_179 {strides = array<i32>} : memref<64x768xf32, #tpu.memory_space<vmem>>, vector<16xf32>,
    }
    %scan3A_185 = arith.constant 64 : i32
    %sub3A_186 = arith.constant 1 : i32
    %sub3A_187 = arith.subi %add3A_95, %sub3A_186 : i32
    %get3A_188 = arith.index_cast %sub3A_187 : i32 to index
    %get3A_189 = arith.constant 256 : index
    %get3A_190 = tpu.vector_load %arg14[%get3A_188, %get3A_189] {strides = array<i32>} : memref<8x768xf32, #tpu.memory_space<vmem>>, vector<16xf32>,
    %sub3A_191 = arith.constant 1 : i32
    %sub3A_192 = arith.subi %add3A_95, %sub3A_191 : i32
    %get3A_193 = arith.index_cast %sub3A_192 : i32 to index
    %get3A_194 = arith.constant 272 : index
    %get3A_195 = tpu.vector_load %arg14[%get3A_193, %get3A_194] {strides = array<i32>} : memref<8x768xf32, #tpu.memory_space<vmem>>, vector<16xf32>,
    %sub3A_196 = arith.constant 1 : i32
    %sub3A_197 = arith.subi %add3A_95, %sub3A_196 : i32
    %get3A_198 = arith.index_cast %sub3A_197 : i32 to index
    %get3A_199 = arith.constant 288 : index
    %get3A_200 = tpu.vector_load %arg14[%get3A_198, %get3A_199] {strides = array<i32>} : memref<8x768xf32, #tpu.memory_space<vmem>>, vector<16xf32>,
    %sub3A_201 = arith.constant 1 : i32
    %sub3A_202 = arith.subi %add3A_95, %sub3A_201 : i32
    %get3A_203 = arith.index_cast %sub3A_202 : i32 to index
    %get3A_204 = arith.constant 304 : index
    %get3A_205 = tpu.vector_load %arg14[%get3A_203, %get3A_204] {strides = array<i32>} : memref<8x768xf32, #tpu.memory_space<vmem>>, vector<16xf32>,
    %sub3A_206 = arith.constant 1 : i32
    %sub3A_207 = arith.subi %add3A_95, %sub3A_206 : i32
    %get3A_208 = arith.index_cast %sub3A_207 : i32 to index
    %get3A_209 = arith.constant 320 : index
    %get3A_210 = tpu.vector_load %arg14[%get3A_208, %get3A_209] {strides = array<i32>} : memref<8x768xf32, #tpu.memory_space<vmem>>, vector<16xf32>,
    %sub3A_211 = arith.constant 1 : i32
    %sub3A_212 = arith.subi %add3A_95, %sub3A_211 : i32
    %get3A_213 = arith.index_cast %sub3A_212 : i32 to index
    %get3A_214 = arith.constant 336 : index
    %get3A_215 = tpu.vector_load %arg14[%get3A_213, %get3A_214] {strides = array<i32>} : memref<8x768xf32, #tpu.memory_space<vmem>>, vector<16xf32>,
    %sub3A_216 = arith.constant 1 : i32
    %sub3A_217 = arith.subi %add3A_95, %sub3A_216 : i32
    %get3A_218 = arith.index_cast %sub3A_217 : i32 to index
    %get3A_219 = arith.constant 352 : index
    %get3A_220 = tpu.vector_load %arg14[%get3A_218, %get3A_219] {strides = array<i32>} : memref<8x768xf32, #tpu.memory_space<vmem>>, vector<16xf32>,
    %sub3A_221 = arith.constant 1 : i32
    %sub3A_222 = arith.subi %add3A_95, %sub3A_221 : i32
    %get3A_223 = arith.index_cast %sub3A_222 : i32 to index
    %get3A_224 = arith.constant 368 : index
    %get3A_225 = tpu.vector_load %arg14[%get3A_223, %get3A_224] {strides = array<i32>} : memref<8x768xf32, #tpu.memory_space<vmem>>, vector<16xf32>,
    %scan3A_226 = arith.constant 0 : i32
    %scan3A_227 = arith.constant 0 : i32
    %scan3A_228 = arith.constant 64 : i32
    %scan3A_229 = arith.addi %scan3A_227, %scan3A_228 : i32
    %scan3A_230 = arith.constant 1 : i32
    scf.for %scan3A_559 = %scan3A_227 to %scan3A_229 step %scan3A_230  : i32 {
      %swap3A_560 = arith.index_cast %scan3A_559 : i32 to index
      %swap3A_561 = arith.constant 256 : index
      %swap3A_562 = tpu.vector_load %arg11[%swap3A_560, %swap3A_561] {strides = array<i32>} : memref<64x768xf32, #tpu.memory_space<vmem>>, vector<16xf32>,
      tpu.vector_store %arg11[%swap3A_560, %swap3A_561], %get3A_190 {strides = array<i32>} : memref<64x768xf32, #tpu.memory_space<vmem>>, vector<16xf32>,
      %swap3A_563 = arith.index_cast %scan3A_559 : i32 to index
      %swap3A_564 = arith.constant 272 : index
      %swap3A_565 = tpu.vector_load %arg11[%swap3A_563, %swap3A_564] {strides = array<i32>} : memref<64x768xf32, #tpu.memory_space<vmem>>, vector<16xf32>,
      tpu.vector_store %arg11[%swap3A_563, %swap3A_564], %get3A_195 {strides = array<i32>} : memref<64x768xf32, #tpu.memory_space<vmem>>, vector<16xf32>,
      %swap3A_566 = arith.index_cast %scan3A_559 : i32 to index
      %swap3A_567 = arith.constant 288 : index
      %swap3A_568 = tpu.vector_load %arg11[%swap3A_566, %swap3A_567] {strides = array<i32>} : memref<64x768xf32, #tpu.memory_space<vmem>>, vector<16xf32>,
      tpu.vector_store %arg11[%swap3A_566, %swap3A_567], %get3A_200 {strides = array<i32>} : memref<64x768xf32, #tpu.memory_space<vmem>>, vector<16xf32>,
      %swap3A_569 = arith.index_cast %scan3A_559 : i32 to index
      %swap3A_570 = arith.constant 304 : index
      %swap3A_571 = tpu.vector_load %arg11[%swap3A_569, %swap3A_570] {strides = array<i32>} : memref<64x768xf32, #tpu.memory_space<vmem>>, vector<16xf32>,
      tpu.vector_store %arg11[%swap3A_569, %swap3A_570], %get3A_205 {strides = array<i32>} : memref<64x768xf32, #tpu.memory_space<vmem>>, vector<16xf32>,
      %swap3A_572 = arith.index_cast %scan3A_559 : i32 to index
      %swap3A_573 = arith.constant 320 : index
      %swap3A_574 = tpu.vector_load %arg11[%swap3A_572, %swap3A_573] {strides = array<i32>} : memref<64x768xf32, #tpu.memory_space<vmem>>, vector<16xf32>,
      tpu.vector_store %arg11[%swap3A_572, %swap3A_573], %get3A_210 {strides = array<i32>} : memref<64x768xf32, #tpu.memory_space<vmem>>, vector<16xf32>,
      %swap3A_575 = arith.index_cast %scan3A_559 : i32 to index
      %swap3A_576 = arith.constant 336 : index
      %swap3A_577 = tpu.vector_load %arg11[%swap3A_575, %swap3A_576] {strides = array<i32>} : memref<64x768xf32, #tpu.memory_space<vmem>>, vector<16xf32>,
      tpu.vector_store %arg11[%swap3A_575, %swap3A_576], %get3A_215 {strides = array<i32>} : memref<64x768xf32, #tpu.memory_space<vmem>>, vector<16xf32>,
      %swap3A_578 = arith.index_cast %scan3A_559 : i32 to index
      %swap3A_579 = arith.constant 352 : index
      %swap3A_580 = tpu.vector_load %arg11[%swap3A_578, %swap3A_579] {strides = array<i32>} : memref<64x768xf32, #tpu.memory_space<vmem>>, vector<16xf32>,
      tpu.vector_store %arg11[%swap3A_578, %swap3A_579], %get3A_220 {strides = array<i32>} : memref<64x768xf32, #tpu.memory_space<vmem>>, vector<16xf32>,
      %swap3A_581 = arith.index_cast %scan3A_559 : i32 to index
      %swap3A_582 = arith.constant 368 : index
      %swap3A_583 = tpu.vector_load %arg11[%swap3A_581, %swap3A_582] {strides = array<i32>} : memref<64x768xf32, #tpu.memory_space<vmem>>, vector<16xf32>,
      tpu.vector_store %arg11[%swap3A_581, %swap3A_582], %get3A_225 {strides = array<i32>} : memref<64x768xf32, #tpu.memory_space<vmem>>, vector<16xf32>,
    }
    %scan3A_231 = arith.constant 64 : i32
    %sub3A_232 = arith.constant 1 : i32
    %sub3A_233 = arith.subi %add3A_95, %sub3A_232 : i32
    %get3A_234 = arith.index_cast %sub3A_233 : i32 to index
    %get3A_235 = arith.constant 384 : index
    %get3A_236 = tpu.vector_load %arg14[%get3A_234, %get3A_235] {strides = array<i32>} : memref<8x768xf32, #tpu.memory_space<vmem>>, vector<16xf32>,
    %sub3A_237 = arith.constant 1 : i32
    %sub3A_238 = arith.subi %add3A_95, %sub3A_237 : i32
    %get3A_239 = arith.index_cast %sub3A_238 : i32 to index
    %get3A_240 = arith.constant 400 : index
    %get3A_241 = tpu.vector_load %arg14[%get3A_239, %get3A_240] {strides = array<i32>} : memref<8x768xf32, #tpu.memory_space<vmem>>, vector<16xf32>,
    %sub3A_242 = arith.constant 1 : i32
    %sub3A_243 = arith.subi %add3A_95, %sub3A_242 : i32
    %get3A_244 = arith.index_cast %sub3A_243 : i32 to index
    %get3A_245 = arith.constant 416 : index
    %get3A_246 = tpu.vector_load %arg14[%get3A_244, %get3A_245] {strides = array<i32>} : memref<8x768xf32, #tpu.memory_space<vmem>>, vector<16xf32>,
    %sub3A_247 = arith.constant 1 : i32
    %sub3A_248 = arith.subi %add3A_95, %sub3A_247 : i32
    %get3A_249 = arith.index_cast %sub3A_248 : i32 to index
    %get3A_250 = arith.constant 432 : index
    %get3A_251 = tpu.vector_load %arg14[%get3A_249, %get3A_250] {strides = array<i32>} : memref<8x768xf32, #tpu.memory_space<vmem>>, vector<16xf32>,
    %sub3A_252 = arith.constant 1 : i32
    %sub3A_253 = arith.subi %add3A_95, %sub3A_252 : i32
    %get3A_254 = arith.index_cast %sub3A_253 : i32 to index
    %get3A_255 = arith.constant 448 : index
    %get3A_256 = tpu.vector_load %arg14[%get3A_254, %get3A_255] {strides = array<i32>} : memref<8x768xf32, #tpu.memory_space<vmem>>, vector<16xf32>,
    %sub3A_257 = arith.constant 1 : i32
    %sub3A_258 = arith.subi %add3A_95, %sub3A_257 : i32
    %get3A_259 = arith.index_cast %sub3A_258 : i32 to index
    %get3A_260 = arith.constant 464 : index
    %get3A_261 = tpu.vector_load %arg14[%get3A_259, %get3A_260] {strides = array<i32>} : memref<8x768xf32, #tpu.memory_space<vmem>>, vector<16xf32>,
    %sub3A_262 = arith.constant 1 : i32
    %sub3A_263 = arith.subi %add3A_95, %sub3A_262 : i32
    %get3A_264 = arith.index_cast %sub3A_263 : i32 to index
    %get3A_265 = arith.constant 480 : index
    %get3A_266 = tpu.vector_load %arg14[%get3A_264, %get3A_265] {strides = array<i32>} : memref<8x768xf32, #tpu.memory_space<vmem>>, vector<16xf32>,
    %sub3A_267 = arith.constant 1 : i32
    %sub3A_268 = arith.subi %add3A_95, %sub3A_267 : i32
    %get3A_269 = arith.index_cast %sub3A_268 : i32 to index
    %get3A_270 = arith.constant 496 : index
    %get3A_271 = tpu.vector_load %arg14[%get3A_269, %get3A_270] {strides = array<i32>} : memref<8x768xf32, #tpu.memory_space<vmem>>, vector<16xf32>,
    %scan3A_272 = arith.constant 0 : i32
    %scan3A_273 = arith.constant 0 : i32
    %scan3A_274 = arith.constant 64 : i32
    %scan3A_275 = arith.addi %scan3A_273, %scan3A_274 : i32
    %scan3A_276 = arith.constant 1 : i32
    scf.for %scan3A_559 = %scan3A_273 to %scan3A_275 step %scan3A_276  : i32 {
      %swap3A_560 = arith.index_cast %scan3A_559 : i32 to index
      %swap3A_561 = arith.constant 384 : index
      %swap3A_562 = tpu.vector_load %arg11[%swap3A_560, %swap3A_561] {strides = array<i32>} : memref<64x768xf32, #tpu.memory_space<vmem>>, vector<16xf32>,
      tpu.vector_store %arg11[%swap3A_560, %swap3A_561], %get3A_236 {strides = array<i32>} : memref<64x768xf32, #tpu.memory_space<vmem>>, vector<16xf32>,
      %swap3A_563 = arith.index_cast %scan3A_559 : i32 to index
      %swap3A_564 = arith.constant 400 : index
      %swap3A_565 = tpu.vector_load %arg11[%swap3A_563, %swap3A_564] {strides = array<i32>} : memref<64x768xf32, #tpu.memory_space<vmem>>, vector<16xf32>,
      tpu.vector_store %arg11[%swap3A_563, %swap3A_564], %get3A_241 {strides = array<i32>} : memref<64x768xf32, #tpu.memory_space<vmem>>, vector<16xf32>,
      %swap3A_566 = arith.index_cast %scan3A_559 : i32 to index
      %swap3A_567 = arith.constant 416 : index
      %swap3A_568 = tpu.vector_load %arg11[%swap3A_566, %swap3A_567] {strides = array<i32>} : memref<64x768xf32, #tpu.memory_space<vmem>>, vector<16xf32>,
      tpu.vector_store %arg11[%swap3A_566, %swap3A_567], %get3A_246 {strides = array<i32>} : memref<64x768xf32, #tpu.memory_space<vmem>>, vector<16xf32>,
      %swap3A_569 = arith.index_cast %scan3A_559 : i32 to index
      %swap3A_570 = arith.constant 432 : index
      %swap3A_571 = tpu.vector_load %arg11[%swap3A_569, %swap3A_570] {strides = array<i32>} : memref<64x768xf32, #tpu.memory_space<vmem>>, vector<16xf32>,
      tpu.vector_store %arg11[%swap3A_569, %swap3A_570], %get3A_251 {strides = array<i32>} : memref<64x768xf32, #tpu.memory_space<vmem>>, vector<16xf32>,
      %swap3A_572 = arith.index_cast %scan3A_559 : i32 to index
      %swap3A_573 = arith.constant 448 : index
      %swap3A_574 = tpu.vector_load %arg11[%swap3A_572, %swap3A_573] {strides = array<i32>} : memref<64x768xf32, #tpu.memory_space<vmem>>, vector<16xf32>,
      tpu.vector_store %arg11[%swap3A_572, %swap3A_573], %get3A_256 {strides = array<i32>} : memref<64x768xf32, #tpu.memory_space<vmem>>, vector<16xf32>,
      %swap3A_575 = arith.index_cast %scan3A_559 : i32 to index
      %swap3A_576 = arith.constant 464 : index
      %swap3A_577 = tpu.vector_load %arg11[%swap3A_575, %swap3A_576] {strides = array<i32>} : memref<64x768xf32, #tpu.memory_space<vmem>>, vector<16xf32>,
      tpu.vector_store %arg11[%swap3A_575, %swap3A_576], %get3A_261 {strides = array<i32>} : memref<64x768xf32, #tpu.memory_space<vmem>>, vector<16xf32>,
      %swap3A_578 = arith.index_cast %scan3A_559 : i32 to index
      %swap3A_579 = arith.constant 480 : index
      %swap3A_580 = tpu.vector_load %arg11[%swap3A_578, %swap3A_579] {strides = array<i32>} : memref<64x768xf32, #tpu.memory_space<vmem>>, vector<16xf32>,
      tpu.vector_store %arg11[%swap3A_578, %swap3A_579], %get3A_266 {strides = array<i32>} : memref<64x768xf32, #tpu.memory_space<vmem>>, vector<16xf32>,
      %swap3A_581 = arith.index_cast %scan3A_559 : i32 to index
      %swap3A_582 = arith.constant 496 : index
      %swap3A_583 = tpu.vector_load %arg11[%swap3A_581, %swap3A_582] {strides = array<i32>} : memref<64x768xf32, #tpu.memory_space<vmem>>, vector<16xf32>,
      tpu.vector_store %arg11[%swap3A_581, %swap3A_582], %get3A_271 {strides = array<i32>} : memref<64x768xf32, #tpu.memory_space<vmem>>, vector<16xf32>,
    }
    %scan3A_277 = arith.constant 64 : i32
    %sub3A_278 = arith.constant 1 : i32
    %sub3A_279 = arith.subi %add3A_95, %sub3A_278 : i32
    %get3A_280 = arith.index_cast %sub3A_279 : i32 to index
    %get3A_281 = arith.constant 512 : index
    %get3A_282 = tpu.vector_load %arg14[%get3A_280, %get3A_281] {strides = array<i32>} : memref<8x768xf32, #tpu.memory_space<vmem>>, vector<16xf32>,
    %sub3A_283 = arith.constant 1 : i32
    %sub3A_284 = arith.subi %add3A_95, %sub3A_283 : i32
    %get3A_285 = arith.index_cast %sub3A_284 : i32 to index
    %get3A_286 = arith.constant 528 : index
    %get3A_287 = tpu.vector_load %arg14[%get3A_285, %get3A_286] {strides = array<i32>} : memref<8x768xf32, #tpu.memory_space<vmem>>, vector<16xf32>,
    %sub3A_288 = arith.constant 1 : i32
    %sub3A_289 = arith.subi %add3A_95, %sub3A_288 : i32
    %get3A_290 = arith.index_cast %sub3A_289 : i32 to index
    %get3A_291 = arith.constant 544 : index
    %get3A_292 = tpu.vector_load %arg14[%get3A_290, %get3A_291] {strides = array<i32>} : memref<8x768xf32, #tpu.memory_space<vmem>>, vector<16xf32>,
    %sub3A_293 = arith.constant 1 : i32
    %sub3A_294 = arith.subi %add3A_95, %sub3A_293 : i32
    %get3A_295 = arith.index_cast %sub3A_294 : i32 to index
    %get3A_296 = arith.constant 560 : index
    %get3A_297 = tpu.vector_load %arg14[%get3A_295, %get3A_296] {strides = array<i32>} : memref<8x768xf32, #tpu.memory_space<vmem>>, vector<16xf32>,
    %sub3A_298 = arith.constant 1 : i32
    %sub3A_299 = arith.subi %add3A_95, %sub3A_298 : i32
    %get3A_300 = arith.index_cast %sub3A_299 : i32 to index
    %get3A_301 = arith.constant 576 : index
    %get3A_302 = tpu.vector_load %arg14[%get3A_300, %get3A_301] {strides = array<i32>} : memref<8x768xf32, #tpu.memory_space<vmem>>, vector<16xf32>,
    %sub3A_303 = arith.constant 1 : i32
    %sub3A_304 = arith.subi %add3A_95, %sub3A_303 : i32
    %get3A_305 = arith.index_cast %sub3A_304 : i32 to index
    %get3A_306 = arith.constant 592 : index
    %get3A_307 = tpu.vector_load %arg14[%get3A_305, %get3A_306] {strides = array<i32>} : memref<8x768xf32, #tpu.memory_space<vmem>>, vector<16xf32>,
    %sub3A_308 = arith.constant 1 : i32
    %sub3A_309 = arith.subi %add3A_95, %sub3A_308 : i32
    %get3A_310 = arith.index_cast %sub3A_309 : i32 to index
    %get3A_311 = arith.constant 608 : index
    %get3A_312 = tpu.vector_load %arg14[%get3A_310, %get3A_311] {strides = array<i32>} : memref<8x768xf32, #tpu.memory_space<vmem>>, vector<16xf32>,
    %sub3A_313 = arith.constant 1 : i32
    %sub3A_314 = arith.subi %add3A_95, %sub3A_313 : i32
    %get3A_315 = arith.index_cast %sub3A_314 : i32 to index
    %get3A_316 = arith.constant 624 : index
    %get3A_317 = tpu.vector_load %arg14[%get3A_315, %get3A_316] {strides = array<i32>} : memref<8x768xf32, #tpu.memory_space<vmem>>, vector<16xf32>,
    %scan3A_318 = arith.constant 0 : i32
    %scan3A_319 = arith.constant 0 : i32
    %scan3A_320 = arith.constant 64 : i32
    %scan3A_321 = arith.addi %scan3A_319, %scan3A_320 : i32
    %scan3A_322 = arith.constant 1 : i32
    scf.for %scan3A_559 = %scan3A_319 to %scan3A_321 step %scan3A_322  : i32 {
      %swap3A_560 = arith.index_cast %scan3A_559 : i32 to index
      %swap3A_561 = arith.constant 512 : index
      %swap3A_562 = tpu.vector_load %arg11[%swap3A_560, %swap3A_561] {strides = array<i32>} : memref<64x768xf32, #tpu.memory_space<vmem>>, vector<16xf32>,
      tpu.vector_store %arg11[%swap3A_560, %swap3A_561], %get3A_282 {strides = array<i32>} : memref<64x768xf32, #tpu.memory_space<vmem>>, vector<16xf32>,
      %swap3A_563 = arith.index_cast %scan3A_559 : i32 to index
      %swap3A_564 = arith.constant 528 : index
      %swap3A_565 = tpu.vector_load %arg11[%swap3A_563, %swap3A_564] {strides = array<i32>} : memref<64x768xf32, #tpu.memory_space<vmem>>, vector<16xf32>,
      tpu.vector_store %arg11[%swap3A_563, %swap3A_564], %get3A_287 {strides = array<i32>} : memref<64x768xf32, #tpu.memory_space<vmem>>, vector<16xf32>,
      %swap3A_566 = arith.index_cast %scan3A_559 : i32 to index
      %swap3A_567 = arith.constant 544 : index
      %swap3A_568 = tpu.vector_load %arg11[%swap3A_566, %swap3A_567] {strides = array<i32>} : memref<64x768xf32, #tpu.memory_space<vmem>>, vector<16xf32>,
      tpu.vector_store %arg11[%swap3A_566, %swap3A_567], %get3A_292 {strides = array<i32>} : memref<64x768xf32, #tpu.memory_space<vmem>>, vector<16xf32>,
      %swap3A_569 = arith.index_cast %scan3A_559 : i32 to index
      %swap3A_570 = arith.constant 560 : index
      %swap3A_571 = tpu.vector_load %arg11[%swap3A_569, %swap3A_570] {strides = array<i32>} : memref<64x768xf32, #tpu.memory_space<vmem>>, vector<16xf32>,
      tpu.vector_store %arg11[%swap3A_569, %swap3A_570], %get3A_297 {strides = array<i32>} : memref<64x768xf32, #tpu.memory_space<vmem>>, vector<16xf32>,
      %swap3A_572 = arith.index_cast %scan3A_559 : i32 to index
      %swap3A_573 = arith.constant 576 : index
      %swap3A_574 = tpu.vector_load %arg11[%swap3A_572, %swap3A_573] {strides = array<i32>} : memref<64x768xf32, #tpu.memory_space<vmem>>, vector<16xf32>,
      tpu.vector_store %arg11[%swap3A_572, %swap3A_573], %get3A_302 {strides = array<i32>} : memref<64x768xf32, #tpu.memory_space<vmem>>, vector<16xf32>,
      %swap3A_575 = arith.index_cast %scan3A_559 : i32 to index
      %swap3A_576 = arith.constant 592 : index
      %swap3A_577 = tpu.vector_load %arg11[%swap3A_575, %swap3A_576] {strides = array<i32>} : memref<64x768xf32, #tpu.memory_space<vmem>>, vector<16xf32>,
      tpu.vector_store %arg11[%swap3A_575, %swap3A_576], %get3A_307 {strides = array<i32>} : memref<64x768xf32, #tpu.memory_space<vmem>>, vector<16xf32>,
      %swap3A_578 = arith.index_cast %scan3A_559 : i32 to index
      %swap3A_579 = arith.constant 608 : index
      %swap3A_580 = tpu.vector_load %arg11[%swap3A_578, %swap3A_579] {strides = array<i32>} : memref<64x768xf32, #tpu.memory_space<vmem>>, vector<16xf32>,
      tpu.vector_store %arg11[%swap3A_578, %swap3A_579], %get3A_312 {strides = array<i32>} : memref<64x768xf32, #tpu.memory_space<vmem>>, vector<16xf32>,
      %swap3A_581 = arith.index_cast %scan3A_559 : i32 to index
      %swap3A_582 = arith.constant 624 : index
      %swap3A_583 = tpu.vector_load %arg11[%swap3A_581, %swap3A_582] {strides = array<i32>} : memref<64x768xf32, #tpu.memory_space<vmem>>, vector<16xf32>,
      tpu.vector_store %arg11[%swap3A_581, %swap3A_582], %get3A_317 {strides = array<i32>} : memref<64x768xf32, #tpu.memory_space<vmem>>, vector<16xf32>,
    }
    %scan3A_323 = arith.constant 64 : i32
    %sub3A_324 = arith.constant 1 : i32
    %sub3A_325 = arith.subi %add3A_95, %sub3A_324 : i32
    %get3A_326 = arith.index_cast %sub3A_325 : i32 to index
    %get3A_327 = arith.constant 640 : index
    %get3A_328 = tpu.vector_load %arg14[%get3A_326, %get3A_327] {strides = array<i32>} : memref<8x768xf32, #tpu.memory_space<vmem>>, vector<16xf32>,
    %sub3A_329 = arith.constant 1 : i32
    %sub3A_330 = arith.subi %add3A_95, %sub3A_329 : i32
    %get3A_331 = arith.index_cast %sub3A_330 : i32 to index
    %get3A_332 = arith.constant 656 : index
    %get3A_333 = tpu.vector_load %arg14[%get3A_331, %get3A_332] {strides = array<i32>} : memref<8x768xf32, #tpu.memory_space<vmem>>, vector<16xf32>,
    %sub3A_334 = arith.constant 1 : i32
    %sub3A_335 = arith.subi %add3A_95, %sub3A_334 : i32
    %get3A_336 = arith.index_cast %sub3A_335 : i32 to index
    %get3A_337 = arith.constant 672 : index
    %get3A_338 = tpu.vector_load %arg14[%get3A_336, %get3A_337] {strides = array<i32>} : memref<8x768xf32, #tpu.memory_space<vmem>>, vector<16xf32>,
    %sub3A_339 = arith.constant 1 : i32
    %sub3A_340 = arith.subi %add3A_95, %sub3A_339 : i32
    %get3A_341 = arith.index_cast %sub3A_340 : i32 to index
    %get3A_342 = arith.constant 688 : index
    %get3A_343 = tpu.vector_load %arg14[%get3A_341, %get3A_342] {strides = array<i32>} : memref<8x768xf32, #tpu.memory_space<vmem>>, vector<16xf32>,
    %sub3A_344 = arith.constant 1 : i32
    %sub3A_345 = arith.subi %add3A_95, %sub3A_344 : i32
    %get3A_346 = arith.index_cast %sub3A_345 : i32 to index
    %get3A_347 = arith.constant 704 : index
    %get3A_348 = tpu.vector_load %arg14[%get3A_346, %get3A_347] {strides = array<i32>} : memref<8x768xf32, #tpu.memory_space<vmem>>, vector<16xf32>,
    %sub3A_349 = arith.constant 1 : i32
    %sub3A_350 = arith.subi %add3A_95, %sub3A_349 : i32
    %get3A_351 = arith.index_cast %sub3A_350 : i32 to index
    %get3A_352 = arith.constant 720 : index
    %get3A_353 = tpu.vector_load %arg14[%get3A_351, %get3A_352] {strides = array<i32>} : memref<8x768xf32, #tpu.memory_space<vmem>>, vector<16xf32>,
    %sub3A_354 = arith.constant 1 : i32
    %sub3A_355 = arith.subi %add3A_95, %sub3A_354 : i32
    %get3A_356 = arith.index_cast %sub3A_355 : i32 to index
    %get3A_357 = arith.constant 736 : index
    %get3A_358 = tpu.vector_load %arg14[%get3A_356, %get3A_357] {strides = array<i32>} : memref<8x768xf32, #tpu.memory_space<vmem>>, vector<16xf32>,
    %sub3A_359 = arith.constant 1 : i32
    %sub3A_360 = arith.subi %add3A_95, %sub3A_359 : i32
    %get3A_361 = arith.index_cast %sub3A_360 : i32 to index
    %get3A_362 = arith.constant 752 : index
    %get3A_363 = tpu.vector_load %arg14[%get3A_361, %get3A_362] {strides = array<i32>} : memref<8x768xf32, #tpu.memory_space<vmem>>, vector<16xf32>,
    %scan3A_364 = arith.constant 0 : i32
    %scan3A_365 = arith.constant 0 : i32
    %scan3A_366 = arith.constant 64 : i32
    %scan3A_367 = arith.addi %scan3A_365, %scan3A_366 : i32
    %scan3A_368 = arith.constant 1 : i32
    scf.for %scan3A_559 = %scan3A_365 to %scan3A_367 step %scan3A_368  : i32 {
      %swap3A_560 = arith.index_cast %scan3A_559 : i32 to index
      %swap3A_561 = arith.constant 640 : index
      %swap3A_562 = tpu.vector_load %arg11[%swap3A_560, %swap3A_561] {strides = array<i32>} : memref<64x768xf32, #tpu.memory_space<vmem>>, vector<16xf32>,
      tpu.vector_store %arg11[%swap3A_560, %swap3A_561], %get3A_328 {strides = array<i32>} : memref<64x768xf32, #tpu.memory_space<vmem>>, vector<16xf32>,
      %swap3A_563 = arith.index_cast %scan3A_559 : i32 to index
      %swap3A_564 = arith.constant 656 : index
      %swap3A_565 = tpu.vector_load %arg11[%swap3A_563, %swap3A_564] {strides = array<i32>} : memref<64x768xf32, #tpu.memory_space<vmem>>, vector<16xf32>,
      tpu.vector_store %arg11[%swap3A_563, %swap3A_564], %get3A_333 {strides = array<i32>} : memref<64x768xf32, #tpu.memory_space<vmem>>, vector<16xf32>,
      %swap3A_566 = arith.index_cast %scan3A_559 : i32 to index
      %swap3A_567 = arith.constant 672 : index
      %swap3A_568 = tpu.vector_load %arg11[%swap3A_566, %swap3A_567] {strides = array<i32>} : memref<64x768xf32, #tpu.memory_space<vmem>>, vector<16xf32>,
      tpu.vector_store %arg11[%swap3A_566, %swap3A_567], %get3A_338 {strides = array<i32>} : memref<64x768xf32, #tpu.memory_space<vmem>>, vector<16xf32>,
      %swap3A_569 = arith.index_cast %scan3A_559 : i32 to index
      %swap3A_570 = arith.constant 688 : index
      %swap3A_571 = tpu.vector_load %arg11[%swap3A_569, %swap3A_570] {strides = array<i32>} : memref<64x768xf32, #tpu.memory_space<vmem>>, vector<16xf32>,
      tpu.vector_store %arg11[%swap3A_569, %swap3A_570], %get3A_343 {strides = array<i32>} : memref<64x768xf32, #tpu.memory_space<vmem>>, vector<16xf32>,
      %swap3A_572 = arith.index_cast %scan3A_559 : i32 to index
      %swap3A_573 = arith.constant 704 : index
      %swap3A_574 = tpu.vector_load %arg11[%swap3A_572, %swap3A_573] {strides = array<i32>} : memref<64x768xf32, #tpu.memory_space<vmem>>, vector<16xf32>,
      tpu.vector_store %arg11[%swap3A_572, %swap3A_573], %get3A_348 {strides = array<i32>} : memref<64x768xf32, #tpu.memory_space<vmem>>, vector<16xf32>,
      %swap3A_575 = arith.index_cast %scan3A_559 : i32 to index
      %swap3A_576 = arith.constant 720 : index
      %swap3A_577 = tpu.vector_load %arg11[%swap3A_575, %swap3A_576] {strides = array<i32>} : memref<64x768xf32, #tpu.memory_space<vmem>>, vector<16xf32>,
      tpu.vector_store %arg11[%swap3A_575, %swap3A_576], %get3A_353 {strides = array<i32>} : memref<64x768xf32, #tpu.memory_space<vmem>>, vector<16xf32>,
      %swap3A_578 = arith.index_cast %scan3A_559 : i32 to index
      %swap3A_579 = arith.constant 736 : index
      %swap3A_580 = tpu.vector_load %arg11[%swap3A_578, %swap3A_579] {strides = array<i32>} : memref<64x768xf32, #tpu.memory_space<vmem>>, vector<16xf32>,
      tpu.vector_store %arg11[%swap3A_578, %swap3A_579], %get3A_358 {strides = array<i32>} : memref<64x768xf32, #tpu.memory_space<vmem>>, vector<16xf32>,
      %swap3A_581 = arith.index_cast %scan3A_559 : i32 to index
      %swap3A_582 = arith.constant 752 : index
      %swap3A_583 = tpu.vector_load %arg11[%swap3A_581, %swap3A_582] {strides = array<i32>} : memref<64x768xf32, #tpu.memory_space<vmem>>, vector<16xf32>,
      tpu.vector_store %arg11[%swap3A_581, %swap3A_582], %get3A_363 {strides = array<i32>} : memref<64x768xf32, #tpu.memory_space<vmem>>, vector<16xf32>,
    }
    %scan3A_369 = arith.constant 64 : i32
    %jit3A_370 = arith.constant 8 : i32
    %div3A_371 = arith.divsi %add3A, %jit3A_370 : i32
    %sign3A_372 = arith.constant 0 : i32
    %sign3A_373 = arith.cmpi sgt, %add3A, %sign3A_372 : i32
    %sign3A_374 = arith.extui %sign3A_373 : i1 to i32
    %sign3A_375 = arith.constant 0 : i32
    %sign3A_376 = arith.cmpi slt, %add3A, %sign3A_375 : i32
    %sign3A_377 = arith.extui %sign3A_376 : i1 to i32
    %sign3A_378 = arith.subi %sign3A_374, %sign3A_377 : i32
    %sign3A_379 = arith.constant 0 : i32
    %sign3A_380 = arith.cmpi sgt, %jit3A_370, %sign3A_379 : i32
    %sign3A_381 = arith.extui %sign3A_380 : i1 to i32
    %sign3A_382 = arith.constant 0 : i32
    %sign3A_383 = arith.cmpi slt, %jit3A_370, %sign3A_382 : i32
    %sign3A_384 = arith.extui %sign3A_383 : i1 to i32
    %sign3A_385 = arith.subi %sign3A_381, %sign3A_384 : i32
    %ne3A_386 = arith.cmpi ne, %sign3A_378, %sign3A_385 : i32
    %rem3A_387 = arith.remsi %add3A, %jit3A_370 : i32
    %ne3A_388 = arith.constant 0 : i32
    %ne3A_389 = arith.cmpi ne, %rem3A_387, %ne3A_388 : i32
    %and3A_390 = arith.andi %ne3A_386, %ne3A_389 : i1
    %sub3A_391 = arith.constant 1 : i32
    %sub3A_392 = arith.subi %div3A_371, %sub3A_391 : i32
    %select_n3A_393 = arith.select %and3A_390, %sub3A_392, %div3A_371 : i32
    %mul3A_394 = arith.constant 4 : i32
    %mul3A_395 = arith.muli %select_n3A_393, %mul3A_394 : i32
    %add3A_396 = arith.constant 0 : i32
    %add3A_397 = arith.addi %mul3A_395, %add3A_396 : i32
    %mul3A_398 = arith.constant 64 : i32
    %mul3A_399 = arith.muli %add3A_397, %mul3A_398 : i32
    %multiple_of3A_400 = tpu.assume_multiple %mul3A_399, 8 : i32
    %dma_start3A_401 = arith.constant 0 : i32
    %dma_start3A_402 = tpu.memref_slice %arg6[%add3A_95, %multiple_of3A_400, %dma_start3A_401] : memref<76x1024x768xf32, #tpu.memory_space<hbm>> -> memref<1x64x768xf32, #tpu.memory_space<hbm>>
    %dma_start3A_403 = tpu.memref_squeeze %dma_start3A_402 : memref<1x64x768xf32, #tpu.memory_space<hbm>> -> memref<64x768xf32, #tpu.memory_space<hbm>>
    %dma_start3A_404 = arith.constant 0 : i32
    %dma_start3A_405 = tpu.memref_slice %arg6[%add3A_95, %multiple_of3A_400, %dma_start3A_404] : memref<76x1024x768xf32, #tpu.memory_space<hbm>> -> memref<1x64x768xf32, #tpu.memory_space<hbm>>
    %dma_start3A_406 = tpu.memref_squeeze %dma_start3A_405 : memref<1x64x768xf32, #tpu.memory_space<hbm>> -> memref<64x768xf32, #tpu.memory_space<hbm>>
    tpu.enqueue_dma source(%arg11 : memref<64x768xf32, #tpu.memory_space<vmem>>) target(%dma_start3A_406 : memref<64x768xf32, #tpu.memory_space<hbm>>) target_semaphore(%arg18 : memref<!tpu.dma_semaphore, #tpu.memory_space<semaphore_mem>>)
    %jit3A_407 = arith.constant 8 : i32
    %div3A_408 = arith.divsi %add3A, %jit3A_407 : i32
    %sign3A_409 = arith.constant 0 : i32
    %sign3A_410 = arith.cmpi sgt, %add3A, %sign3A_409 : i32
    %sign3A_411 = arith.extui %sign3A_410 : i1 to i32
    %sign3A_412 = arith.constant 0 : i32
    %sign3A_413 = arith.cmpi slt, %add3A, %sign3A_412 : i32
    %sign3A_414 = arith.extui %sign3A_413 : i1 to i32
    %sign3A_415 = arith.subi %sign3A_411, %sign3A_414 : i32
    %sign3A_416 = arith.constant 0 : i32
    %sign3A_417 = arith.cmpi sgt, %jit3A_407, %sign3A_416 : i32
    %sign3A_418 = arith.extui %sign3A_417 : i1 to i32
    %sign3A_419 = arith.constant 0 : i32
    %sign3A_420 = arith.cmpi slt, %jit3A_407, %sign3A_419 : i32
    %sign3A_421 = arith.extui %sign3A_420 : i1 to i32
    %sign3A_422 = arith.subi %sign3A_418, %sign3A_421 : i32
    %ne3A_423 = arith.cmpi ne, %sign3A_415, %sign3A_422 : i32
    %rem3A_424 = arith.remsi %add3A, %jit3A_407 : i32
    %ne3A_425 = arith.constant 0 : i32
    %ne3A_426 = arith.cmpi ne, %rem3A_424, %ne3A_425 : i32
    %and3A_427 = arith.andi %ne3A_423, %ne3A_426 : i1
    %sub3A_428 = arith.constant 1 : i32
    %sub3A_429 = arith.subi %div3A_408, %sub3A_428 : i32
    %select_n3A_430 = arith.select %and3A_427, %sub3A_429, %div3A_408 : i32
    %mul3A_431 = arith.constant 4 : i32
    %mul3A_432 = arith.muli %select_n3A_430, %mul3A_431 : i32
    %add3A_433 = arith.constant 1 : i32
    %add3A_434 = arith.addi %mul3A_432, %add3A_433 : i32
    %mul3A_435 = arith.constant 64 : i32
    %mul3A_436 = arith.muli %add3A_434, %mul3A_435 : i32
    %multiple_of3A_437 = tpu.assume_multiple %mul3A_436, 8 : i32
    %dma_start3A_438 = arith.constant 0 : i32
    %dma_start3A_439 = tpu.memref_slice %arg6[%add3A_95, %multiple_of3A_437, %dma_start3A_438] : memref<76x1024x768xf32, #tpu.memory_space<hbm>> -> memref<1x64x768xf32, #tpu.memory_space<hbm>>
    %dma_start3A_440 = tpu.memref_squeeze %dma_start3A_439 : memref<1x64x768xf32, #tpu.memory_space<hbm>> -> memref<64x768xf32, #tpu.memory_space<hbm>>
    %dma_start3A_441 = arith.constant 0 : i32
    %dma_start3A_442 = tpu.memref_slice %arg6[%add3A_95, %multiple_of3A_437, %dma_start3A_441] : memref<76x1024x768xf32, #tpu.memory_space<hbm>> -> memref<1x64x768xf32, #tpu.memory_space<hbm>>
    %dma_start3A_443 = tpu.memref_squeeze %dma_start3A_442 : memref<1x64x768xf32, #tpu.memory_space<hbm>> -> memref<64x768xf32, #tpu.memory_space<hbm>>
    tpu.enqueue_dma source(%arg11 : memref<64x768xf32, #tpu.memory_space<vmem>>) target(%dma_start3A_443 : memref<64x768xf32, #tpu.memory_space<hbm>>) target_semaphore(%arg18 : memref<!tpu.dma_semaphore, #tpu.memory_space<semaphore_mem>>)
    %jit3A_444 = arith.constant 8 : i32
    %div3A_445 = arith.divsi %add3A, %jit3A_444 : i32
    %sign3A_446 = arith.constant 0 : i32
    %sign3A_447 = arith.cmpi sgt, %add3A, %sign3A_446 : i32
    %sign3A_448 = arith.extui %sign3A_447 : i1 to i32
    %sign3A_449 = arith.constant 0 : i32
    %sign3A_450 = arith.cmpi slt, %add3A, %sign3A_449 : i32
    %sign3A_451 = arith.extui %sign3A_450 : i1 to i32
    %sign3A_452 = arith.subi %sign3A_448, %sign3A_451 : i32
    %sign3A_453 = arith.constant 0 : i32
    %sign3A_454 = arith.cmpi sgt, %jit3A_444, %sign3A_453 : i32
    %sign3A_455 = arith.extui %sign3A_454 : i1 to i32
    %sign3A_456 = arith.constant 0 : i32
    %sign3A_457 = arith.cmpi slt, %jit3A_444, %sign3A_456 : i32
    %sign3A_458 = arith.extui %sign3A_457 : i1 to i32
    %sign3A_459 = arith.subi %sign3A_455, %sign3A_458 : i32
    %ne3A_460 = arith.cmpi ne, %sign3A_452, %sign3A_459 : i32
    %rem3A_461 = arith.remsi %add3A, %jit3A_444 : i32
    %ne3A_462 = arith.constant 0 : i32
    %ne3A_463 = arith.cmpi ne, %rem3A_461, %ne3A_462 : i32
    %and3A_464 = arith.andi %ne3A_460, %ne3A_463 : i1
    %sub3A_465 = arith.constant 1 : i32
    %sub3A_466 = arith.subi %div3A_445, %sub3A_465 : i32
    %select_n3A_467 = arith.select %and3A_464, %sub3A_466, %div3A_445 : i32
    %mul3A_468 = arith.constant 4 : i32
    %mul3A_469 = arith.muli %select_n3A_467, %mul3A_468 : i32
    %add3A_470 = arith.constant 2 : i32
    %add3A_471 = arith.addi %mul3A_469, %add3A_470 : i32
    %mul3A_472 = arith.constant 64 : i32
    %mul3A_473 = arith.muli %add3A_471, %mul3A_472 : i32
    %multiple_of3A_474 = tpu.assume_multiple %mul3A_473, 8 : i32
    %dma_start3A_475 = arith.constant 0 : i32
    %dma_start3A_476 = tpu.memref_slice %arg6[%add3A_95, %multiple_of3A_474, %dma_start3A_475] : memref<76x1024x768xf32, #tpu.memory_space<hbm>> -> memref<1x64x768xf32, #tpu.memory_space<hbm>>
    %dma_start3A_477 = tpu.memref_squeeze %dma_start3A_476 : memref<1x64x768xf32, #tpu.memory_space<hbm>> -> memref<64x768xf32, #tpu.memory_space<hbm>>
    %dma_start3A_478 = arith.constant 0 : i32
    %dma_start3A_479 = tpu.memref_slice %arg6[%add3A_95, %multiple_of3A_474, %dma_start3A_478] : memref<76x1024x768xf32, #tpu.memory_space<hbm>> -> memref<1x64x768xf32, #tpu.memory_space<hbm>>
    %dma_start3A_480 = tpu.memref_squeeze %dma_start3A_479 : memref<1x64x768xf32, #tpu.memory_space<hbm>> -> memref<64x768xf32, #tpu.memory_space<hbm>>
    tpu.enqueue_dma source(%arg11 : memref<64x768xf32, #tpu.memory_space<vmem>>) target(%dma_start3A_480 : memref<64x768xf32, #tpu.memory_space<hbm>>) target_semaphore(%arg18 : memref<!tpu.dma_semaphore, #tpu.memory_space<semaphore_mem>>)
    %jit3A_481 = arith.constant 8 : i32
    %div3A_482 = arith.divsi %add3A, %jit3A_481 : i32
    %sign3A_483 = arith.constant 0 : i32
    %sign3A_484 = arith.cmpi sgt, %add3A, %sign3A_483 : i32
    %sign3A_485 = arith.extui %sign3A_484 : i1 to i32
    %sign3A_486 = arith.constant 0 : i32
    %sign3A_487 = arith.cmpi slt, %add3A, %sign3A_486 : i32
    %sign3A_488 = arith.extui %sign3A_487 : i1 to i32
    %sign3A_489 = arith.subi %sign3A_485, %sign3A_488 : i32
    %sign3A_490 = arith.constant 0 : i32
    %sign3A_491 = arith.cmpi sgt, %jit3A_481, %sign3A_490 : i32
    %sign3A_492 = arith.extui %sign3A_491 : i1 to i32
    %sign3A_493 = arith.constant 0 : i32
    %sign3A_494 = arith.cmpi slt, %jit3A_481, %sign3A_493 : i32
    %sign3A_495 = arith.extui %sign3A_494 : i1 to i32
    %sign3A_496 = arith.subi %sign3A_492, %sign3A_495 : i32
    %ne3A_497 = arith.cmpi ne, %sign3A_489, %sign3A_496 : i32
    %rem3A_498 = arith.remsi %add3A, %jit3A_481 : i32
    %ne3A_499 = arith.constant 0 : i32
    %ne3A_500 = arith.cmpi ne, %rem3A_498, %ne3A_499 : i32
    %and3A_501 = arith.andi %ne3A_497, %ne3A_500 : i1
    %sub3A_502 = arith.constant 1 : i32
    %sub3A_503 = arith.subi %div3A_482, %sub3A_502 : i32
    %select_n3A_504 = arith.select %and3A_501, %sub3A_503, %div3A_482 : i32
    %mul3A_505 = arith.constant 4 : i32
    %mul3A_506 = arith.muli %select_n3A_504, %mul3A_505 : i32
    %add3A_507 = arith.constant 3 : i32
    %add3A_508 = arith.addi %mul3A_506, %add3A_507 : i32
    %mul3A_509 = arith.constant 64 : i32
    %mul3A_510 = arith.muli %add3A_508, %mul3A_509 : i32
    %multiple_of3A_511 = tpu.assume_multiple %mul3A_510, 8 : i32
    %dma_start3A_512 = arith.constant 0 : i32
    %dma_start3A_513 = tpu.memref_slice %arg6[%add3A_95, %multiple_of3A_511, %dma_start3A_512] : memref<76x1024x768xf32, #tpu.memory_space<hbm>> -> memref<1x64x768xf32, #tpu.memory_space<hbm>>
    %dma_start3A_514 = tpu.memref_squeeze %dma_start3A_513 : memref<1x64x768xf32, #tpu.memory_space<hbm>> -> memref<64x768xf32, #tpu.memory_space<hbm>>
    %dma_start3A_515 = arith.constant 0 : i32
    %dma_start3A_516 = tpu.memref_slice %arg6[%add3A_95, %multiple_of3A_511, %dma_start3A_515] : memref<76x1024x768xf32, #tpu.memory_space<hbm>> -> memref<1x64x768xf32, #tpu.memory_space<hbm>>
    %dma_start3A_517 = tpu.memref_squeeze %dma_start3A_516 : memref<1x64x768xf32, #tpu.memory_space<hbm>> -> memref<64x768xf32, #tpu.memory_space<hbm>>
    tpu.enqueue_dma source(%arg11 : memref<64x768xf32, #tpu.memory_space<vmem>>) target(%dma_start3A_517 : memref<64x768xf32, #tpu.memory_space<hbm>>) target_semaphore(%arg18 : memref<!tpu.dma_semaphore, #tpu.memory_space<semaphore_mem>>)
    %dma_wait3A = arith.constant 0 : i32
    %dma_wait3A_518 = arith.constant 0 : i32
    %dma_wait3A_519 = tpu.memref_slice %arg3[%dma_wait3A, %dma_wait3A_518] : memref<49408x768xf32, #tpu.memory_space<hbm>> -> memref<64x768xf32, #tpu.memory_space<hbm>>
    %dma_wait3A_520 = arith.constant 0 : i32
    %dma_wait3A_521 = arith.constant 0 : i32
    %dma_wait3A_522 = tpu.memref_slice %arg3[%dma_wait3A_520, %dma_wait3A_521] : memref<49408x768xf32, #tpu.memory_space<hbm>> -> memref<64x768xf32, #tpu.memory_space<hbm>>
    tpu.wait_dma2 semaphore(%arg18 : memref<!tpu.dma_semaphore, #tpu.memory_space<semaphore_mem>>) src(%dma_wait3A_522 : memref<64x768xf32, #tpu.memory_space<hbm>>) dst(%arg11 : memref<64x768xf32, #tpu.memory_space<vmem>>)
    %dma_wait3A_523 = arith.constant 0 : i32
    %dma_wait3A_524 = arith.constant 0 : i32
    %dma_wait3A_525 = tpu.memref_slice %arg3[%dma_wait3A_523, %dma_wait3A_524] : memref<49408x768xf32, #tpu.memory_space<hbm>> -> memref<64x768xf32, #tpu.memory_space<hbm>>
    %dma_wait3A_526 = arith.constant 0 : i32
    %dma_wait3A_527 = arith.constant 0 : i32
    %dma_wait3A_528 = tpu.memref_slice %arg3[%dma_wait3A_526, %dma_wait3A_527] : memref<49408x768xf32, #tpu.memory_space<hbm>> -> memref<64x768xf32, #tpu.memory_space<hbm>>
    tpu.wait_dma2 semaphore(%arg18 : memref<!tpu.dma_semaphore, #tpu.memory_space<semaphore_mem>>) src(%dma_wait3A_528 : memref<64x768xf32, #tpu.memory_space<hbm>>) dst(%arg11 : memref<64x768xf32, #tpu.memory_space<vmem>>)
    %dma_wait3A_529 = arith.constant 0 : i32
    %dma_wait3A_530 = arith.constant 0 : i32
    %dma_wait3A_531 = tpu.memref_slice %arg3[%dma_wait3A_529, %dma_wait3A_530] : memref<49408x768xf32, #tpu.memory_space<hbm>> -> memref<64x768xf32, #tpu.memory_space<hbm>>
    %dma_wait3A_532 = arith.constant 0 : i32
    %dma_wait3A_533 = arith.constant 0 : i32
    %dma_wait3A_534 = tpu.memref_slice %arg3[%dma_wait3A_532, %dma_wait3A_533] : memref<49408x768xf32, #tpu.memory_space<hbm>> -> memref<64x768xf32, #tpu.memory_space<hbm>>
    tpu.wait_dma2 semaphore(%arg18 : memref<!tpu.dma_semaphore, #tpu.memory_space<semaphore_mem>>) src(%dma_wait3A_534 : memref<64x768xf32, #tpu.memory_space<hbm>>) dst(%arg11 : memref<64x768xf32, #tpu.memory_space<vmem>>)
    %dma_wait3A_535 = arith.constant 0 : i32
    %dma_wait3A_536 = arith.constant 0 : i32
    %dma_wait3A_537 = tpu.memref_slice %arg3[%dma_wait3A_535, %dma_wait3A_536] : memref<49408x768xf32, #tpu.memory_space<hbm>> -> memref<64x768xf32, #tpu.memory_space<hbm>>
    %dma_wait3A_538 = arith.constant 0 : i32
    %dma_wait3A_539 = arith.constant 0 : i32
    %dma_wait3A_540 = tpu.memref_slice %arg3[%dma_wait3A_538, %dma_wait3A_539] : memref<49408x768xf32, #tpu.memory_space<hbm>> -> memref<64x768xf32, #tpu.memory_space<hbm>>
    tpu.wait_dma2 semaphore(%arg18 : memref<!tpu.dma_semaphore, #tpu.memory_space<semaphore_mem>>) src(%dma_wait3A_540 : memref<64x768xf32, #tpu.memory_space<hbm>>) dst(%arg11 : memref<64x768xf32, #tpu.memory_space<vmem>>)
    %scan3A_541 = arith.constant 0 : i32
    %scan3A_542 = arith.constant 0 : i32
    %scan3A_543 = arith.constant 17 : i32
    %scan3A_544 = arith.addi %scan3A_542, %scan3A_543 : i32
    %scan3A_545 = arith.constant 1 : i32
    scf.for %scan3A_559 = %scan3A_542 to %scan3A_544 step %scan3A_545  : i32 {
      %mul3A_560 = arith.constant 2 : i32
      %mul3A_561 = arith.muli %mul3A_560, %scan3A_559 : i32
      %mul3A_562 = arith.constant 2 : i32
      %mul3A_563 = arith.muli %mul3A_562, %scan3A_559 : i32
      %add3A_564 = arith.constant 1 : i32
      %add3A_565 = arith.addi %mul3A_563, %add3A_564 : i32
      %gt3A = arith.constant 0 : i32
      %gt3A_566 = arith.cmpi sgt, %scan3A_559, %gt3A : i32
      %convert_element_type3A = arith.extui %gt3A_566 : i1 to i32
      %cond3A = arith.constant 0 : i32
      %cond3A_567 = arith.cmpi ne, %convert_element_type3A, %cond3A : i32
      scf.if %cond3A_567 {
        %dma_wait3A_1131 = arith.constant 0 : i32
        %dma_wait3A_1132 = arith.constant 0 : i32
        %dma_wait3A_1133 = tpu.memref_slice %arg3[%dma_wait3A_1131, %dma_wait3A_1132] : memref<49408x768xf32, #tpu.memory_space<hbm>> -> memref<64x768xf32, #tpu.memory_space<hbm>>
        %dma_wait3A_1134 = arith.constant 0 : i32
        %dma_wait3A_1135 = arith.constant 0 : i32
        %dma_wait3A_1136 = tpu.memref_slice %arg3[%dma_wait3A_1134, %dma_wait3A_1135] : memref<49408x768xf32, #tpu.memory_space<hbm>> -> memref<64x768xf32, #tpu.memory_space<hbm>>
        tpu.wait_dma2 semaphore(%arg18 : memref<!tpu.dma_semaphore, #tpu.memory_space<semaphore_mem>>) src(%dma_wait3A_1136 : memref<64x768xf32, #tpu.memory_space<hbm>>) dst(%arg11 : memref<64x768xf32, #tpu.memory_space<vmem>>)
      } else {
      }
      %add3A_568 = arith.addi %mul3A_34, %add3A_565 : i32
      %eq3A_569 = arith.constant 0 : i32
      %eq3A_570 = arith.cmpi eq, %add3A_568, %eq3A_569 : i32
      %add3A_571 = arith.constant 8 : i32
      %add3A_572 = arith.addi %add3A_568, %add3A_571 : i32
      %jit3A_573 = arith.constant 0 : i32
      %select_n3A_574 = arith.select %eq3A_570, %jit3A_573, %add3A_572 : i32
      %broadcast_in_dim3A_575 = arith.constant 0 : i32
      %broadcast_in_dim3A_576 = vector.broadcast %broadcast_in_dim3A_575 : i32 to vector<16xi32>
      %add3A_577 = vector.broadcast %select_n3A_574 : i32 to vector<16xi32>
      %add3A_578 = arith.addi %broadcast_in_dim3A_576, %add3A_577 : vector<16xi32>
      %add3A_579 = arith.constant 0 : i32
      %add3A_580 = vector.broadcast %add3A_579 : i32 to vector<16xi32>
      %add3A_581 = arith.addi %add3A_580, %iota3A : vector<16xi32>
      %gather3A_582 = tpu.vector_load_idx %arg7[%add3A_581, %add3A_578] : memref<64x77xi32, #tpu.memory_space<vmem>>[vector<16xi32>, vector<16xi32>], vector<16xi32>,
      %swap3A_583 = arith.constant 0 : index
      %swap3A_584 = tpu.vector_load %arg9[%swap3A_583] {strides = array<i32>} : memref<64xi32, #tpu.memory_space<vmem>>, vector<16xi32>,
      tpu.vector_store %arg9[%swap3A_583], %gather3A_582 {strides = array<i32>} : memref<64xi32, #tpu.memory_space<vmem>>, vector<16xi32>,
      %add3A_585 = arith.constant 16 : i32
      %add3A_586 = vector.broadcast %add3A_585 : i32 to vector<16xi32>
      %add3A_587 = arith.addi %add3A_586, %iota3A : vector<16xi32>
      %gather3A_588 = tpu.vector_load_idx %arg7[%add3A_587, %add3A_578] : memref<64x77xi32, #tpu.memory_space<vmem>>[vector<16xi32>, vector<16xi32>], vector<16xi32>,
      %swap3A_589 = arith.constant 16 : index
      %swap3A_590 = tpu.vector_load %arg9[%swap3A_589] {strides = array<i32>} : memref<64xi32, #tpu.memory_space<vmem>>, vector<16xi32>,
      tpu.vector_store %arg9[%swap3A_589], %gather3A_588 {strides = array<i32>} : memref<64xi32, #tpu.memory_space<vmem>>, vector<16xi32>,
      %add3A_591 = arith.constant 32 : i32
      %add3A_592 = vector.broadcast %add3A_591 : i32 to vector<16xi32>
      %add3A_593 = arith.addi %add3A_592, %iota3A : vector<16xi32>
      %gather3A_594 = tpu.vector_load_idx %arg7[%add3A_593, %add3A_578] : memref<64x77xi32, #tpu.memory_space<vmem>>[vector<16xi32>, vector<16xi32>], vector<16xi32>,
      %swap3A_595 = arith.constant 32 : index
      %swap3A_596 = tpu.vector_load %arg9[%swap3A_595] {strides = array<i32>} : memref<64xi32, #tpu.memory_space<vmem>>, vector<16xi32>,
      tpu.vector_store %arg9[%swap3A_595], %gather3A_594 {strides = array<i32>} : memref<64xi32, #tpu.memory_space<vmem>>, vector<16xi32>,
      %add3A_597 = arith.constant 48 : i32
      %add3A_598 = vector.broadcast %add3A_597 : i32 to vector<16xi32>
      %add3A_599 = arith.addi %add3A_598, %iota3A : vector<16xi32>
      %gather3A_600 = tpu.vector_load_idx %arg7[%add3A_599, %add3A_578] : memref<64x77xi32, #tpu.memory_space<vmem>>[vector<16xi32>, vector<16xi32>], vector<16xi32>,
      %swap3A_601 = arith.constant 48 : index
      %swap3A_602 = tpu.vector_load %arg9[%swap3A_601] {strides = array<i32>} : memref<64xi32, #tpu.memory_space<vmem>>, vector<16xi32>,
      tpu.vector_store %arg9[%swap3A_601], %gather3A_600 {strides = array<i32>} : memref<64xi32, #tpu.memory_space<vmem>>, vector<16xi32>,
      %dma_start3A_603 = arith.constant 0 : i32
      %dma_start3A_604 = arith.constant 0 : i32
      %dma_start3A_605 = tpu.memref_slice %arg3[%dma_start3A_603, %dma_start3A_604] : memref<49408x768xf32, #tpu.memory_space<hbm>> -> memref<49408x768xf32, #tpu.memory_space<hbm>>
      tpu.enqueue_indirect_dma source(%dma_start3A_605 : memref<49408x768xf32, #tpu.memory_space<hbm>>) target(%arg11 : memref<64x768xf32, #tpu.memory_space<vmem>>) offsets(%arg9 : memref<64xi32, #tpu.memory_space<vmem>>) semaphore(%arg16 : memref<!tpu.dma_semaphore, #tpu.memory_space<semaphore_mem>>)
      %dma_start3A_606 = arith.constant 0 : i32
      %dma_start3A_607 = arith.constant 0 : i32
      %dma_start3A_608 = tpu.memref_slice %arg4[%select_n3A_574, %dma_start3A_606, %dma_start3A_607] : memref<77x1x768xf32, #tpu.memory_space<hbm>> -> memref<1x1x768xf32, #tpu.memory_space<hbm>>
      %dma_start3A_609 = tpu.memref_squeeze %dma_start3A_608 : memref<1x1x768xf32, #tpu.memory_space<hbm>> -> memref<1x768xf32, #tpu.memory_space<hbm>>
      %dma_start3A_610 = arith.constant 0 : i32
      %dma_start3A_611 = arith.constant 0 : i32
      %dma_start3A_612 = tpu.memref_slice %arg4[%select_n3A_574, %dma_start3A_610, %dma_start3A_611] : memref<77x1x768xf32, #tpu.memory_space<hbm>> -> memref<1x1x768xf32, #tpu.memory_space<hbm>>
      %dma_start3A_613 = tpu.memref_squeeze %dma_start3A_612 : memref<1x1x768xf32, #tpu.memory_space<hbm>> -> memref<1x768xf32, #tpu.memory_space<hbm>>
      tpu.enqueue_dma source(%dma_start3A_613 : memref<1x768xf32, #tpu.memory_space<hbm>>) target(%arg13 : memref<1x768xf32, #tpu.memory_space<vmem>>) target_semaphore(%arg16 : memref<!tpu.dma_semaphore, #tpu.memory_space<semaphore_mem>>)
      %add3A_614 = arith.addi %mul3A_34, %mul3A_561 : i32
      %eq3A_615 = arith.constant 0 : i32
      %eq3A_616 = arith.cmpi eq, %add3A_614, %eq3A_615 : i32
      %add3A_617 = arith.constant 8 : i32
      %add3A_618 = arith.addi %add3A_614, %add3A_617 : i32
      %jit3A_619 = arith.constant 0 : i32
      %select_n3A_620 = arith.select %eq3A_616, %jit3A_619, %add3A_618 : i32
      %dma_wait3A_621 = arith.constant 0 : i32
      %dma_wait3A_622 = arith.constant 0 : i32
      %dma_wait3A_623 = tpu.memref_slice %arg3[%dma_wait3A_621, %dma_wait3A_622] : memref<49408x768xf32, #tpu.memory_space<hbm>> -> memref<64x768xf32, #tpu.memory_space<hbm>>
      %dma_wait3A_624 = arith.constant 0 : i32
      %dma_wait3A_625 = arith.constant 0 : i32
      %dma_wait3A_626 = tpu.memref_slice %arg3[%dma_wait3A_624, %dma_wait3A_625] : memref<49408x768xf32, #tpu.memory_space<hbm>> -> memref<64x768xf32, #tpu.memory_space<hbm>>
      tpu.wait_dma2 semaphore(%arg15 : memref<!tpu.dma_semaphore, #tpu.memory_space<semaphore_mem>>) src(%dma_wait3A_626 : memref<64x768xf32, #tpu.memory_space<hbm>>) dst(%arg10 : memref<64x768xf32, #tpu.memory_space<vmem>>)
      %dma_wait3A_627 = arith.constant 0 : i32
      %dma_wait3A_628 = arith.constant 0 : i32
      %dma_wait3A_629 = arith.constant 0 : i32
      %dma_wait3A_630 = tpu.memref_slice %arg4[%dma_wait3A_627, %dma_wait3A_628, %dma_wait3A_629] : memref<77x1x768xf32, #tpu.memory_space<hbm>> -> memref<1x1x768xf32, #tpu.memory_space<hbm>>
      %dma_wait3A_631 = tpu.memref_squeeze %dma_wait3A_630 : memref<1x1x768xf32, #tpu.memory_space<hbm>> -> memref<1x768xf32, #tpu.memory_space<hbm>>
      %dma_wait3A_632 = arith.constant 0 : i32
      %dma_wait3A_633 = arith.constant 0 : i32
      %dma_wait3A_634 = tpu.memref_slice %arg4[%dma_wait3A_627, %dma_wait3A_632, %dma_wait3A_633] : memref<77x1x768xf32, #tpu.memory_space<hbm>> -> memref<1x1x768xf32, #tpu.memory_space<hbm>>
      %dma_wait3A_635 = tpu.memref_squeeze %dma_wait3A_634 : memref<1x1x768xf32, #tpu.memory_space<hbm>> -> memref<1x768xf32, #tpu.memory_space<hbm>>
      tpu.wait_dma2 semaphore(%arg15 : memref<!tpu.dma_semaphore, #tpu.memory_space<semaphore_mem>>) src(%dma_wait3A_635 : memref<1x768xf32, #tpu.memory_space<hbm>>) dst(%arg12 : memref<1x768xf32, #tpu.memory_space<vmem>>)
      %get3A_636 = arith.constant 0 : i32
      %get3A_637 = arith.index_cast %get3A_636 : i32 to index
      %get3A_638 = arith.constant 0 : index
      %get3A_639 = tpu.vector_load %arg12[%get3A_637, %get3A_638] {strides = array<i32>} : memref<1x768xf32, #tpu.memory_space<vmem>>, vector<16xf32>,
      %get3A_640 = arith.constant 0 : i32
      %get3A_641 = arith.index_cast %get3A_640 : i32 to index
      %get3A_642 = arith.constant 16 : index
      %get3A_643 = tpu.vector_load %arg12[%get3A_641, %get3A_642] {strides = array<i32>} : memref<1x768xf32, #tpu.memory_space<vmem>>, vector<16xf32>,
      %get3A_644 = arith.constant 0 : i32
      %get3A_645 = arith.index_cast %get3A_644 : i32 to index
      %get3A_646 = arith.constant 32 : index
      %get3A_647 = tpu.vector_load %arg12[%get3A_645, %get3A_646] {strides = array<i32>} : memref<1x768xf32, #tpu.memory_space<vmem>>, vector<16xf32>,
      %get3A_648 = arith.constant 0 : i32
      %get3A_649 = arith.index_cast %get3A_648 : i32 to index
      %get3A_650 = arith.constant 48 : index
      %get3A_651 = tpu.vector_load %arg12[%get3A_649, %get3A_650] {strides = array<i32>} : memref<1x768xf32, #tpu.memory_space<vmem>>, vector<16xf32>,
      %get3A_652 = arith.constant 0 : i32
      %get3A_653 = arith.index_cast %get3A_652 : i32 to index
      %get3A_654 = arith.constant 64 : index
      %get3A_655 = tpu.vector_load %arg12[%get3A_653, %get3A_654] {strides = array<i32>} : memref<1x768xf32, #tpu.memory_space<vmem>>, vector<16xf32>,
      %get3A_656 = arith.constant 0 : i32
      %get3A_657 = arith.index_cast %get3A_656 : i32 to index
      %get3A_658 = arith.constant 80 : index
      %get3A_659 = tpu.vector_load %arg12[%get3A_657, %get3A_658] {strides = array<i32>} : memref<1x768xf32, #tpu.memory_space<vmem>>, vector<16xf32>,
      %get3A_660 = arith.constant 0 : i32
      %get3A_661 = arith.index_cast %get3A_660 : i32 to index
      %get3A_662 = arith.constant 96 : index
      %get3A_663 = tpu.vector_load %arg12[%get3A_661, %get3A_662] {strides = array<i32>} : memref<1x768xf32, #tpu.memory_space<vmem>>, vector<16xf32>,
      %get3A_664 = arith.constant 0 : i32
      %get3A_665 = arith.index_cast %get3A_664 : i32 to index
      %get3A_666 = arith.constant 112 : index
      %get3A_667 = tpu.vector_load %arg12[%get3A_665, %get3A_666] {strides = array<i32>} : memref<1x768xf32, #tpu.memory_space<vmem>>, vector<16xf32>,
      %scan3A_668 = arith.constant 0 : i32
      %scan3A_669 = arith.constant 0 : i32
      %scan3A_670 = arith.constant 64 : i32
      %scan3A_671 = arith.addi %scan3A_669, %scan3A_670 : i32
      %scan3A_672 = arith.constant 1 : i32
      scf.for %scan3A_1131 = %scan3A_669 to %scan3A_671 step %scan3A_672  : i32 {
        %swap3A_1132 = arith.index_cast %scan3A_1131 : i32 to index
        %swap3A_1133 = arith.constant 0 : index
        %swap3A_1134 = tpu.vector_load %arg10[%swap3A_1132, %swap3A_1133] {strides = array<i32>} : memref<64x768xf32, #tpu.memory_space<vmem>>, vector<16xf32>,
        tpu.vector_store %arg10[%swap3A_1132, %swap3A_1133], %get3A_639 {add = true, strides = array<i32>} : memref<64x768xf32, #tpu.memory_space<vmem>>, vector<16xf32>,
        %swap3A_1135 = arith.index_cast %scan3A_1131 : i32 to index
        %swap3A_1136 = arith.constant 16 : index
        %swap3A_1137 = tpu.vector_load %arg10[%swap3A_1135, %swap3A_1136] {strides = array<i32>} : memref<64x768xf32, #tpu.memory_space<vmem>>, vector<16xf32>,
        tpu.vector_store %arg10[%swap3A_1135, %swap3A_1136], %get3A_643 {add = true, strides = array<i32>} : memref<64x768xf32, #tpu.memory_space<vmem>>, vector<16xf32>,
        %swap3A_1138 = arith.index_cast %scan3A_1131 : i32 to index
        %swap3A_1139 = arith.constant 32 : index
        %swap3A_1140 = tpu.vector_load %arg10[%swap3A_1138, %swap3A_1139] {strides = array<i32>} : memref<64x768xf32, #tpu.memory_space<vmem>>, vector<16xf32>,
        tpu.vector_store %arg10[%swap3A_1138, %swap3A_1139], %get3A_647 {add = true, strides = array<i32>} : memref<64x768xf32, #tpu.memory_space<vmem>>, vector<16xf32>,
        %swap3A_1141 = arith.index_cast %scan3A_1131 : i32 to index
        %swap3A_1142 = arith.constant 48 : index
        %swap3A_1143 = tpu.vector_load %arg10[%swap3A_1141, %swap3A_1142] {strides = array<i32>} : memref<64x768xf32, #tpu.memory_space<vmem>>, vector<16xf32>,
        tpu.vector_store %arg10[%swap3A_1141, %swap3A_1142], %get3A_651 {add = true, strides = array<i32>} : memref<64x768xf32, #tpu.memory_space<vmem>>, vector<16xf32>,
        %swap3A_1144 = arith.index_cast %scan3A_1131 : i32 to index
        %swap3A_1145 = arith.constant 64 : index
        %swap3A_1146 = tpu.vector_load %arg10[%swap3A_1144, %swap3A_1145] {strides = array<i32>} : memref<64x768xf32, #tpu.memory_space<vmem>>, vector<16xf32>,
        tpu.vector_store %arg10[%swap3A_1144, %swap3A_1145], %get3A_655 {add = true, strides = array<i32>} : memref<64x768xf32, #tpu.memory_space<vmem>>, vector<16xf32>,
        %swap3A_1147 = arith.index_cast %scan3A_1131 : i32 to index
        %swap3A_1148 = arith.constant 80 : index
        %swap3A_1149 = tpu.vector_load %arg10[%swap3A_1147, %swap3A_1148] {strides = array<i32>} : memref<64x768xf32, #tpu.memory_space<vmem>>, vector<16xf32>,
        tpu.vector_store %arg10[%swap3A_1147, %swap3A_1148], %get3A_659 {add = true, strides = array<i32>} : memref<64x768xf32, #tpu.memory_space<vmem>>, vector<16xf32>,
        %swap3A_1150 = arith.index_cast %scan3A_1131 : i32 to index
        %swap3A_1151 = arith.constant 96 : index
        %swap3A_1152 = tpu.vector_load %arg10[%swap3A_1150, %swap3A_1151] {strides = array<i32>} : memref<64x768xf32, #tpu.memory_space<vmem>>, vector<16xf32>,
        tpu.vector_store %arg10[%swap3A_1150, %swap3A_1151], %get3A_663 {add = true, strides = array<i32>} : memref<64x768xf32, #tpu.memory_space<vmem>>, vector<16xf32>,
        %swap3A_1153 = arith.index_cast %scan3A_1131 : i32 to index
        %swap3A_1154 = arith.constant 112 : index
        %swap3A_1155 = tpu.vector_load %arg10[%swap3A_1153, %swap3A_1154] {strides = array<i32>} : memref<64x768xf32, #tpu.memory_space<vmem>>, vector<16xf32>,
        tpu.vector_store %arg10[%swap3A_1153, %swap3A_1154], %get3A_667 {add = true, strides = array<i32>} : memref<64x768xf32, #tpu.memory_space<vmem>>, vector<16xf32>,
      }
      %scan3A_673 = arith.constant 64 : i32
      %get3A_674 = arith.constant 0 : i32
      %get3A_675 = arith.index_cast %get3A_674 : i32 to index
      %get3A_676 = arith.constant 128 : index
      %get3A_677 = tpu.vector_load %arg12[%get3A_675, %get3A_676] {strides = array<i32>} : memref<1x768xf32, #tpu.memory_space<vmem>>, vector<16xf32>,
      %get3A_678 = arith.constant 0 : i32
      %get3A_679 = arith.index_cast %get3A_678 : i32 to index
      %get3A_680 = arith.constant 144 : index
      %get3A_681 = tpu.vector_load %arg12[%get3A_679, %get3A_680] {strides = array<i32>} : memref<1x768xf32, #tpu.memory_space<vmem>>, vector<16xf32>,
      %get3A_682 = arith.constant 0 : i32
      %get3A_683 = arith.index_cast %get3A_682 : i32 to index
      %get3A_684 = arith.constant 160 : index
      %get3A_685 = tpu.vector_load %arg12[%get3A_683, %get3A_684] {strides = array<i32>} : memref<1x768xf32, #tpu.memory_space<vmem>>, vector<16xf32>,
      %get3A_686 = arith.constant 0 : i32
      %get3A_687 = arith.index_cast %get3A_686 : i32 to index
      %get3A_688 = arith.constant 176 : index
      %get3A_689 = tpu.vector_load %arg12[%get3A_687, %get3A_688] {strides = array<i32>} : memref<1x768xf32, #tpu.memory_space<vmem>>, vector<16xf32>,
      %get3A_690 = arith.constant 0 : i32
      %get3A_691 = arith.index_cast %get3A_690 : i32 to index
      %get3A_692 = arith.constant 192 : index
      %get3A_693 = tpu.vector_load %arg12[%get3A_691, %get3A_692] {strides = array<i32>} : memref<1x768xf32, #tpu.memory_space<vmem>>, vector<16xf32>,
      %get3A_694 = arith.constant 0 : i32
      %get3A_695 = arith.index_cast %get3A_694 : i32 to index
      %get3A_696 = arith.constant 208 : index
      %get3A_697 = tpu.vector_load %arg12[%get3A_695, %get3A_696] {strides = array<i32>} : memref<1x768xf32, #tpu.memory_space<vmem>>, vector<16xf32>,
      %get3A_698 = arith.constant 0 : i32
      %get3A_699 = arith.index_cast %get3A_698 : i32 to index
      %get3A_700 = arith.constant 224 : index
      %get3A_701 = tpu.vector_load %arg12[%get3A_699, %get3A_700] {strides = array<i32>} : memref<1x768xf32, #tpu.memory_space<vmem>>, vector<16xf32>,
      %get3A_702 = arith.constant 0 : i32
      %get3A_703 = arith.index_cast %get3A_702 : i32 to index
      %get3A_704 = arith.constant 240 : index
      %get3A_705 = tpu.vector_load %arg12[%get3A_703, %get3A_704] {strides = array<i32>} : memref<1x768xf32, #tpu.memory_space<vmem>>, vector<16xf32>,
      %scan3A_706 = arith.constant 0 : i32
      %scan3A_707 = arith.constant 0 : i32
      %scan3A_708 = arith.constant 64 : i32
      %scan3A_709 = arith.addi %scan3A_707, %scan3A_708 : i32
      %scan3A_710 = arith.constant 1 : i32
      scf.for %scan3A_1131 = %scan3A_707 to %scan3A_709 step %scan3A_710  : i32 {
        %swap3A_1132 = arith.index_cast %scan3A_1131 : i32 to index
        %swap3A_1133 = arith.constant 128 : index
        %swap3A_1134 = tpu.vector_load %arg10[%swap3A_1132, %swap3A_1133] {strides = array<i32>} : memref<64x768xf32, #tpu.memory_space<vmem>>, vector<16xf32>,
        tpu.vector_store %arg10[%swap3A_1132, %swap3A_1133], %get3A_677 {add = true, strides = array<i32>} : memref<64x768xf32, #tpu.memory_space<vmem>>, vector<16xf32>,
        %swap3A_1135 = arith.index_cast %scan3A_1131 : i32 to index
        %swap3A_1136 = arith.constant 144 : index
        %swap3A_1137 = tpu.vector_load %arg10[%swap3A_1135, %swap3A_1136] {strides = array<i32>} : memref<64x768xf32, #tpu.memory_space<vmem>>, vector<16xf32>,
        tpu.vector_store %arg10[%swap3A_1135, %swap3A_1136], %get3A_681 {add = true, strides = array<i32>} : memref<64x768xf32, #tpu.memory_space<vmem>>, vector<16xf32>,
        %swap3A_1138 = arith.index_cast %scan3A_1131 : i32 to index
        %swap3A_1139 = arith.constant 160 : index
        %swap3A_1140 = tpu.vector_load %arg10[%swap3A_1138, %swap3A_1139] {strides = array<i32>} : memref<64x768xf32, #tpu.memory_space<vmem>>, vector<16xf32>,
        tpu.vector_store %arg10[%swap3A_1138, %swap3A_1139], %get3A_685 {add = true, strides = array<i32>} : memref<64x768xf32, #tpu.memory_space<vmem>>, vector<16xf32>,
        %swap3A_1141 = arith.index_cast %scan3A_1131 : i32 to index
        %swap3A_1142 = arith.constant 176 : index
        %swap3A_1143 = tpu.vector_load %arg10[%swap3A_1141, %swap3A_1142] {strides = array<i32>} : memref<64x768xf32, #tpu.memory_space<vmem>>, vector<16xf32>,
        tpu.vector_store %arg10[%swap3A_1141, %swap3A_1142], %get3A_689 {add = true, strides = array<i32>} : memref<64x768xf32, #tpu.memory_space<vmem>>, vector<16xf32>,
        %swap3A_1144 = arith.index_cast %scan3A_1131 : i32 to index
        %swap3A_1145 = arith.constant 192 : index
        %swap3A_1146 = tpu.vector_load %arg10[%swap3A_1144, %swap3A_1145] {strides = array<i32>} : memref<64x768xf32, #tpu.memory_space<vmem>>, vector<16xf32>,
        tpu.vector_store %arg10[%swap3A_1144, %swap3A_1145], %get3A_693 {add = true, strides = array<i32>} : memref<64x768xf32, #tpu.memory_space<vmem>>, vector<16xf32>,
        %swap3A_1147 = arith.index_cast %scan3A_1131 : i32 to index
        %swap3A_1148 = arith.constant 208 : index
        %swap3A_1149 = tpu.vector_load %arg10[%swap3A_1147, %swap3A_1148] {strides = array<i32>} : memref<64x768xf32, #tpu.memory_space<vmem>>, vector<16xf32>,
        tpu.vector_store %arg10[%swap3A_1147, %swap3A_1148], %get3A_697 {add = true, strides = array<i32>} : memref<64x768xf32, #tpu.memory_space<vmem>>, vector<16xf32>,
        %swap3A_1150 = arith.index_cast %scan3A_1131 : i32 to index
        %swap3A_1151 = arith.constant 224 : index
        %swap3A_1152 = tpu.vector_load %arg10[%swap3A_1150, %swap3A_1151] {strides = array<i32>} : memref<64x768xf32, #tpu.memory_space<vmem>>, vector<16xf32>,
        tpu.vector_store %arg10[%swap3A_1150, %swap3A_1151], %get3A_701 {add = true, strides = array<i32>} : memref<64x768xf32, #tpu.memory_space<vmem>>, vector<16xf32>,
        %swap3A_1153 = arith.index_cast %scan3A_1131 : i32 to index
        %swap3A_1154 = arith.constant 240 : index
        %swap3A_1155 = tpu.vector_load %arg10[%swap3A_1153, %swap3A_1154] {strides = array<i32>} : memref<64x768xf32, #tpu.memory_space<vmem>>, vector<16xf32>,
        tpu.vector_store %arg10[%swap3A_1153, %swap3A_1154], %get3A_705 {add = true, strides = array<i32>} : memref<64x768xf32, #tpu.memory_space<vmem>>, vector<16xf32>,
      }
      %scan3A_711 = arith.constant 64 : i32
      %get3A_712 = arith.constant 0 : i32
      %get3A_713 = arith.index_cast %get3A_712 : i32 to index
      %get3A_714 = arith.constant 256 : index
      %get3A_715 = tpu.vector_load %arg12[%get3A_713, %get3A_714] {strides = array<i32>} : memref<1x768xf32, #tpu.memory_space<vmem>>, vector<16xf32>,
      %get3A_716 = arith.constant 0 : i32
      %get3A_717 = arith.index_cast %get3A_716 : i32 to index
      %get3A_718 = arith.constant 272 : index
      %get3A_719 = tpu.vector_load %arg12[%get3A_717, %get3A_718] {strides = array<i32>} : memref<1x768xf32, #tpu.memory_space<vmem>>, vector<16xf32>,
      %get3A_720 = arith.constant 0 : i32
      %get3A_721 = arith.index_cast %get3A_720 : i32 to index
      %get3A_722 = arith.constant 288 : index
      %get3A_723 = tpu.vector_load %arg12[%get3A_721, %get3A_722] {strides = array<i32>} : memref<1x768xf32, #tpu.memory_space<vmem>>, vector<16xf32>,
      %get3A_724 = arith.constant 0 : i32
      %get3A_725 = arith.index_cast %get3A_724 : i32 to index
      %get3A_726 = arith.constant 304 : index
      %get3A_727 = tpu.vector_load %arg12[%get3A_725, %get3A_726] {strides = array<i32>} : memref<1x768xf32, #tpu.memory_space<vmem>>, vector<16xf32>,
      %get3A_728 = arith.constant 0 : i32
      %get3A_729 = arith.index_cast %get3A_728 : i32 to index
      %get3A_730 = arith.constant 320 : index
      %get3A_731 = tpu.vector_load %arg12[%get3A_729, %get3A_730] {strides = array<i32>} : memref<1x768xf32, #tpu.memory_space<vmem>>, vector<16xf32>,
      %get3A_732 = arith.constant 0 : i32
      %get3A_733 = arith.index_cast %get3A_732 : i32 to index
      %get3A_734 = arith.constant 336 : index
      %get3A_735 = tpu.vector_load %arg12[%get3A_733, %get3A_734] {strides = array<i32>} : memref<1x768xf32, #tpu.memory_space<vmem>>, vector<16xf32>,
      %get3A_736 = arith.constant 0 : i32
      %get3A_737 = arith.index_cast %get3A_736 : i32 to index
      %get3A_738 = arith.constant 352 : index
      %get3A_739 = tpu.vector_load %arg12[%get3A_737, %get3A_738] {strides = array<i32>} : memref<1x768xf32, #tpu.memory_space<vmem>>, vector<16xf32>,
      %get3A_740 = arith.constant 0 : i32
      %get3A_741 = arith.index_cast %get3A_740 : i32 to index
      %get3A_742 = arith.constant 368 : index
      %get3A_743 = tpu.vector_load %arg12[%get3A_741, %get3A_742] {strides = array<i32>} : memref<1x768xf32, #tpu.memory_space<vmem>>, vector<16xf32>,
      %scan3A_744 = arith.constant 0 : i32
      %scan3A_745 = arith.constant 0 : i32
      %scan3A_746 = arith.constant 64 : i32
      %scan3A_747 = arith.addi %scan3A_745, %scan3A_746 : i32
      %scan3A_748 = arith.constant 1 : i32
      scf.for %scan3A_1131 = %scan3A_745 to %scan3A_747 step %scan3A_748  : i32 {
        %swap3A_1132 = arith.index_cast %scan3A_1131 : i32 to index
        %swap3A_1133 = arith.constant 256 : index
        %swap3A_1134 = tpu.vector_load %arg10[%swap3A_1132, %swap3A_1133] {strides = array<i32>} : memref<64x768xf32, #tpu.memory_space<vmem>>, vector<16xf32>,
        tpu.vector_store %arg10[%swap3A_1132, %swap3A_1133], %get3A_715 {add = true, strides = array<i32>} : memref<64x768xf32, #tpu.memory_space<vmem>>, vector<16xf32>,
        %swap3A_1135 = arith.index_cast %scan3A_1131 : i32 to index
        %swap3A_1136 = arith.constant 272 : index
        %swap3A_1137 = tpu.vector_load %arg10[%swap3A_1135, %swap3A_1136] {strides = array<i32>} : memref<64x768xf32, #tpu.memory_space<vmem>>, vector<16xf32>,
        tpu.vector_store %arg10[%swap3A_1135, %swap3A_1136], %get3A_719 {add = true, strides = array<i32>} : memref<64x768xf32, #tpu.memory_space<vmem>>, vector<16xf32>,
        %swap3A_1138 = arith.index_cast %scan3A_1131 : i32 to index
        %swap3A_1139 = arith.constant 288 : index
        %swap3A_1140 = tpu.vector_load %arg10[%swap3A_1138, %swap3A_1139] {strides = array<i32>} : memref<64x768xf32, #tpu.memory_space<vmem>>, vector<16xf32>,
        tpu.vector_store %arg10[%swap3A_1138, %swap3A_1139], %get3A_723 {add = true, strides = array<i32>} : memref<64x768xf32, #tpu.memory_space<vmem>>, vector<16xf32>,
        %swap3A_1141 = arith.index_cast %scan3A_1131 : i32 to index
        %swap3A_1142 = arith.constant 304 : index
        %swap3A_1143 = tpu.vector_load %arg10[%swap3A_1141, %swap3A_1142] {strides = array<i32>} : memref<64x768xf32, #tpu.memory_space<vmem>>, vector<16xf32>,
        tpu.vector_store %arg10[%swap3A_1141, %swap3A_1142], %get3A_727 {add = true, strides = array<i32>} : memref<64x768xf32, #tpu.memory_space<vmem>>, vector<16xf32>,
        %swap3A_1144 = arith.index_cast %scan3A_1131 : i32 to index
        %swap3A_1145 = arith.constant 320 : index
        %swap3A_1146 = tpu.vector_load %arg10[%swap3A_1144, %swap3A_1145] {strides = array<i32>} : memref<64x768xf32, #tpu.memory_space<vmem>>, vector<16xf32>,
        tpu.vector_store %arg10[%swap3A_1144, %swap3A_1145], %get3A_731 {add = true, strides = array<i32>} : memref<64x768xf32, #tpu.memory_space<vmem>>, vector<16xf32>,
        %swap3A_1147 = arith.index_cast %scan3A_1131 : i32 to index
        %swap3A_1148 = arith.constant 336 : index
        %swap3A_1149 = tpu.vector_load %arg10[%swap3A_1147, %swap3A_1148] {strides = array<i32>} : memref<64x768xf32, #tpu.memory_space<vmem>>, vector<16xf32>,
        tpu.vector_store %arg10[%swap3A_1147, %swap3A_1148], %get3A_735 {add = true, strides = array<i32>} : memref<64x768xf32, #tpu.memory_space<vmem>>, vector<16xf32>,
        %swap3A_1150 = arith.index_cast %scan3A_1131 : i32 to index
        %swap3A_1151 = arith.constant 352 : index
        %swap3A_1152 = tpu.vector_load %arg10[%swap3A_1150, %swap3A_1151] {strides = array<i32>} : memref<64x768xf32, #tpu.memory_space<vmem>>, vector<16xf32>,
        tpu.vector_store %arg10[%swap3A_1150, %swap3A_1151], %get3A_739 {add = true, strides = array<i32>} : memref<64x768xf32, #tpu.memory_space<vmem>>, vector<16xf32>,
        %swap3A_1153 = arith.index_cast %scan3A_1131 : i32 to index
        %swap3A_1154 = arith.constant 368 : index
        %swap3A_1155 = tpu.vector_load %arg10[%swap3A_1153, %swap3A_1154] {strides = array<i32>} : memref<64x768xf32, #tpu.memory_space<vmem>>, vector<16xf32>,
        tpu.vector_store %arg10[%swap3A_1153, %swap3A_1154], %get3A_743 {add = true, strides = array<i32>} : memref<64x768xf32, #tpu.memory_space<vmem>>, vector<16xf32>,
      }
      %scan3A_749 = arith.constant 64 : i32
      %get3A_750 = arith.constant 0 : i32
      %get3A_751 = arith.index_cast %get3A_750 : i32 to index
      %get3A_752 = arith.constant 384 : index
      %get3A_753 = tpu.vector_load %arg12[%get3A_751, %get3A_752] {strides = array<i32>} : memref<1x768xf32, #tpu.memory_space<vmem>>, vector<16xf32>,
      %get3A_754 = arith.constant 0 : i32
      %get3A_755 = arith.index_cast %get3A_754 : i32 to index
      %get3A_756 = arith.constant 400 : index
      %get3A_757 = tpu.vector_load %arg12[%get3A_755, %get3A_756] {strides = array<i32>} : memref<1x768xf32, #tpu.memory_space<vmem>>, vector<16xf32>,
      %get3A_758 = arith.constant 0 : i32
      %get3A_759 = arith.index_cast %get3A_758 : i32 to index
      %get3A_760 = arith.constant 416 : index
      %get3A_761 = tpu.vector_load %arg12[%get3A_759, %get3A_760] {strides = array<i32>} : memref<1x768xf32, #tpu.memory_space<vmem>>, vector<16xf32>,
      %get3A_762 = arith.constant 0 : i32
      %get3A_763 = arith.index_cast %get3A_762 : i32 to index
      %get3A_764 = arith.constant 432 : index
      %get3A_765 = tpu.vector_load %arg12[%get3A_763, %get3A_764] {strides = array<i32>} : memref<1x768xf32, #tpu.memory_space<vmem>>, vector<16xf32>,
      %get3A_766 = arith.constant 0 : i32
      %get3A_767 = arith.index_cast %get3A_766 : i32 to index
      %get3A_768 = arith.constant 448 : index
      %get3A_769 = tpu.vector_load %arg12[%get3A_767, %get3A_768] {strides = array<i32>} : memref<1x768xf32, #tpu.memory_space<vmem>>, vector<16xf32>,
      %get3A_770 = arith.constant 0 : i32
      %get3A_771 = arith.index_cast %get3A_770 : i32 to index
      %get3A_772 = arith.constant 464 : index
      %get3A_773 = tpu.vector_load %arg12[%get3A_771, %get3A_772] {strides = array<i32>} : memref<1x768xf32, #tpu.memory_space<vmem>>, vector<16xf32>,
      %get3A_774 = arith.constant 0 : i32
      %get3A_775 = arith.index_cast %get3A_774 : i32 to index
      %get3A_776 = arith.constant 480 : index
      %get3A_777 = tpu.vector_load %arg12[%get3A_775, %get3A_776] {strides = array<i32>} : memref<1x768xf32, #tpu.memory_space<vmem>>, vector<16xf32>,
      %get3A_778 = arith.constant 0 : i32
      %get3A_779 = arith.index_cast %get3A_778 : i32 to index
      %get3A_780 = arith.constant 496 : index
      %get3A_781 = tpu.vector_load %arg12[%get3A_779, %get3A_780] {strides = array<i32>} : memref<1x768xf32, #tpu.memory_space<vmem>>, vector<16xf32>,
      %scan3A_782 = arith.constant 0 : i32
      %scan3A_783 = arith.constant 0 : i32
      %scan3A_784 = arith.constant 64 : i32
      %scan3A_785 = arith.addi %scan3A_783, %scan3A_784 : i32
      %scan3A_786 = arith.constant 1 : i32
      scf.for %scan3A_1131 = %scan3A_783 to %scan3A_785 step %scan3A_786  : i32 {
        %swap3A_1132 = arith.index_cast %scan3A_1131 : i32 to index
        %swap3A_1133 = arith.constant 384 : index
        %swap3A_1134 = tpu.vector_load %arg10[%swap3A_1132, %swap3A_1133] {strides = array<i32>} : memref<64x768xf32, #tpu.memory_space<vmem>>, vector<16xf32>,
        tpu.vector_store %arg10[%swap3A_1132, %swap3A_1133], %get3A_753 {add = true, strides = array<i32>} : memref<64x768xf32, #tpu.memory_space<vmem>>, vector<16xf32>,
        %swap3A_1135 = arith.index_cast %scan3A_1131 : i32 to index
        %swap3A_1136 = arith.constant 400 : index
        %swap3A_1137 = tpu.vector_load %arg10[%swap3A_1135, %swap3A_1136] {strides = array<i32>} : memref<64x768xf32, #tpu.memory_space<vmem>>, vector<16xf32>,
        tpu.vector_store %arg10[%swap3A_1135, %swap3A_1136], %get3A_757 {add = true, strides = array<i32>} : memref<64x768xf32, #tpu.memory_space<vmem>>, vector<16xf32>,
        %swap3A_1138 = arith.index_cast %scan3A_1131 : i32 to index
        %swap3A_1139 = arith.constant 416 : index
        %swap3A_1140 = tpu.vector_load %arg10[%swap3A_1138, %swap3A_1139] {strides = array<i32>} : memref<64x768xf32, #tpu.memory_space<vmem>>, vector<16xf32>,
        tpu.vector_store %arg10[%swap3A_1138, %swap3A_1139], %get3A_761 {add = true, strides = array<i32>} : memref<64x768xf32, #tpu.memory_space<vmem>>, vector<16xf32>,
        %swap3A_1141 = arith.index_cast %scan3A_1131 : i32 to index
        %swap3A_1142 = arith.constant 432 : index
        %swap3A_1143 = tpu.vector_load %arg10[%swap3A_1141, %swap3A_1142] {strides = array<i32>} : memref<64x768xf32, #tpu.memory_space<vmem>>, vector<16xf32>,
        tpu.vector_store %arg10[%swap3A_1141, %swap3A_1142], %get3A_765 {add = true, strides = array<i32>} : memref<64x768xf32, #tpu.memory_space<vmem>>, vector<16xf32>,
        %swap3A_1144 = arith.index_cast %scan3A_1131 : i32 to index
        %swap3A_1145 = arith.constant 448 : index
        %swap3A_1146 = tpu.vector_load %arg10[%swap3A_1144, %swap3A_1145] {strides = array<i32>} : memref<64x768xf32, #tpu.memory_space<vmem>>, vector<16xf32>,
        tpu.vector_store %arg10[%swap3A_1144, %swap3A_1145], %get3A_769 {add = true, strides = array<i32>} : memref<64x768xf32, #tpu.memory_space<vmem>>, vector<16xf32>,
        %swap3A_1147 = arith.index_cast %scan3A_1131 : i32 to index
        %swap3A_1148 = arith.constant 464 : index
        %swap3A_1149 = tpu.vector_load %arg10[%swap3A_1147, %swap3A_1148] {strides = array<i32>} : memref<64x768xf32, #tpu.memory_space<vmem>>, vector<16xf32>,
        tpu.vector_store %arg10[%swap3A_1147, %swap3A_1148], %get3A_773 {add = true, strides = array<i32>} : memref<64x768xf32, #tpu.memory_space<vmem>>, vector<16xf32>,
        %swap3A_1150 = arith.index_cast %scan3A_1131 : i32 to index
        %swap3A_1151 = arith.constant 480 : index
        %swap3A_1152 = tpu.vector_load %arg10[%swap3A_1150, %swap3A_1151] {strides = array<i32>} : memref<64x768xf32, #tpu.memory_space<vmem>>, vector<16xf32>,
        tpu.vector_store %arg10[%swap3A_1150, %swap3A_1151], %get3A_777 {add = true, strides = array<i32>} : memref<64x768xf32, #tpu.memory_space<vmem>>, vector<16xf32>,
        %swap3A_1153 = arith.index_cast %scan3A_1131 : i32 to index
        %swap3A_1154 = arith.constant 496 : index
        %swap3A_1155 = tpu.vector_load %arg10[%swap3A_1153, %swap3A_1154] {strides = array<i32>} : memref<64x768xf32, #tpu.memory_space<vmem>>, vector<16xf32>,
        tpu.vector_store %arg10[%swap3A_1153, %swap3A_1154], %get3A_781 {add = true, strides = array<i32>} : memref<64x768xf32, #tpu.memory_space<vmem>>, vector<16xf32>,
      }
      %scan3A_787 = arith.constant 64 : i32
      %get3A_788 = arith.constant 0 : i32
      %get3A_789 = arith.index_cast %get3A_788 : i32 to index
      %get3A_790 = arith.constant 512 : index
      %get3A_791 = tpu.vector_load %arg12[%get3A_789, %get3A_790] {strides = array<i32>} : memref<1x768xf32, #tpu.memory_space<vmem>>, vector<16xf32>,
      %get3A_792 = arith.constant 0 : i32
      %get3A_793 = arith.index_cast %get3A_792 : i32 to index
      %get3A_794 = arith.constant 528 : index
      %get3A_795 = tpu.vector_load %arg12[%get3A_793, %get3A_794] {strides = array<i32>} : memref<1x768xf32, #tpu.memory_space<vmem>>, vector<16xf32>,
      %get3A_796 = arith.constant 0 : i32
      %get3A_797 = arith.index_cast %get3A_796 : i32 to index
      %get3A_798 = arith.constant 544 : index
      %get3A_799 = tpu.vector_load %arg12[%get3A_797, %get3A_798] {strides = array<i32>} : memref<1x768xf32, #tpu.memory_space<vmem>>, vector<16xf32>,
      %get3A_800 = arith.constant 0 : i32
      %get3A_801 = arith.index_cast %get3A_800 : i32 to index
      %get3A_802 = arith.constant 560 : index
      %get3A_803 = tpu.vector_load %arg12[%get3A_801, %get3A_802] {strides = array<i32>} : memref<1x768xf32, #tpu.memory_space<vmem>>, vector<16xf32>,
      %get3A_804 = arith.constant 0 : i32
      %get3A_805 = arith.index_cast %get3A_804 : i32 to index
      %get3A_806 = arith.constant 576 : index
      %get3A_807 = tpu.vector_load %arg12[%get3A_805, %get3A_806] {strides = array<i32>} : memref<1x768xf32, #tpu.memory_space<vmem>>, vector<16xf32>,
      %get3A_808 = arith.constant 0 : i32
      %get3A_809 = arith.index_cast %get3A_808 : i32 to index
      %get3A_810 = arith.constant 592 : index
      %get3A_811 = tpu.vector_load %arg12[%get3A_809, %get3A_810] {strides = array<i32>} : memref<1x768xf32, #tpu.memory_space<vmem>>, vector<16xf32>,
      %get3A_812 = arith.constant 0 : i32
      %get3A_813 = arith.index_cast %get3A_812 : i32 to index
      %get3A_814 = arith.constant 608 : index
      %get3A_815 = tpu.vector_load %arg12[%get3A_813, %get3A_814] {strides = array<i32>} : memref<1x768xf32, #tpu.memory_space<vmem>>, vector<16xf32>,
      %get3A_816 = arith.constant 0 : i32
      %get3A_817 = arith.index_cast %get3A_816 : i32 to index
      %get3A_818 = arith.constant 624 : index
      %get3A_819 = tpu.vector_load %arg12[%get3A_817, %get3A_818] {strides = array<i32>} : memref<1x768xf32, #tpu.memory_space<vmem>>, vector<16xf32>,
      %scan3A_820 = arith.constant 0 : i32
      %scan3A_821 = arith.constant 0 : i32
      %scan3A_822 = arith.constant 64 : i32
      %scan3A_823 = arith.addi %scan3A_821, %scan3A_822 : i32
      %scan3A_824 = arith.constant 1 : i32
      scf.for %scan3A_1131 = %scan3A_821 to %scan3A_823 step %scan3A_824  : i32 {
        %swap3A_1132 = arith.index_cast %scan3A_1131 : i32 to index
        %swap3A_1133 = arith.constant 512 : index
        %swap3A_1134 = tpu.vector_load %arg10[%swap3A_1132, %swap3A_1133] {strides = array<i32>} : memref<64x768xf32, #tpu.memory_space<vmem>>, vector<16xf32>,
        tpu.vector_store %arg10[%swap3A_1132, %swap3A_1133], %get3A_791 {add = true, strides = array<i32>} : memref<64x768xf32, #tpu.memory_space<vmem>>, vector<16xf32>,
        %swap3A_1135 = arith.index_cast %scan3A_1131 : i32 to index
        %swap3A_1136 = arith.constant 528 : index
        %swap3A_1137 = tpu.vector_load %arg10[%swap3A_1135, %swap3A_1136] {strides = array<i32>} : memref<64x768xf32, #tpu.memory_space<vmem>>, vector<16xf32>,
        tpu.vector_store %arg10[%swap3A_1135, %swap3A_1136], %get3A_795 {add = true, strides = array<i32>} : memref<64x768xf32, #tpu.memory_space<vmem>>, vector<16xf32>,
        %swap3A_1138 = arith.index_cast %scan3A_1131 : i32 to index
        %swap3A_1139 = arith.constant 544 : index
        %swap3A_1140 = tpu.vector_load %arg10[%swap3A_1138, %swap3A_1139] {strides = array<i32>} : memref<64x768xf32, #tpu.memory_space<vmem>>, vector<16xf32>,
        tpu.vector_store %arg10[%swap3A_1138, %swap3A_1139], %get3A_799 {add = true, strides = array<i32>} : memref<64x768xf32, #tpu.memory_space<vmem>>, vector<16xf32>,
        %swap3A_1141 = arith.index_cast %scan3A_1131 : i32 to index
        %swap3A_1142 = arith.constant 560 : index
        %swap3A_1143 = tpu.vector_load %arg10[%swap3A_1141, %swap3A_1142] {strides = array<i32>} : memref<64x768xf32, #tpu.memory_space<vmem>>, vector<16xf32>,
        tpu.vector_store %arg10[%swap3A_1141, %swap3A_1142], %get3A_803 {add = true, strides = array<i32>} : memref<64x768xf32, #tpu.memory_space<vmem>>, vector<16xf32>,
        %swap3A_1144 = arith.index_cast %scan3A_1131 : i32 to index
        %swap3A_1145 = arith.constant 576 : index
        %swap3A_1146 = tpu.vector_load %arg10[%swap3A_1144, %swap3A_1145] {strides = array<i32>} : memref<64x768xf32, #tpu.memory_space<vmem>>, vector<16xf32>,
        tpu.vector_store %arg10[%swap3A_1144, %swap3A_1145], %get3A_807 {add = true, strides = array<i32>} : memref<64x768xf32, #tpu.memory_space<vmem>>, vector<16xf32>,
        %swap3A_1147 = arith.index_cast %scan3A_1131 : i32 to index
        %swap3A_1148 = arith.constant 592 : index
        %swap3A_1149 = tpu.vector_load %arg10[%swap3A_1147, %swap3A_1148] {strides = array<i32>} : memref<64x768xf32, #tpu.memory_space<vmem>>, vector<16xf32>,
        tpu.vector_store %arg10[%swap3A_1147, %swap3A_1148], %get3A_811 {add = true, strides = array<i32>} : memref<64x768xf32, #tpu.memory_space<vmem>>, vector<16xf32>,
        %swap3A_1150 = arith.index_cast %scan3A_1131 : i32 to index
        %swap3A_1151 = arith.constant 608 : index
        %swap3A_1152 = tpu.vector_load %arg10[%swap3A_1150, %swap3A_1151] {strides = array<i32>} : memref<64x768xf32, #tpu.memory_space<vmem>>, vector<16xf32>,
        tpu.vector_store %arg10[%swap3A_1150, %swap3A_1151], %get3A_815 {add = true, strides = array<i32>} : memref<64x768xf32, #tpu.memory_space<vmem>>, vector<16xf32>,
        %swap3A_1153 = arith.index_cast %scan3A_1131 : i32 to index
        %swap3A_1154 = arith.constant 624 : index
        %swap3A_1155 = tpu.vector_load %arg10[%swap3A_1153, %swap3A_1154] {strides = array<i32>} : memref<64x768xf32, #tpu.memory_space<vmem>>, vector<16xf32>,
        tpu.vector_store %arg10[%swap3A_1153, %swap3A_1154], %get3A_819 {add = true, strides = array<i32>} : memref<64x768xf32, #tpu.memory_space<vmem>>, vector<16xf32>,
      }
      %scan3A_825 = arith.constant 64 : i32
      %get3A_826 = arith.constant 0 : i32
      %get3A_827 = arith.index_cast %get3A_826 : i32 to index
      %get3A_828 = arith.constant 640 : index
      %get3A_829 = tpu.vector_load %arg12[%get3A_827, %get3A_828] {strides = array<i32>} : memref<1x768xf32, #tpu.memory_space<vmem>>, vector<16xf32>,
      %get3A_830 = arith.constant 0 : i32
      %get3A_831 = arith.index_cast %get3A_830 : i32 to index
      %get3A_832 = arith.constant 656 : index
      %get3A_833 = tpu.vector_load %arg12[%get3A_831, %get3A_832] {strides = array<i32>} : memref<1x768xf32, #tpu.memory_space<vmem>>, vector<16xf32>,
      %get3A_834 = arith.constant 0 : i32
      %get3A_835 = arith.index_cast %get3A_834 : i32 to index
      %get3A_836 = arith.constant 672 : index
      %get3A_837 = tpu.vector_load %arg12[%get3A_835, %get3A_836] {strides = array<i32>} : memref<1x768xf32, #tpu.memory_space<vmem>>, vector<16xf32>,
      %get3A_838 = arith.constant 0 : i32
      %get3A_839 = arith.index_cast %get3A_838 : i32 to index
      %get3A_840 = arith.constant 688 : index
      %get3A_841 = tpu.vector_load %arg12[%get3A_839, %get3A_840] {strides = array<i32>} : memref<1x768xf32, #tpu.memory_space<vmem>>, vector<16xf32>,
      %get3A_842 = arith.constant 0 : i32
      %get3A_843 = arith.index_cast %get3A_842 : i32 to index
      %get3A_844 = arith.constant 704 : index
      %get3A_845 = tpu.vector_load %arg12[%get3A_843, %get3A_844] {strides = array<i32>} : memref<1x768xf32, #tpu.memory_space<vmem>>, vector<16xf32>,
      %get3A_846 = arith.constant 0 : i32
      %get3A_847 = arith.index_cast %get3A_846 : i32 to index
      %get3A_848 = arith.constant 720 : index
      %get3A_849 = tpu.vector_load %arg12[%get3A_847, %get3A_848] {strides = array<i32>} : memref<1x768xf32, #tpu.memory_space<vmem>>, vector<16xf32>,
      %get3A_850 = arith.constant 0 : i32
      %get3A_851 = arith.index_cast %get3A_850 : i32 to index
      %get3A_852 = arith.constant 736 : index
      %get3A_853 = tpu.vector_load %arg12[%get3A_851, %get3A_852] {strides = array<i32>} : memref<1x768xf32, #tpu.memory_space<vmem>>, vector<16xf32>,
      %get3A_854 = arith.constant 0 : i32
      %get3A_855 = arith.index_cast %get3A_854 : i32 to index
      %get3A_856 = arith.constant 752 : index
      %get3A_857 = tpu.vector_load %arg12[%get3A_855, %get3A_856] {strides = array<i32>} : memref<1x768xf32, #tpu.memory_space<vmem>>, vector<16xf32>,
      %scan3A_858 = arith.constant 0 : i32
      %scan3A_859 = arith.constant 0 : i32
      %scan3A_860 = arith.constant 64 : i32
      %scan3A_861 = arith.addi %scan3A_859, %scan3A_860 : i32
      %scan3A_862 = arith.constant 1 : i32
      scf.for %scan3A_1131 = %scan3A_859 to %scan3A_861 step %scan3A_862  : i32 {
        %swap3A_1132 = arith.index_cast %scan3A_1131 : i32 to index
        %swap3A_1133 = arith.constant 640 : index
        %swap3A_1134 = tpu.vector_load %arg10[%swap3A_1132, %swap3A_1133] {strides = array<i32>} : memref<64x768xf32, #tpu.memory_space<vmem>>, vector<16xf32>,
        tpu.vector_store %arg10[%swap3A_1132, %swap3A_1133], %get3A_829 {add = true, strides = array<i32>} : memref<64x768xf32, #tpu.memory_space<vmem>>, vector<16xf32>,
        %swap3A_1135 = arith.index_cast %scan3A_1131 : i32 to index
        %swap3A_1136 = arith.constant 656 : index
        %swap3A_1137 = tpu.vector_load %arg10[%swap3A_1135, %swap3A_1136] {strides = array<i32>} : memref<64x768xf32, #tpu.memory_space<vmem>>, vector<16xf32>,
        tpu.vector_store %arg10[%swap3A_1135, %swap3A_1136], %get3A_833 {add = true, strides = array<i32>} : memref<64x768xf32, #tpu.memory_space<vmem>>, vector<16xf32>,
        %swap3A_1138 = arith.index_cast %scan3A_1131 : i32 to index
        %swap3A_1139 = arith.constant 672 : index
        %swap3A_1140 = tpu.vector_load %arg10[%swap3A_1138, %swap3A_1139] {strides = array<i32>} : memref<64x768xf32, #tpu.memory_space<vmem>>, vector<16xf32>,
        tpu.vector_store %arg10[%swap3A_1138, %swap3A_1139], %get3A_837 {add = true, strides = array<i32>} : memref<64x768xf32, #tpu.memory_space<vmem>>, vector<16xf32>,
        %swap3A_1141 = arith.index_cast %scan3A_1131 : i32 to index
        %swap3A_1142 = arith.constant 688 : index
        %swap3A_1143 = tpu.vector_load %arg10[%swap3A_1141, %swap3A_1142] {strides = array<i32>} : memref<64x768xf32, #tpu.memory_space<vmem>>, vector<16xf32>,
        tpu.vector_store %arg10[%swap3A_1141, %swap3A_1142], %get3A_841 {add = true, strides = array<i32>} : memref<64x768xf32, #tpu.memory_space<vmem>>, vector<16xf32>,
        %swap3A_1144 = arith.index_cast %scan3A_1131 : i32 to index
        %swap3A_1145 = arith.constant 704 : index
        %swap3A_1146 = tpu.vector_load %arg10[%swap3A_1144, %swap3A_1145] {strides = array<i32>} : memref<64x768xf32, #tpu.memory_space<vmem>>, vector<16xf32>,
        tpu.vector_store %arg10[%swap3A_1144, %swap3A_1145], %get3A_845 {add = true, strides = array<i32>} : memref<64x768xf32, #tpu.memory_space<vmem>>, vector<16xf32>,
        %swap3A_1147 = arith.index_cast %scan3A_1131 : i32 to index
        %swap3A_1148 = arith.constant 720 : index
        %swap3A_1149 = tpu.vector_load %arg10[%swap3A_1147, %swap3A_1148] {strides = array<i32>} : memref<64x768xf32, #tpu.memory_space<vmem>>, vector<16xf32>,
        tpu.vector_store %arg10[%swap3A_1147, %swap3A_1148], %get3A_849 {add = true, strides = array<i32>} : memref<64x768xf32, #tpu.memory_space<vmem>>, vector<16xf32>,
        %swap3A_1150 = arith.index_cast %scan3A_1131 : i32 to index
        %swap3A_1151 = arith.constant 736 : index
        %swap3A_1152 = tpu.vector_load %arg10[%swap3A_1150, %swap3A_1151] {strides = array<i32>} : memref<64x768xf32, #tpu.memory_space<vmem>>, vector<16xf32>,
        tpu.vector_store %arg10[%swap3A_1150, %swap3A_1151], %get3A_853 {add = true, strides = array<i32>} : memref<64x768xf32, #tpu.memory_space<vmem>>, vector<16xf32>,
        %swap3A_1153 = arith.index_cast %scan3A_1131 : i32 to index
        %swap3A_1154 = arith.constant 752 : index
        %swap3A_1155 = tpu.vector_load %arg10[%swap3A_1153, %swap3A_1154] {strides = array<i32>} : memref<64x768xf32, #tpu.memory_space<vmem>>, vector<16xf32>,
        tpu.vector_store %arg10[%swap3A_1153, %swap3A_1154], %get3A_857 {add = true, strides = array<i32>} : memref<64x768xf32, #tpu.memory_space<vmem>>, vector<16xf32>,
      }
      %scan3A_863 = arith.constant 64 : i32
      %dma_start3A_864 = arith.constant 0 : i32
      %dma_start3A_865 = tpu.memref_slice %arg6[%select_n3A_620, %multiple_of3A, %dma_start3A_864] : memref<76x1024x768xf32, #tpu.memory_space<hbm>> -> memref<1x64x768xf32, #tpu.memory_space<hbm>>
      %dma_start3A_866 = tpu.memref_squeeze %dma_start3A_865 : memref<1x64x768xf32, #tpu.memory_space<hbm>> -> memref<64x768xf32, #tpu.memory_space<hbm>>
      %dma_start3A_867 = arith.constant 0 : i32
      %dma_start3A_868 = tpu.memref_slice %arg6[%select_n3A_620, %multiple_of3A, %dma_start3A_867] : memref<76x1024x768xf32, #tpu.memory_space<hbm>> -> memref<1x64x768xf32, #tpu.memory_space<hbm>>
      %dma_start3A_869 = tpu.memref_squeeze %dma_start3A_868 : memref<1x64x768xf32, #tpu.memory_space<hbm>> -> memref<64x768xf32, #tpu.memory_space<hbm>>
      tpu.enqueue_dma source(%arg10 : memref<64x768xf32, #tpu.memory_space<vmem>>) target(%dma_start3A_869 : memref<64x768xf32, #tpu.memory_space<hbm>>) target_semaphore(%arg17 : memref<!tpu.dma_semaphore, #tpu.memory_space<semaphore_mem>>)
      %lt3A_870 = arith.constant 16 : i32
      %lt3A_871 = arith.cmpi slt, %scan3A_559, %lt3A_870 : i32
      %convert_element_type3A_872 = arith.extui %lt3A_871 : i1 to i32
      %cond3A_873 = arith.constant 0 : i32
      %cond3A_874 = arith.cmpi ne, %convert_element_type3A_872, %cond3A_873 : i32
      scf.if %cond3A_874 {
        %dma_wait3A_1131 = arith.constant 0 : i32
        %dma_wait3A_1132 = arith.constant 0 : i32
        %dma_wait3A_1133 = tpu.memref_slice %arg3[%dma_wait3A_1131, %dma_wait3A_1132] : memref<49408x768xf32, #tpu.memory_space<hbm>> -> memref<64x768xf32, #tpu.memory_space<hbm>>
        %dma_wait3A_1134 = arith.constant 0 : i32
        %dma_wait3A_1135 = arith.constant 0 : i32
        %dma_wait3A_1136 = tpu.memref_slice %arg3[%dma_wait3A_1134, %dma_wait3A_1135] : memref<49408x768xf32, #tpu.memory_space<hbm>> -> memref<64x768xf32, #tpu.memory_space<hbm>>
        tpu.wait_dma2 semaphore(%arg17 : memref<!tpu.dma_semaphore, #tpu.memory_space<semaphore_mem>>) src(%dma_wait3A_1136 : memref<64x768xf32, #tpu.memory_space<hbm>>) dst(%arg10 : memref<64x768xf32, #tpu.memory_space<vmem>>)
        %add3A_1137 = arith.constant 2 : i32
        %add3A_1138 = arith.addi %mul3A_561, %add3A_1137 : i32
        %add3A_1139 = arith.addi %mul3A_34, %add3A_1138 : i32
        %eq3A_1140 = arith.constant 0 : i32
        %eq3A_1141 = arith.cmpi eq, %add3A_1139, %eq3A_1140 : i32
        %add3A_1142 = arith.constant 8 : i32
        %add3A_1143 = arith.addi %add3A_1139, %add3A_1142 : i32
        %jit3A_1144 = arith.constant 0 : i32
        %select_n3A_1145 = arith.select %eq3A_1141, %jit3A_1144, %add3A_1143 : i32
        %broadcast_in_dim3A_1146 = arith.constant 0 : i32
        %broadcast_in_dim3A_1147 = vector.broadcast %broadcast_in_dim3A_1146 : i32 to vector<16xi32>
        %add3A_1148 = vector.broadcast %select_n3A_1145 : i32 to vector<16xi32>
        %add3A_1149 = arith.addi %broadcast_in_dim3A_1147, %add3A_1148 : vector<16xi32>
        %add3A_1150 = arith.constant 0 : i32
        %add3A_1151 = vector.broadcast %add3A_1150 : i32 to vector<16xi32>
        %add3A_1152 = arith.addi %add3A_1151, %iota3A : vector<16xi32>
        %gather3A_1153 = tpu.vector_load_idx %arg7[%add3A_1152, %add3A_1149] : memref<64x77xi32, #tpu.memory_space<vmem>>[vector<16xi32>, vector<16xi32>], vector<16xi32>,
        %swap3A_1154 = arith.constant 0 : index
        %swap3A_1155 = tpu.vector_load %arg8[%swap3A_1154] {strides = array<i32>} : memref<64xi32, #tpu.memory_space<vmem>>, vector<16xi32>,
        tpu.vector_store %arg8[%swap3A_1154], %gather3A_1153 {strides = array<i32>} : memref<64xi32, #tpu.memory_space<vmem>>, vector<16xi32>,
        %add3A_1156 = arith.constant 16 : i32
        %add3A_1157 = vector.broadcast %add3A_1156 : i32 to vector<16xi32>
        %add3A_1158 = arith.addi %add3A_1157, %iota3A : vector<16xi32>
        %gather3A_1159 = tpu.vector_load_idx %arg7[%add3A_1158, %add3A_1149] : memref<64x77xi32, #tpu.memory_space<vmem>>[vector<16xi32>, vector<16xi32>], vector<16xi32>,
        %swap3A_1160 = arith.constant 16 : index
        %swap3A_1161 = tpu.vector_load %arg8[%swap3A_1160] {strides = array<i32>} : memref<64xi32, #tpu.memory_space<vmem>>, vector<16xi32>,
        tpu.vector_store %arg8[%swap3A_1160], %gather3A_1159 {strides = array<i32>} : memref<64xi32, #tpu.memory_space<vmem>>, vector<16xi32>,
        %add3A_1162 = arith.constant 32 : i32
        %add3A_1163 = vector.broadcast %add3A_1162 : i32 to vector<16xi32>
        %add3A_1164 = arith.addi %add3A_1163, %iota3A : vector<16xi32>
        %gather3A_1165 = tpu.vector_load_idx %arg7[%add3A_1164, %add3A_1149] : memref<64x77xi32, #tpu.memory_space<vmem>>[vector<16xi32>, vector<16xi32>], vector<16xi32>,
        %swap3A_1166 = arith.constant 32 : index
        %swap3A_1167 = tpu.vector_load %arg8[%swap3A_1166] {strides = array<i32>} : memref<64xi32, #tpu.memory_space<vmem>>, vector<16xi32>,
        tpu.vector_store %arg8[%swap3A_1166], %gather3A_1165 {strides = array<i32>} : memref<64xi32, #tpu.memory_space<vmem>>, vector<16xi32>,
        %add3A_1168 = arith.constant 48 : i32
        %add3A_1169 = vector.broadcast %add3A_1168 : i32 to vector<16xi32>
        %add3A_1170 = arith.addi %add3A_1169, %iota3A : vector<16xi32>
        %gather3A_1171 = tpu.vector_load_idx %arg7[%add3A_1170, %add3A_1149] : memref<64x77xi32, #tpu.memory_space<vmem>>[vector<16xi32>, vector<16xi32>], vector<16xi32>,
        %swap3A_1172 = arith.constant 48 : index
        %swap3A_1173 = tpu.vector_load %arg8[%swap3A_1172] {strides = array<i32>} : memref<64xi32, #tpu.memory_space<vmem>>, vector<16xi32>,
        tpu.vector_store %arg8[%swap3A_1172], %gather3A_1171 {strides = array<i32>} : memref<64xi32, #tpu.memory_space<vmem>>, vector<16xi32>,
        %dma_start3A_1174 = arith.constant 0 : i32
        %dma_start3A_1175 = arith.constant 0 : i32
        %dma_start3A_1176 = tpu.memref_slice %arg3[%dma_start3A_1174, %dma_start3A_1175] : memref<49408x768xf32, #tpu.memory_space<hbm>> -> memref<49408x768xf32, #tpu.memory_space<hbm>>
        tpu.enqueue_indirect_dma source(%dma_start3A_1176 : memref<49408x768xf32, #tpu.memory_space<hbm>>) target(%arg10 : memref<64x768xf32, #tpu.memory_space<vmem>>) offsets(%arg8 : memref<64xi32, #tpu.memory_space<vmem>>) semaphore(%arg15 : memref<!tpu.dma_semaphore, #tpu.memory_space<semaphore_mem>>)
        %dma_start3A_1177 = arith.constant 0 : i32
        %dma_start3A_1178 = arith.constant 0 : i32
        %dma_start3A_1179 = tpu.memref_slice %arg4[%select_n3A_1145, %dma_start3A_1177, %dma_start3A_1178] : memref<77x1x768xf32, #tpu.memory_space<hbm>> -> memref<1x1x768xf32, #tpu.memory_space<hbm>>
        %dma_start3A_1180 = tpu.memref_squeeze %dma_start3A_1179 : memref<1x1x768xf32, #tpu.memory_space<hbm>> -> memref<1x768xf32, #tpu.memory_space<hbm>>
        %dma_start3A_1181 = arith.constant 0 : i32
        %dma_start3A_1182 = arith.constant 0 : i32
        %dma_start3A_1183 = tpu.memref_slice %arg4[%select_n3A_1145, %dma_start3A_1181, %dma_start3A_1182] : memref<77x1x768xf32, #tpu.memory_space<hbm>> -> memref<1x1x768xf32, #tpu.memory_space<hbm>>
        %dma_start3A_1184 = tpu.memref_squeeze %dma_start3A_1183 : memref<1x1x768xf32, #tpu.memory_space<hbm>> -> memref<1x768xf32, #tpu.memory_space<hbm>>
        tpu.enqueue_dma source(%dma_start3A_1184 : memref<1x768xf32, #tpu.memory_space<hbm>>) target(%arg12 : memref<1x768xf32, #tpu.memory_space<vmem>>) target_semaphore(%arg15 : memref<!tpu.dma_semaphore, #tpu.memory_space<semaphore_mem>>)
      } else {
      }
      %add3A_875 = arith.addi %mul3A_34, %add3A_565 : i32
      %eq3A_876 = arith.constant 0 : i32
      %eq3A_877 = arith.cmpi eq, %add3A_875, %eq3A_876 : i32
      %add3A_878 = arith.constant 8 : i32
      %add3A_879 = arith.addi %add3A_875, %add3A_878 : i32
      %jit3A_880 = arith.constant 0 : i32
      %select_n3A_881 = arith.select %eq3A_877, %jit3A_880, %add3A_879 : i32
      %dma_wait3A_882 = arith.constant 0 : i32
      %dma_wait3A_883 = arith.constant 0 : i32
      %dma_wait3A_884 = tpu.memref_slice %arg3[%dma_wait3A_882, %dma_wait3A_883] : memref<49408x768xf32, #tpu.memory_space<hbm>> -> memref<64x768xf32, #tpu.memory_space<hbm>>
      %dma_wait3A_885 = arith.constant 0 : i32
      %dma_wait3A_886 = arith.constant 0 : i32
      %dma_wait3A_887 = tpu.memref_slice %arg3[%dma_wait3A_885, %dma_wait3A_886] : memref<49408x768xf32, #tpu.memory_space<hbm>> -> memref<64x768xf32, #tpu.memory_space<hbm>>
      tpu.wait_dma2 semaphore(%arg16 : memref<!tpu.dma_semaphore, #tpu.memory_space<semaphore_mem>>) src(%dma_wait3A_887 : memref<64x768xf32, #tpu.memory_space<hbm>>) dst(%arg11 : memref<64x768xf32, #tpu.memory_space<vmem>>)
      %dma_wait3A_888 = arith.constant 0 : i32
      %dma_wait3A_889 = arith.constant 0 : i32
      %dma_wait3A_890 = arith.constant 0 : i32
      %dma_wait3A_891 = tpu.memref_slice %arg4[%dma_wait3A_888, %dma_wait3A_889, %dma_wait3A_890] : memref<77x1x768xf32, #tpu.memory_space<hbm>> -> memref<1x1x768xf32, #tpu.memory_space<hbm>>
      %dma_wait3A_892 = tpu.memref_squeeze %dma_wait3A_891 : memref<1x1x768xf32, #tpu.memory_space<hbm>> -> memref<1x768xf32, #tpu.memory_space<hbm>>
      %dma_wait3A_893 = arith.constant 0 : i32
      %dma_wait3A_894 = arith.constant 0 : i32
      %dma_wait3A_895 = tpu.memref_slice %arg4[%dma_wait3A_888, %dma_wait3A_893, %dma_wait3A_894] : memref<77x1x768xf32, #tpu.memory_space<hbm>> -> memref<1x1x768xf32, #tpu.memory_space<hbm>>
      %dma_wait3A_896 = tpu.memref_squeeze %dma_wait3A_895 : memref<1x1x768xf32, #tpu.memory_space<hbm>> -> memref<1x768xf32, #tpu.memory_space<hbm>>
      tpu.wait_dma2 semaphore(%arg16 : memref<!tpu.dma_semaphore, #tpu.memory_space<semaphore_mem>>) src(%dma_wait3A_896 : memref<1x768xf32, #tpu.memory_space<hbm>>) dst(%arg13 : memref<1x768xf32, #tpu.memory_space<vmem>>)
      %get3A_897 = arith.constant 0 : i32
      %get3A_898 = arith.index_cast %get3A_897 : i32 to index
      %get3A_899 = arith.constant 0 : index
      %get3A_900 = tpu.vector_load %arg13[%get3A_898, %get3A_899] {strides = array<i32>} : memref<1x768xf32, #tpu.memory_space<vmem>>, vector<16xf32>,
      %get3A_901 = arith.constant 0 : i32
      %get3A_902 = arith.index_cast %get3A_901 : i32 to index
      %get3A_903 = arith.constant 16 : index
      %get3A_904 = tpu.vector_load %arg13[%get3A_902, %get3A_903] {strides = array<i32>} : memref<1x768xf32, #tpu.memory_space<vmem>>, vector<16xf32>,
      %get3A_905 = arith.constant 0 : i32
      %get3A_906 = arith.index_cast %get3A_905 : i32 to index
      %get3A_907 = arith.constant 32 : index
      %get3A_908 = tpu.vector_load %arg13[%get3A_906, %get3A_907] {strides = array<i32>} : memref<1x768xf32, #tpu.memory_space<vmem>>, vector<16xf32>,
      %get3A_909 = arith.constant 0 : i32
      %get3A_910 = arith.index_cast %get3A_909 : i32 to index
      %get3A_911 = arith.constant 48 : index
      %get3A_912 = tpu.vector_load %arg13[%get3A_910, %get3A_911] {strides = array<i32>} : memref<1x768xf32, #tpu.memory_space<vmem>>, vector<16xf32>,
      %get3A_913 = arith.constant 0 : i32
      %get3A_914 = arith.index_cast %get3A_913 : i32 to index
      %get3A_915 = arith.constant 64 : index
      %get3A_916 = tpu.vector_load %arg13[%get3A_914, %get3A_915] {strides = array<i32>} : memref<1x768xf32, #tpu.memory_space<vmem>>, vector<16xf32>,
      %get3A_917 = arith.constant 0 : i32
      %get3A_918 = arith.index_cast %get3A_917 : i32 to index
      %get3A_919 = arith.constant 80 : index
      %get3A_920 = tpu.vector_load %arg13[%get3A_918, %get3A_919] {strides = array<i32>} : memref<1x768xf32, #tpu.memory_space<vmem>>, vector<16xf32>,
      %get3A_921 = arith.constant 0 : i32
      %get3A_922 = arith.index_cast %get3A_921 : i32 to index
      %get3A_923 = arith.constant 96 : index
      %get3A_924 = tpu.vector_load %arg13[%get3A_922, %get3A_923] {strides = array<i32>} : memref<1x768xf32, #tpu.memory_space<vmem>>, vector<16xf32>,
      %get3A_925 = arith.constant 0 : i32
      %get3A_926 = arith.index_cast %get3A_925 : i32 to index
      %get3A_927 = arith.constant 112 : index
      %get3A_928 = tpu.vector_load %arg13[%get3A_926, %get3A_927] {strides = array<i32>} : memref<1x768xf32, #tpu.memory_space<vmem>>, vector<16xf32>,
      %scan3A_929 = arith.constant 0 : i32
      %scan3A_930 = arith.constant 0 : i32
      %scan3A_931 = arith.constant 64 : i32
      %scan3A_932 = arith.addi %scan3A_930, %scan3A_931 : i32
      %scan3A_933 = arith.constant 1 : i32
      scf.for %scan3A_1131 = %scan3A_930 to %scan3A_932 step %scan3A_933  : i32 {
        %swap3A_1132 = arith.index_cast %scan3A_1131 : i32 to index
        %swap3A_1133 = arith.constant 0 : index
        %swap3A_1134 = tpu.vector_load %arg11[%swap3A_1132, %swap3A_1133] {strides = array<i32>} : memref<64x768xf32, #tpu.memory_space<vmem>>, vector<16xf32>,
        tpu.vector_store %arg11[%swap3A_1132, %swap3A_1133], %get3A_900 {add = true, strides = array<i32>} : memref<64x768xf32, #tpu.memory_space<vmem>>, vector<16xf32>,
        %swap3A_1135 = arith.index_cast %scan3A_1131 : i32 to index
        %swap3A_1136 = arith.constant 16 : index
        %swap3A_1137 = tpu.vector_load %arg11[%swap3A_1135, %swap3A_1136] {strides = array<i32>} : memref<64x768xf32, #tpu.memory_space<vmem>>, vector<16xf32>,
        tpu.vector_store %arg11[%swap3A_1135, %swap3A_1136], %get3A_904 {add = true, strides = array<i32>} : memref<64x768xf32, #tpu.memory_space<vmem>>, vector<16xf32>,
        %swap3A_1138 = arith.index_cast %scan3A_1131 : i32 to index
        %swap3A_1139 = arith.constant 32 : index
        %swap3A_1140 = tpu.vector_load %arg11[%swap3A_1138, %swap3A_1139] {strides = array<i32>} : memref<64x768xf32, #tpu.memory_space<vmem>>, vector<16xf32>,
        tpu.vector_store %arg11[%swap3A_1138, %swap3A_1139], %get3A_908 {add = true, strides = array<i32>} : memref<64x768xf32, #tpu.memory_space<vmem>>, vector<16xf32>,
        %swap3A_1141 = arith.index_cast %scan3A_1131 : i32 to index
        %swap3A_1142 = arith.constant 48 : index
        %swap3A_1143 = tpu.vector_load %arg11[%swap3A_1141, %swap3A_1142] {strides = array<i32>} : memref<64x768xf32, #tpu.memory_space<vmem>>, vector<16xf32>,
        tpu.vector_store %arg11[%swap3A_1141, %swap3A_1142], %get3A_912 {add = true, strides = array<i32>} : memref<64x768xf32, #tpu.memory_space<vmem>>, vector<16xf32>,
        %swap3A_1144 = arith.index_cast %scan3A_1131 : i32 to index
        %swap3A_1145 = arith.constant 64 : index
        %swap3A_1146 = tpu.vector_load %arg11[%swap3A_1144, %swap3A_1145] {strides = array<i32>} : memref<64x768xf32, #tpu.memory_space<vmem>>, vector<16xf32>,
        tpu.vector_store %arg11[%swap3A_1144, %swap3A_1145], %get3A_916 {add = true, strides = array<i32>} : memref<64x768xf32, #tpu.memory_space<vmem>>, vector<16xf32>,
        %swap3A_1147 = arith.index_cast %scan3A_1131 : i32 to index
        %swap3A_1148 = arith.constant 80 : index
        %swap3A_1149 = tpu.vector_load %arg11[%swap3A_1147, %swap3A_1148] {strides = array<i32>} : memref<64x768xf32, #tpu.memory_space<vmem>>, vector<16xf32>,
        tpu.vector_store %arg11[%swap3A_1147, %swap3A_1148], %get3A_920 {add = true, strides = array<i32>} : memref<64x768xf32, #tpu.memory_space<vmem>>, vector<16xf32>,
        %swap3A_1150 = arith.index_cast %scan3A_1131 : i32 to index
        %swap3A_1151 = arith.constant 96 : index
        %swap3A_1152 = tpu.vector_load %arg11[%swap3A_1150, %swap3A_1151] {strides = array<i32>} : memref<64x768xf32, #tpu.memory_space<vmem>>, vector<16xf32>,
        tpu.vector_store %arg11[%swap3A_1150, %swap3A_1151], %get3A_924 {add = true, strides = array<i32>} : memref<64x768xf32, #tpu.memory_space<vmem>>, vector<16xf32>,
        %swap3A_1153 = arith.index_cast %scan3A_1131 : i32 to index
        %swap3A_1154 = arith.constant 112 : index
        %swap3A_1155 = tpu.vector_load %arg11[%swap3A_1153, %swap3A_1154] {strides = array<i32>} : memref<64x768xf32, #tpu.memory_space<vmem>>, vector<16xf32>,
        tpu.vector_store %arg11[%swap3A_1153, %swap3A_1154], %get3A_928 {add = true, strides = array<i32>} : memref<64x768xf32, #tpu.memory_space<vmem>>, vector<16xf32>,
      }
      %scan3A_934 = arith.constant 64 : i32
      %get3A_935 = arith.constant 0 : i32
      %get3A_936 = arith.index_cast %get3A_935 : i32 to index
      %get3A_937 = arith.constant 128 : index
      %get3A_938 = tpu.vector_load %arg13[%get3A_936, %get3A_937] {strides = array<i32>} : memref<1x768xf32, #tpu.memory_space<vmem>>, vector<16xf32>,
      %get3A_939 = arith.constant 0 : i32
      %get3A_940 = arith.index_cast %get3A_939 : i32 to index
      %get3A_941 = arith.constant 144 : index
      %get3A_942 = tpu.vector_load %arg13[%get3A_940, %get3A_941] {strides = array<i32>} : memref<1x768xf32, #tpu.memory_space<vmem>>, vector<16xf32>,
      %get3A_943 = arith.constant 0 : i32
      %get3A_944 = arith.index_cast %get3A_943 : i32 to index
      %get3A_945 = arith.constant 160 : index
      %get3A_946 = tpu.vector_load %arg13[%get3A_944, %get3A_945] {strides = array<i32>} : memref<1x768xf32, #tpu.memory_space<vmem>>, vector<16xf32>,
      %get3A_947 = arith.constant 0 : i32
      %get3A_948 = arith.index_cast %get3A_947 : i32 to index
      %get3A_949 = arith.constant 176 : index
      %get3A_950 = tpu.vector_load %arg13[%get3A_948, %get3A_949] {strides = array<i32>} : memref<1x768xf32, #tpu.memory_space<vmem>>, vector<16xf32>,
      %get3A_951 = arith.constant 0 : i32
      %get3A_952 = arith.index_cast %get3A_951 : i32 to index
      %get3A_953 = arith.constant 192 : index
      %get3A_954 = tpu.vector_load %arg13[%get3A_952, %get3A_953] {strides = array<i32>} : memref<1x768xf32, #tpu.memory_space<vmem>>, vector<16xf32>,
      %get3A_955 = arith.constant 0 : i32
      %get3A_956 = arith.index_cast %get3A_955 : i32 to index
      %get3A_957 = arith.constant 208 : index
      %get3A_958 = tpu.vector_load %arg13[%get3A_956, %get3A_957] {strides = array<i32>} : memref<1x768xf32, #tpu.memory_space<vmem>>, vector<16xf32>,
      %get3A_959 = arith.constant 0 : i32
      %get3A_960 = arith.index_cast %get3A_959 : i32 to index
      %get3A_961 = arith.constant 224 : index
      %get3A_962 = tpu.vector_load %arg13[%get3A_960, %get3A_961] {strides = array<i32>} : memref<1x768xf32, #tpu.memory_space<vmem>>, vector<16xf32>,
      %get3A_963 = arith.constant 0 : i32
      %get3A_964 = arith.index_cast %get3A_963 : i32 to index
      %get3A_965 = arith.constant 240 : index
      %get3A_966 = tpu.vector_load %arg13[%get3A_964, %get3A_965] {strides = array<i32>} : memref<1x768xf32, #tpu.memory_space<vmem>>, vector<16xf32>,
      %scan3A_967 = arith.constant 0 : i32
      %scan3A_968 = arith.constant 0 : i32
      %scan3A_969 = arith.constant 64 : i32
      %scan3A_970 = arith.addi %scan3A_968, %scan3A_969 : i32
      %scan3A_971 = arith.constant 1 : i32
      scf.for %scan3A_1131 = %scan3A_968 to %scan3A_970 step %scan3A_971  : i32 {
        %swap3A_1132 = arith.index_cast %scan3A_1131 : i32 to index
        %swap3A_1133 = arith.constant 128 : index
        %swap3A_1134 = tpu.vector_load %arg11[%swap3A_1132, %swap3A_1133] {strides = array<i32>} : memref<64x768xf32, #tpu.memory_space<vmem>>, vector<16xf32>,
        tpu.vector_store %arg11[%swap3A_1132, %swap3A_1133], %get3A_938 {add = true, strides = array<i32>} : memref<64x768xf32, #tpu.memory_space<vmem>>, vector<16xf32>,
        %swap3A_1135 = arith.index_cast %scan3A_1131 : i32 to index
        %swap3A_1136 = arith.constant 144 : index
        %swap3A_1137 = tpu.vector_load %arg11[%swap3A_1135, %swap3A_1136] {strides = array<i32>} : memref<64x768xf32, #tpu.memory_space<vmem>>, vector<16xf32>,
        tpu.vector_store %arg11[%swap3A_1135, %swap3A_1136], %get3A_942 {add = true, strides = array<i32>} : memref<64x768xf32, #tpu.memory_space<vmem>>, vector<16xf32>,
        %swap3A_1138 = arith.index_cast %scan3A_1131 : i32 to index
        %swap3A_1139 = arith.constant 160 : index
        %swap3A_1140 = tpu.vector_load %arg11[%swap3A_1138, %swap3A_1139] {strides = array<i32>} : memref<64x768xf32, #tpu.memory_space<vmem>>, vector<16xf32>,
        tpu.vector_store %arg11[%swap3A_1138, %swap3A_1139], %get3A_946 {add = true, strides = array<i32>} : memref<64x768xf32, #tpu.memory_space<vmem>>, vector<16xf32>,
        %swap3A_1141 = arith.index_cast %scan3A_1131 : i32 to index
        %swap3A_1142 = arith.constant 176 : index
        %swap3A_1143 = tpu.vector_load %arg11[%swap3A_1141, %swap3A_1142] {strides = array<i32>} : memref<64x768xf32, #tpu.memory_space<vmem>>, vector<16xf32>,
        tpu.vector_store %arg11[%swap3A_1141, %swap3A_1142], %get3A_950 {add = true, strides = array<i32>} : memref<64x768xf32, #tpu.memory_space<vmem>>, vector<16xf32>,
        %swap3A_1144 = arith.index_cast %scan3A_1131 : i32 to index
        %swap3A_1145 = arith.constant 192 : index
        %swap3A_1146 = tpu.vector_load %arg11[%swap3A_1144, %swap3A_1145] {strides = array<i32>} : memref<64x768xf32, #tpu.memory_space<vmem>>, vector<16xf32>,
        tpu.vector_store %arg11[%swap3A_1144, %swap3A_1145], %get3A_954 {add = true, strides = array<i32>} : memref<64x768xf32, #tpu.memory_space<vmem>>, vector<16xf32>,
        %swap3A_1147 = arith.index_cast %scan3A_1131 : i32 to index
        %swap3A_1148 = arith.constant 208 : index
        %swap3A_1149 = tpu.vector_load %arg11[%swap3A_1147, %swap3A_1148] {strides = array<i32>} : memref<64x768xf32, #tpu.memory_space<vmem>>, vector<16xf32>,
        tpu.vector_store %arg11[%swap3A_1147, %swap3A_1148], %get3A_958 {add = true, strides = array<i32>} : memref<64x768xf32, #tpu.memory_space<vmem>>, vector<16xf32>,
        %swap3A_1150 = arith.index_cast %scan3A_1131 : i32 to index
        %swap3A_1151 = arith.constant 224 : index
        %swap3A_1152 = tpu.vector_load %arg11[%swap3A_1150, %swap3A_1151] {strides = array<i32>} : memref<64x768xf32, #tpu.memory_space<vmem>>, vector<16xf32>,
        tpu.vector_store %arg11[%swap3A_1150, %swap3A_1151], %get3A_962 {add = true, strides = array<i32>} : memref<64x768xf32, #tpu.memory_space<vmem>>, vector<16xf32>,
        %swap3A_1153 = arith.index_cast %scan3A_1131 : i32 to index
        %swap3A_1154 = arith.constant 240 : index
        %swap3A_1155 = tpu.vector_load %arg11[%swap3A_1153, %swap3A_1154] {strides = array<i32>} : memref<64x768xf32, #tpu.memory_space<vmem>>, vector<16xf32>,
        tpu.vector_store %arg11[%swap3A_1153, %swap3A_1154], %get3A_966 {add = true, strides = array<i32>} : memref<64x768xf32, #tpu.memory_space<vmem>>, vector<16xf32>,
      }
      %scan3A_972 = arith.constant 64 : i32
      %get3A_973 = arith.constant 0 : i32
      %get3A_974 = arith.index_cast %get3A_973 : i32 to index
      %get3A_975 = arith.constant 256 : index
      %get3A_976 = tpu.vector_load %arg13[%get3A_974, %get3A_975] {strides = array<i32>} : memref<1x768xf32, #tpu.memory_space<vmem>>, vector<16xf32>,
      %get3A_977 = arith.constant 0 : i32
      %get3A_978 = arith.index_cast %get3A_977 : i32 to index
      %get3A_979 = arith.constant 272 : index
      %get3A_980 = tpu.vector_load %arg13[%get3A_978, %get3A_979] {strides = array<i32>} : memref<1x768xf32, #tpu.memory_space<vmem>>, vector<16xf32>,
      %get3A_981 = arith.constant 0 : i32
      %get3A_982 = arith.index_cast %get3A_981 : i32 to index
      %get3A_983 = arith.constant 288 : index
      %get3A_984 = tpu.vector_load %arg13[%get3A_982, %get3A_983] {strides = array<i32>} : memref<1x768xf32, #tpu.memory_space<vmem>>, vector<16xf32>,
      %get3A_985 = arith.constant 0 : i32
      %get3A_986 = arith.index_cast %get3A_985 : i32 to index
      %get3A_987 = arith.constant 304 : index
      %get3A_988 = tpu.vector_load %arg13[%get3A_986, %get3A_987] {strides = array<i32>} : memref<1x768xf32, #tpu.memory_space<vmem>>, vector<16xf32>,
      %get3A_989 = arith.constant 0 : i32
      %get3A_990 = arith.index_cast %get3A_989 : i32 to index
      %get3A_991 = arith.constant 320 : index
      %get3A_992 = tpu.vector_load %arg13[%get3A_990, %get3A_991] {strides = array<i32>} : memref<1x768xf32, #tpu.memory_space<vmem>>, vector<16xf32>,
      %get3A_993 = arith.constant 0 : i32
      %get3A_994 = arith.index_cast %get3A_993 : i32 to index
      %get3A_995 = arith.constant 336 : index
      %get3A_996 = tpu.vector_load %arg13[%get3A_994, %get3A_995] {strides = array<i32>} : memref<1x768xf32, #tpu.memory_space<vmem>>, vector<16xf32>,
      %get3A_997 = arith.constant 0 : i32
      %get3A_998 = arith.index_cast %get3A_997 : i32 to index
      %get3A_999 = arith.constant 352 : index
      %get3A_1000 = tpu.vector_load %arg13[%get3A_998, %get3A_999] {strides = array<i32>} : memref<1x768xf32, #tpu.memory_space<vmem>>, vector<16xf32>,
      %get3A_1001 = arith.constant 0 : i32
      %get3A_1002 = arith.index_cast %get3A_1001 : i32 to index
      %get3A_1003 = arith.constant 368 : index
      %get3A_1004 = tpu.vector_load %arg13[%get3A_1002, %get3A_1003] {strides = array<i32>} : memref<1x768xf32, #tpu.memory_space<vmem>>, vector<16xf32>,
      %scan3A_1005 = arith.constant 0 : i32
      %scan3A_1006 = arith.constant 0 : i32
      %scan3A_1007 = arith.constant 64 : i32
      %scan3A_1008 = arith.addi %scan3A_1006, %scan3A_1007 : i32
      %scan3A_1009 = arith.constant 1 : i32
      scf.for %scan3A_1131 = %scan3A_1006 to %scan3A_1008 step %scan3A_1009  : i32 {
        %swap3A_1132 = arith.index_cast %scan3A_1131 : i32 to index
        %swap3A_1133 = arith.constant 256 : index
        %swap3A_1134 = tpu.vector_load %arg11[%swap3A_1132, %swap3A_1133] {strides = array<i32>} : memref<64x768xf32, #tpu.memory_space<vmem>>, vector<16xf32>,
        tpu.vector_store %arg11[%swap3A_1132, %swap3A_1133], %get3A_976 {add = true, strides = array<i32>} : memref<64x768xf32, #tpu.memory_space<vmem>>, vector<16xf32>,
        %swap3A_1135 = arith.index_cast %scan3A_1131 : i32 to index
        %swap3A_1136 = arith.constant 272 : index
        %swap3A_1137 = tpu.vector_load %arg11[%swap3A_1135, %swap3A_1136] {strides = array<i32>} : memref<64x768xf32, #tpu.memory_space<vmem>>, vector<16xf32>,
        tpu.vector_store %arg11[%swap3A_1135, %swap3A_1136], %get3A_980 {add = true, strides = array<i32>} : memref<64x768xf32, #tpu.memory_space<vmem>>, vector<16xf32>,
        %swap3A_1138 = arith.index_cast %scan3A_1131 : i32 to index
        %swap3A_1139 = arith.constant 288 : index
        %swap3A_1140 = tpu.vector_load %arg11[%swap3A_1138, %swap3A_1139] {strides = array<i32>} : memref<64x768xf32, #tpu.memory_space<vmem>>, vector<16xf32>,
        tpu.vector_store %arg11[%swap3A_1138, %swap3A_1139], %get3A_984 {add = true, strides = array<i32>} : memref<64x768xf32, #tpu.memory_space<vmem>>, vector<16xf32>,
        %swap3A_1141 = arith.index_cast %scan3A_1131 : i32 to index
        %swap3A_1142 = arith.constant 304 : index
        %swap3A_1143 = tpu.vector_load %arg11[%swap3A_1141, %swap3A_1142] {strides = array<i32>} : memref<64x768xf32, #tpu.memory_space<vmem>>, vector<16xf32>,
        tpu.vector_store %arg11[%swap3A_1141, %swap3A_1142], %get3A_988 {add = true, strides = array<i32>} : memref<64x768xf32, #tpu.memory_space<vmem>>, vector<16xf32>,
        %swap3A_1144 = arith.index_cast %scan3A_1131 : i32 to index
        %swap3A_1145 = arith.constant 320 : index
        %swap3A_1146 = tpu.vector_load %arg11[%swap3A_1144, %swap3A_1145] {strides = array<i32>} : memref<64x768xf32, #tpu.memory_space<vmem>>, vector<16xf32>,
        tpu.vector_store %arg11[%swap3A_1144, %swap3A_1145], %get3A_992 {add = true, strides = array<i32>} : memref<64x768xf32, #tpu.memory_space<vmem>>, vector<16xf32>,
        %swap3A_1147 = arith.index_cast %scan3A_1131 : i32 to index
        %swap3A_1148 = arith.constant 336 : index
        %swap3A_1149 = tpu.vector_load %arg11[%swap3A_1147, %swap3A_1148] {strides = array<i32>} : memref<64x768xf32, #tpu.memory_space<vmem>>, vector<16xf32>,
        tpu.vector_store %arg11[%swap3A_1147, %swap3A_1148], %get3A_996 {add = true, strides = array<i32>} : memref<64x768xf32, #tpu.memory_space<vmem>>, vector<16xf32>,
        %swap3A_1150 = arith.index_cast %scan3A_1131 : i32 to index
        %swap3A_1151 = arith.constant 352 : index
        %swap3A_1152 = tpu.vector_load %arg11[%swap3A_1150, %swap3A_1151] {strides = array<i32>} : memref<64x768xf32, #tpu.memory_space<vmem>>, vector<16xf32>,
        tpu.vector_store %arg11[%swap3A_1150, %swap3A_1151], %get3A_1000 {add = true, strides = array<i32>} : memref<64x768xf32, #tpu.memory_space<vmem>>, vector<16xf32>,
        %swap3A_1153 = arith.index_cast %scan3A_1131 : i32 to index
        %swap3A_1154 = arith.constant 368 : index
        %swap3A_1155 = tpu.vector_load %arg11[%swap3A_1153, %swap3A_1154] {strides = array<i32>} : memref<64x768xf32, #tpu.memory_space<vmem>>, vector<16xf32>,
        tpu.vector_store %arg11[%swap3A_1153, %swap3A_1154], %get3A_1004 {add = true, strides = array<i32>} : memref<64x768xf32, #tpu.memory_space<vmem>>, vector<16xf32>,
      }
      %scan3A_1010 = arith.constant 64 : i32
      %get3A_1011 = arith.constant 0 : i32
      %get3A_1012 = arith.index_cast %get3A_1011 : i32 to index
      %get3A_1013 = arith.constant 384 : index
      %get3A_1014 = tpu.vector_load %arg13[%get3A_1012, %get3A_1013] {strides = array<i32>} : memref<1x768xf32, #tpu.memory_space<vmem>>, vector<16xf32>,
      %get3A_1015 = arith.constant 0 : i32
      %get3A_1016 = arith.index_cast %get3A_1015 : i32 to index
      %get3A_1017 = arith.constant 400 : index
      %get3A_1018 = tpu.vector_load %arg13[%get3A_1016, %get3A_1017] {strides = array<i32>} : memref<1x768xf32, #tpu.memory_space<vmem>>, vector<16xf32>,
      %get3A_1019 = arith.constant 0 : i32
      %get3A_1020 = arith.index_cast %get3A_1019 : i32 to index
      %get3A_1021 = arith.constant 416 : index
      %get3A_1022 = tpu.vector_load %arg13[%get3A_1020, %get3A_1021] {strides = array<i32>} : memref<1x768xf32, #tpu.memory_space<vmem>>, vector<16xf32>,
      %get3A_1023 = arith.constant 0 : i32
      %get3A_1024 = arith.index_cast %get3A_1023 : i32 to index
      %get3A_1025 = arith.constant 432 : index
      %get3A_1026 = tpu.vector_load %arg13[%get3A_1024, %get3A_1025] {strides = array<i32>} : memref<1x768xf32, #tpu.memory_space<vmem>>, vector<16xf32>,
      %get3A_1027 = arith.constant 0 : i32
      %get3A_1028 = arith.index_cast %get3A_1027 : i32 to index
      %get3A_1029 = arith.constant 448 : index
      %get3A_1030 = tpu.vector_load %arg13[%get3A_1028, %get3A_1029] {strides = array<i32>} : memref<1x768xf32, #tpu.memory_space<vmem>>, vector<16xf32>,
      %get3A_1031 = arith.constant 0 : i32
      %get3A_1032 = arith.index_cast %get3A_1031 : i32 to index
      %get3A_1033 = arith.constant 464 : index
      %get3A_1034 = tpu.vector_load %arg13[%get3A_1032, %get3A_1033] {strides = array<i32>} : memref<1x768xf32, #tpu.memory_space<vmem>>, vector<16xf32>,
      %get3A_1035 = arith.constant 0 : i32
      %get3A_1036 = arith.index_cast %get3A_1035 : i32 to index
      %get3A_1037 = arith.constant 480 : index
      %get3A_1038 = tpu.vector_load %arg13[%get3A_1036, %get3A_1037] {strides = array<i32>} : memref<1x768xf32, #tpu.memory_space<vmem>>, vector<16xf32>,
      %get3A_1039 = arith.constant 0 : i32
      %get3A_1040 = arith.index_cast %get3A_1039 : i32 to index
      %get3A_1041 = arith.constant 496 : index
      %get3A_1042 = tpu.vector_load %arg13[%get3A_1040, %get3A_1041] {strides = array<i32>} : memref<1x768xf32, #tpu.memory_space<vmem>>, vector<16xf32>,
      %scan3A_1043 = arith.constant 0 : i32
      %scan3A_1044 = arith.constant 0 : i32
      %scan3A_1045 = arith.constant 64 : i32
      %scan3A_1046 = arith.addi %scan3A_1044, %scan3A_1045 : i32
      %scan3A_1047 = arith.constant 1 : i32
      scf.for %scan3A_1131 = %scan3A_1044 to %scan3A_1046 step %scan3A_1047  : i32 {
        %swap3A_1132 = arith.index_cast %scan3A_1131 : i32 to index
        %swap3A_1133 = arith.constant 384 : index
        %swap3A_1134 = tpu.vector_load %arg11[%swap3A_1132, %swap3A_1133] {strides = array<i32>} : memref<64x768xf32, #tpu.memory_space<vmem>>, vector<16xf32>,
        tpu.vector_store %arg11[%swap3A_1132, %swap3A_1133], %get3A_1014 {add = true, strides = array<i32>} : memref<64x768xf32, #tpu.memory_space<vmem>>, vector<16xf32>,
        %swap3A_1135 = arith.index_cast %scan3A_1131 : i32 to index
        %swap3A_1136 = arith.constant 400 : index
        %swap3A_1137 = tpu.vector_load %arg11[%swap3A_1135, %swap3A_1136] {strides = array<i32>} : memref<64x768xf32, #tpu.memory_space<vmem>>, vector<16xf32>,
        tpu.vector_store %arg11[%swap3A_1135, %swap3A_1136], %get3A_1018 {add = true, strides = array<i32>} : memref<64x768xf32, #tpu.memory_space<vmem>>, vector<16xf32>,
        %swap3A_1138 = arith.index_cast %scan3A_1131 : i32 to index
        %swap3A_1139 = arith.constant 416 : index
        %swap3A_1140 = tpu.vector_load %arg11[%swap3A_1138, %swap3A_1139] {strides = array<i32>} : memref<64x768xf32, #tpu.memory_space<vmem>>, vector<16xf32>,
        tpu.vector_store %arg11[%swap3A_1138, %swap3A_1139], %get3A_1022 {add = true, strides = array<i32>} : memref<64x768xf32, #tpu.memory_space<vmem>>, vector<16xf32>,
        %swap3A_1141 = arith.index_cast %scan3A_1131 : i32 to index
        %swap3A_1142 = arith.constant 432 : index
        %swap3A_1143 = tpu.vector_load %arg11[%swap3A_1141, %swap3A_1142] {strides = array<i32>} : memref<64x768xf32, #tpu.memory_space<vmem>>, vector<16xf32>,
        tpu.vector_store %arg11[%swap3A_1141, %swap3A_1142], %get3A_1026 {add = true, strides = array<i32>} : memref<64x768xf32, #tpu.memory_space<vmem>>, vector<16xf32>,
        %swap3A_1144 = arith.index_cast %scan3A_1131 : i32 to index
        %swap3A_1145 = arith.constant 448 : index
        %swap3A_1146 = tpu.vector_load %arg11[%swap3A_1144, %swap3A_1145] {strides = array<i32>} : memref<64x768xf32, #tpu.memory_space<vmem>>, vector<16xf32>,
        tpu.vector_store %arg11[%swap3A_1144, %swap3A_1145], %get3A_1030 {add = true, strides = array<i32>} : memref<64x768xf32, #tpu.memory_space<vmem>>, vector<16xf32>,
        %swap3A_1147 = arith.index_cast %scan3A_1131 : i32 to index
        %swap3A_1148 = arith.constant 464 : index
        %swap3A_1149 = tpu.vector_load %arg11[%swap3A_1147, %swap3A_1148] {strides = array<i32>} : memref<64x768xf32, #tpu.memory_space<vmem>>, vector<16xf32>,
        tpu.vector_store %arg11[%swap3A_1147, %swap3A_1148], %get3A_1034 {add = true, strides = array<i32>} : memref<64x768xf32, #tpu.memory_space<vmem>>, vector<16xf32>,
        %swap3A_1150 = arith.index_cast %scan3A_1131 : i32 to index
        %swap3A_1151 = arith.constant 480 : index
        %swap3A_1152 = tpu.vector_load %arg11[%swap3A_1150, %swap3A_1151] {strides = array<i32>} : memref<64x768xf32, #tpu.memory_space<vmem>>, vector<16xf32>,
        tpu.vector_store %arg11[%swap3A_1150, %swap3A_1151], %get3A_1038 {add = true, strides = array<i32>} : memref<64x768xf32, #tpu.memory_space<vmem>>, vector<16xf32>,
        %swap3A_1153 = arith.index_cast %scan3A_1131 : i32 to index
        %swap3A_1154 = arith.constant 496 : index
        %swap3A_1155 = tpu.vector_load %arg11[%swap3A_1153, %swap3A_1154] {strides = array<i32>} : memref<64x768xf32, #tpu.memory_space<vmem>>, vector<16xf32>,
        tpu.vector_store %arg11[%swap3A_1153, %swap3A_1154], %get3A_1042 {add = true, strides = array<i32>} : memref<64x768xf32, #tpu.memory_space<vmem>>, vector<16xf32>,
      }
      %scan3A_1048 = arith.constant 64 : i32
      %get3A_1049 = arith.constant 0 : i32
      %get3A_1050 = arith.index_cast %get3A_1049 : i32 to index
      %get3A_1051 = arith.constant 512 : index
      %get3A_1052 = tpu.vector_load %arg13[%get3A_1050, %get3A_1051] {strides = array<i32>} : memref<1x768xf32, #tpu.memory_space<vmem>>, vector<16xf32>,
      %get3A_1053 = arith.constant 0 : i32
      %get3A_1054 = arith.index_cast %get3A_1053 : i32 to index
      %get3A_1055 = arith.constant 528 : index
      %get3A_1056 = tpu.vector_load %arg13[%get3A_1054, %get3A_1055] {strides = array<i32>} : memref<1x768xf32, #tpu.memory_space<vmem>>, vector<16xf32>,
      %get3A_1057 = arith.constant 0 : i32
      %get3A_1058 = arith.index_cast %get3A_1057 : i32 to index
      %get3A_1059 = arith.constant 544 : index
      %get3A_1060 = tpu.vector_load %arg13[%get3A_1058, %get3A_1059] {strides = array<i32>} : memref<1x768xf32, #tpu.memory_space<vmem>>, vector<16xf32>,
      %get3A_1061 = arith.constant 0 : i32
      %get3A_1062 = arith.index_cast %get3A_1061 : i32 to index
      %get3A_1063 = arith.constant 560 : index
      %get3A_1064 = tpu.vector_load %arg13[%get3A_1062, %get3A_1063] {strides = array<i32>} : memref<1x768xf32, #tpu.memory_space<vmem>>, vector<16xf32>,
      %get3A_1065 = arith.constant 0 : i32
      %get3A_1066 = arith.index_cast %get3A_1065 : i32 to index
      %get3A_1067 = arith.constant 576 : index
      %get3A_1068 = tpu.vector_load %arg13[%get3A_1066, %get3A_1067] {strides = array<i32>} : memref<1x768xf32, #tpu.memory_space<vmem>>, vector<16xf32>,
      %get3A_1069 = arith.constant 0 : i32
      %get3A_1070 = arith.index_cast %get3A_1069 : i32 to index
      %get3A_1071 = arith.constant 592 : index
      %get3A_1072 = tpu.vector_load %arg13[%get3A_1070, %get3A_1071] {strides = array<i32>} : memref<1x768xf32, #tpu.memory_space<vmem>>, vector<16xf32>,
      %get3A_1073 = arith.constant 0 : i32
      %get3A_1074 = arith.index_cast %get3A_1073 : i32 to index
      %get3A_1075 = arith.constant 608 : index
      %get3A_1076 = tpu.vector_load %arg13[%get3A_1074, %get3A_1075] {strides = array<i32>} : memref<1x768xf32, #tpu.memory_space<vmem>>, vector<16xf32>,
      %get3A_1077 = arith.constant 0 : i32
      %get3A_1078 = arith.index_cast %get3A_1077 : i32 to index
      %get3A_1079 = arith.constant 624 : index
      %get3A_1080 = tpu.vector_load %arg13[%get3A_1078, %get3A_1079] {strides = array<i32>} : memref<1x768xf32, #tpu.memory_space<vmem>>, vector<16xf32>,
      %scan3A_1081 = arith.constant 0 : i32
      %scan3A_1082 = arith.constant 0 : i32
      %scan3A_1083 = arith.constant 64 : i32
      %scan3A_1084 = arith.addi %scan3A_1082, %scan3A_1083 : i32
      %scan3A_1085 = arith.constant 1 : i32
      scf.for %scan3A_1131 = %scan3A_1082 to %scan3A_1084 step %scan3A_1085  : i32 {
        %swap3A_1132 = arith.index_cast %scan3A_1131 : i32 to index
        %swap3A_1133 = arith.constant 512 : index
        %swap3A_1134 = tpu.vector_load %arg11[%swap3A_1132, %swap3A_1133] {strides = array<i32>} : memref<64x768xf32, #tpu.memory_space<vmem>>, vector<16xf32>,
        tpu.vector_store %arg11[%swap3A_1132, %swap3A_1133], %get3A_1052 {add = true, strides = array<i32>} : memref<64x768xf32, #tpu.memory_space<vmem>>, vector<16xf32>,
        %swap3A_1135 = arith.index_cast %scan3A_1131 : i32 to index
        %swap3A_1136 = arith.constant 528 : index
        %swap3A_1137 = tpu.vector_load %arg11[%swap3A_1135, %swap3A_1136] {strides = array<i32>} : memref<64x768xf32, #tpu.memory_space<vmem>>, vector<16xf32>,
        tpu.vector_store %arg11[%swap3A_1135, %swap3A_1136], %get3A_1056 {add = true, strides = array<i32>} : memref<64x768xf32, #tpu.memory_space<vmem>>, vector<16xf32>,
        %swap3A_1138 = arith.index_cast %scan3A_1131 : i32 to index
        %swap3A_1139 = arith.constant 544 : index
        %swap3A_1140 = tpu.vector_load %arg11[%swap3A_1138, %swap3A_1139] {strides = array<i32>} : memref<64x768xf32, #tpu.memory_space<vmem>>, vector<16xf32>,
        tpu.vector_store %arg11[%swap3A_1138, %swap3A_1139], %get3A_1060 {add = true, strides = array<i32>} : memref<64x768xf32, #tpu.memory_space<vmem>>, vector<16xf32>,
        %swap3A_1141 = arith.index_cast %scan3A_1131 : i32 to index
        %swap3A_1142 = arith.constant 560 : index
        %swap3A_1143 = tpu.vector_load %arg11[%swap3A_1141, %swap3A_1142] {strides = array<i32>} : memref<64x768xf32, #tpu.memory_space<vmem>>, vector<16xf32>,
        tpu.vector_store %arg11[%swap3A_1141, %swap3A_1142], %get3A_1064 {add = true, strides = array<i32>} : memref<64x768xf32, #tpu.memory_space<vmem>>, vector<16xf32>,
        %swap3A_1144 = arith.index_cast %scan3A_1131 : i32 to index
        %swap3A_1145 = arith.constant 576 : index
        %swap3A_1146 = tpu.vector_load %arg11[%swap3A_1144, %swap3A_1145] {strides = array<i32>} : memref<64x768xf32, #tpu.memory_space<vmem>>, vector<16xf32>,
        tpu.vector_store %arg11[%swap3A_1144, %swap3A_1145], %get3A_1068 {add = true, strides = array<i32>} : memref<64x768xf32, #tpu.memory_space<vmem>>, vector<16xf32>,
        %swap3A_1147 = arith.index_cast %scan3A_1131 : i32 to index
        %swap3A_1148 = arith.constant 592 : index
        %swap3A_1149 = tpu.vector_load %arg11[%swap3A_1147, %swap3A_1148] {strides = array<i32>} : memref<64x768xf32, #tpu.memory_space<vmem>>, vector<16xf32>,
        tpu.vector_store %arg11[%swap3A_1147, %swap3A_1148], %get3A_1072 {add = true, strides = array<i32>} : memref<64x768xf32, #tpu.memory_space<vmem>>, vector<16xf32>,
        %swap3A_1150 = arith.index_cast %scan3A_1131 : i32 to index
        %swap3A_1151 = arith.constant 608 : index
        %swap3A_1152 = tpu.vector_load %arg11[%swap3A_1150, %swap3A_1151] {strides = array<i32>} : memref<64x768xf32, #tpu.memory_space<vmem>>, vector<16xf32>,
        tpu.vector_store %arg11[%swap3A_1150, %swap3A_1151], %get3A_1076 {add = true, strides = array<i32>} : memref<64x768xf32, #tpu.memory_space<vmem>>, vector<16xf32>,
        %swap3A_1153 = arith.index_cast %scan3A_1131 : i32 to index
        %swap3A_1154 = arith.constant 624 : index
        %swap3A_1155 = tpu.vector_load %arg11[%swap3A_1153, %swap3A_1154] {strides = array<i32>} : memref<64x768xf32, #tpu.memory_space<vmem>>, vector<16xf32>,
        tpu.vector_store %arg11[%swap3A_1153, %swap3A_1154], %get3A_1080 {add = true, strides = array<i32>} : memref<64x768xf32, #tpu.memory_space<vmem>>, vector<16xf32>,
      }
      %scan3A_1086 = arith.constant 64 : i32
      %get3A_1087 = arith.constant 0 : i32
      %get3A_1088 = arith.index_cast %get3A_1087 : i32 to index
      %get3A_1089 = arith.constant 640 : index
      %get3A_1090 = tpu.vector_load %arg13[%get3A_1088, %get3A_1089] {strides = array<i32>} : memref<1x768xf32, #tpu.memory_space<vmem>>, vector<16xf32>,
      %get3A_1091 = arith.constant 0 : i32
      %get3A_1092 = arith.index_cast %get3A_1091 : i32 to index
      %get3A_1093 = arith.constant 656 : index
      %get3A_1094 = tpu.vector_load %arg13[%get3A_1092, %get3A_1093] {strides = array<i32>} : memref<1x768xf32, #tpu.memory_space<vmem>>, vector<16xf32>,
      %get3A_1095 = arith.constant 0 : i32
      %get3A_1096 = arith.index_cast %get3A_1095 : i32 to index
      %get3A_1097 = arith.constant 672 : index
      %get3A_1098 = tpu.vector_load %arg13[%get3A_1096, %get3A_1097] {strides = array<i32>} : memref<1x768xf32, #tpu.memory_space<vmem>>, vector<16xf32>,
      %get3A_1099 = arith.constant 0 : i32
      %get3A_1100 = arith.index_cast %get3A_1099 : i32 to index
      %get3A_1101 = arith.constant 688 : index
      %get3A_1102 = tpu.vector_load %arg13[%get3A_1100, %get3A_1101] {strides = array<i32>} : memref<1x768xf32, #tpu.memory_space<vmem>>, vector<16xf32>,
      %get3A_1103 = arith.constant 0 : i32
      %get3A_1104 = arith.index_cast %get3A_1103 : i32 to index
      %get3A_1105 = arith.constant 704 : index
      %get3A_1106 = tpu.vector_load %arg13[%get3A_1104, %get3A_1105] {strides = array<i32>} : memref<1x768xf32, #tpu.memory_space<vmem>>, vector<16xf32>,
      %get3A_1107 = arith.constant 0 : i32
      %get3A_1108 = arith.index_cast %get3A_1107 : i32 to index
      %get3A_1109 = arith.constant 720 : index
      %get3A_1110 = tpu.vector_load %arg13[%get3A_1108, %get3A_1109] {strides = array<i32>} : memref<1x768xf32, #tpu.memory_space<vmem>>, vector<16xf32>,
      %get3A_1111 = arith.constant 0 : i32
      %get3A_1112 = arith.index_cast %get3A_1111 : i32 to index
      %get3A_1113 = arith.constant 736 : index
      %get3A_1114 = tpu.vector_load %arg13[%get3A_1112, %get3A_1113] {strides = array<i32>} : memref<1x768xf32, #tpu.memory_space<vmem>>, vector<16xf32>,
      %get3A_1115 = arith.constant 0 : i32
      %get3A_1116 = arith.index_cast %get3A_1115 : i32 to index
      %get3A_1117 = arith.constant 752 : index
      %get3A_1118 = tpu.vector_load %arg13[%get3A_1116, %get3A_1117] {strides = array<i32>} : memref<1x768xf32, #tpu.memory_space<vmem>>, vector<16xf32>,
      %scan3A_1119 = arith.constant 0 : i32
      %scan3A_1120 = arith.constant 0 : i32
      %scan3A_1121 = arith.constant 64 : i32
      %scan3A_1122 = arith.addi %scan3A_1120, %scan3A_1121 : i32
      %scan3A_1123 = arith.constant 1 : i32
      scf.for %scan3A_1131 = %scan3A_1120 to %scan3A_1122 step %scan3A_1123  : i32 {
        %swap3A_1132 = arith.index_cast %scan3A_1131 : i32 to index
        %swap3A_1133 = arith.constant 640 : index
        %swap3A_1134 = tpu.vector_load %arg11[%swap3A_1132, %swap3A_1133] {strides = array<i32>} : memref<64x768xf32, #tpu.memory_space<vmem>>, vector<16xf32>,
        tpu.vector_store %arg11[%swap3A_1132, %swap3A_1133], %get3A_1090 {add = true, strides = array<i32>} : memref<64x768xf32, #tpu.memory_space<vmem>>, vector<16xf32>,
        %swap3A_1135 = arith.index_cast %scan3A_1131 : i32 to index
        %swap3A_1136 = arith.constant 656 : index
        %swap3A_1137 = tpu.vector_load %arg11[%swap3A_1135, %swap3A_1136] {strides = array<i32>} : memref<64x768xf32, #tpu.memory_space<vmem>>, vector<16xf32>,
        tpu.vector_store %arg11[%swap3A_1135, %swap3A_1136], %get3A_1094 {add = true, strides = array<i32>} : memref<64x768xf32, #tpu.memory_space<vmem>>, vector<16xf32>,
        %swap3A_1138 = arith.index_cast %scan3A_1131 : i32 to index
        %swap3A_1139 = arith.constant 672 : index
        %swap3A_1140 = tpu.vector_load %arg11[%swap3A_1138, %swap3A_1139] {strides = array<i32>} : memref<64x768xf32, #tpu.memory_space<vmem>>, vector<16xf32>,
        tpu.vector_store %arg11[%swap3A_1138, %swap3A_1139], %get3A_1098 {add = true, strides = array<i32>} : memref<64x768xf32, #tpu.memory_space<vmem>>, vector<16xf32>,
        %swap3A_1141 = arith.index_cast %scan3A_1131 : i32 to index
        %swap3A_1142 = arith.constant 688 : index
        %swap3A_1143 = tpu.vector_load %arg11[%swap3A_1141, %swap3A_1142] {strides = array<i32>} : memref<64x768xf32, #tpu.memory_space<vmem>>, vector<16xf32>,
        tpu.vector_store %arg11[%swap3A_1141, %swap3A_1142], %get3A_1102 {add = true, strides = array<i32>} : memref<64x768xf32, #tpu.memory_space<vmem>>, vector<16xf32>,
        %swap3A_1144 = arith.index_cast %scan3A_1131 : i32 to index
        %swap3A_1145 = arith.constant 704 : index
        %swap3A_1146 = tpu.vector_load %arg11[%swap3A_1144, %swap3A_1145] {strides = array<i32>} : memref<64x768xf32, #tpu.memory_space<vmem>>, vector<16xf32>,
        tpu.vector_store %arg11[%swap3A_1144, %swap3A_1145], %get3A_1106 {add = true, strides = array<i32>} : memref<64x768xf32, #tpu.memory_space<vmem>>, vector<16xf32>,
        %swap3A_1147 = arith.index_cast %scan3A_1131 : i32 to index
        %swap3A_1148 = arith.constant 720 : index
        %swap3A_1149 = tpu.vector_load %arg11[%swap3A_1147, %swap3A_1148] {strides = array<i32>} : memref<64x768xf32, #tpu.memory_space<vmem>>, vector<16xf32>,
        tpu.vector_store %arg11[%swap3A_1147, %swap3A_1148], %get3A_1110 {add = true, strides = array<i32>} : memref<64x768xf32, #tpu.memory_space<vmem>>, vector<16xf32>,
        %swap3A_1150 = arith.index_cast %scan3A_1131 : i32 to index
        %swap3A_1151 = arith.constant 736 : index
        %swap3A_1152 = tpu.vector_load %arg11[%swap3A_1150, %swap3A_1151] {strides = array<i32>} : memref<64x768xf32, #tpu.memory_space<vmem>>, vector<16xf32>,
        tpu.vector_store %arg11[%swap3A_1150, %swap3A_1151], %get3A_1114 {add = true, strides = array<i32>} : memref<64x768xf32, #tpu.memory_space<vmem>>, vector<16xf32>,
        %swap3A_1153 = arith.index_cast %scan3A_1131 : i32 to index
        %swap3A_1154 = arith.constant 752 : index
        %swap3A_1155 = tpu.vector_load %arg11[%swap3A_1153, %swap3A_1154] {strides = array<i32>} : memref<64x768xf32, #tpu.memory_space<vmem>>, vector<16xf32>,
        tpu.vector_store %arg11[%swap3A_1153, %swap3A_1154], %get3A_1118 {add = true, strides = array<i32>} : memref<64x768xf32, #tpu.memory_space<vmem>>, vector<16xf32>,
      }
      %scan3A_1124 = arith.constant 64 : i32
      %dma_start3A_1125 = arith.constant 0 : i32
      %dma_start3A_1126 = tpu.memref_slice %arg6[%select_n3A_881, %multiple_of3A, %dma_start3A_1125] : memref<76x1024x768xf32, #tpu.memory_space<hbm>> -> memref<1x64x768xf32, #tpu.memory_space<hbm>>
      %dma_start3A_1127 = tpu.memref_squeeze %dma_start3A_1126 : memref<1x64x768xf32, #tpu.memory_space<hbm>> -> memref<64x768xf32, #tpu.memory_space<hbm>>
      %dma_start3A_1128 = arith.constant 0 : i32
      %dma_start3A_1129 = tpu.memref_slice %arg6[%select_n3A_881, %multiple_of3A, %dma_start3A_1128] : memref<76x1024x768xf32, #tpu.memory_space<hbm>> -> memref<1x64x768xf32, #tpu.memory_space<hbm>>
      %dma_start3A_1130 = tpu.memref_squeeze %dma_start3A_1129 : memref<1x64x768xf32, #tpu.memory_space<hbm>> -> memref<64x768xf32, #tpu.memory_space<hbm>>
      tpu.enqueue_dma source(%arg11 : memref<64x768xf32, #tpu.memory_space<vmem>>) target(%dma_start3A_1130 : memref<64x768xf32, #tpu.memory_space<hbm>>) target_semaphore(%arg18 : memref<!tpu.dma_semaphore, #tpu.memory_space<semaphore_mem>>)
    }
    %scan3A_546 = arith.constant 17 : i32
    %dma_wait3A_547 = arith.constant 0 : i32
    %dma_wait3A_548 = arith.constant 0 : i32
    %dma_wait3A_549 = tpu.memref_slice %arg3[%dma_wait3A_547, %dma_wait3A_548] : memref<49408x768xf32, #tpu.memory_space<hbm>> -> memref<64x768xf32, #tpu.memory_space<hbm>>
    %dma_wait3A_550 = arith.constant 0 : i32
    %dma_wait3A_551 = arith.constant 0 : i32
    %dma_wait3A_552 = tpu.memref_slice %arg3[%dma_wait3A_550, %dma_wait3A_551] : memref<49408x768xf32, #tpu.memory_space<hbm>> -> memref<64x768xf32, #tpu.memory_space<hbm>>
    tpu.wait_dma2 semaphore(%arg17 : memref<!tpu.dma_semaphore, #tpu.memory_space<semaphore_mem>>) src(%dma_wait3A_552 : memref<64x768xf32, #tpu.memory_space<hbm>>) dst(%arg10 : memref<64x768xf32, #tpu.memory_space<vmem>>)
    %dma_wait3A_553 = arith.constant 0 : i32
    %dma_wait3A_554 = arith.constant 0 : i32
    %dma_wait3A_555 = tpu.memref_slice %arg3[%dma_wait3A_553, %dma_wait3A_554] : memref<49408x768xf32, #tpu.memory_space<hbm>> -> memref<64x768xf32, #tpu.memory_space<hbm>>
    %dma_wait3A_556 = arith.constant 0 : i32
    %dma_wait3A_557 = arith.constant 0 : i32
    %dma_wait3A_558 = tpu.memref_slice %arg3[%dma_wait3A_556, %dma_wait3A_557] : memref<49408x768xf32, #tpu.memory_space<hbm>> -> memref<64x768xf32, #tpu.memory_space<hbm>>
    tpu.wait_dma2 semaphore(%arg18 : memref<!tpu.dma_semaphore, #tpu.memory_space<semaphore_mem>>) src(%dma_wait3A_558 : memref<64x768xf32, #tpu.memory_space<hbm>>) dst(%arg11 : memref<64x768xf32, #tpu.memory_space<vmem>>)
    return
  }
}

module attributes {stable_mosaic.version = 14 : i64} {
  func.func @_pins_body(%arg0: i32, %arg1: memref<1x256x768xf32, #tpu.memory_space<vmem>>, %arg2: memref<768x768xf32, #tpu.memory_space<vmem>>, %arg3: memref<1x768xf32, #tpu.memory_space<vmem>>, %arg4: memref<1x256x768xf32, #tpu.memory_space<vmem>>) attributes {dimension_semantics = [#tpu.dimension_semantics<arbitrary>], iteration_bounds = array<i64: 11>, scalar_prefetch = 0 : i64, scratch_operands = 0 : i64, tpu.core_type = #tpu.core_type<tc>, window_params = [{transform_indices = @transform_0, window_bounds = array<i64: 1, 256, 768>}, {pipeline_mode = #tpu.pipeline_mode<synchronous>, transform_indices = @transform_1, window_bounds = array<i64: 768, 768>}, {pipeline_mode = #tpu.pipeline_mode<synchronous>, transform_indices = @transform_2, window_bounds = array<i64: 1, 768>}, {transform_indices = @transform_3, window_bounds = array<i64: 1, 256, 768>}]} {
    %get3A = arith.constant 0 : index
    %get3A_0 = arith.constant 0 : index
    %get3A_1 = arith.constant 0 : index
    %get3A_2 = vector.load %arg1[%get3A, %get3A_0, %get3A_1] : memref<1x256x768xf32, #tpu.memory_space<vmem>>, vector<1x256x768xf32>
    %get3A_3 = vector.shape_cast %get3A_2 : vector<1x256x768xf32> to vector<256x768xf32>
    %get3A_4 = arith.constant 0 : index
    %get3A_5 = arith.constant 0 : index
    %get3A_6 = vector.load %arg2[%get3A_4, %get3A_5] : memref<768x768xf32, #tpu.memory_space<vmem>>, vector<768x768xf32>
    %dot_general3A = arith.constant dense<0.000000e+00> : vector<256x768xf32>
    %dot_general3A_7 = tpu.matmul %get3A_3, %get3A_6, %dot_general3A {dimension_numbers = #tpu.dot_dimension_numbers<[1], [1], [0], [0], [0, 0, 1, 0], [], []>, transpose_lhs_hint = false} : vector<256x768xf32>, vector<768x768xf32>, vector<256x768xf32> -> vector<256x768xf32>
    %add3A = arith.addf %get3A_3, %dot_general3A_7 : vector<256x768xf32>
    %get3A_8 = arith.constant 0 : index
    %get3A_9 = arith.constant 0 : index
    %get3A_10 = vector.load %arg3[%get3A_8, %get3A_9] : memref<1x768xf32, #tpu.memory_space<vmem>>, vector<1x768xf32>
    %add3A_11 = vector.broadcast %get3A_10 : vector<1x768xf32> to vector<256x768xf32>
    %add3A_12 = arith.addf %add3A, %add3A_11 : vector<256x768xf32>
    %swap3A = arith.constant 0 : index
    %swap3A_13 = arith.constant 0 : index
    %swap3A_14 = arith.constant 0 : index
    %swap3A_15 = vector.load %arg4[%swap3A, %swap3A_13, %swap3A_14] : memref<1x256x768xf32, #tpu.memory_space<vmem>>, vector<1x256x768xf32>
    %swap3A_16 = vector.shape_cast %swap3A_15 : vector<1x256x768xf32> to vector<256x768xf32>
    %swap3A_17 = vector.shape_cast %add3A_12 : vector<256x768xf32> to vector<1x256x768xf32>
    tpu.vector_store %arg4[%swap3A, %swap3A_13, %swap3A_14], %swap3A_17 {strides = array<i32>} : memref<1x256x768xf32, #tpu.memory_space<vmem>>, vector<1x256x768xf32>,
    return
  }
  func.func @transform_0(%arg0: i32) -> (i32, i32, i32) {
    %c0_i32 = arith.constant 0 : i32
    %c0_i32_0 = arith.constant 0 : i32
    %c0_i32_1 = arith.constant 0 : i32
    return %arg0, %c0_i32, %c0_i32_0 : i32, i32, i32
  }
  func.func @transform_1(%arg0: i32) -> (i32, i32) {
    %c0_i32 = arith.constant 0 : i32
    %c0_i32_0 = arith.constant 0 : i32
    %c0_i32_1 = arith.constant 0 : i32
    return %c0_i32, %c0_i32_0 : i32, i32
  }
  func.func @transform_2(%arg0: i32) -> (i32, i32) {
    %c0_i32 = arith.constant 0 : i32
    %c0_i32_0 = arith.constant 0 : i32
    %c0_i32_1 = arith.constant 0 : i32
    return %c0_i32, %c0_i32_0 : i32, i32
  }
  func.func @transform_3(%arg0: i32) -> (i32, i32, i32) {
    %c0_i32 = arith.constant 0 : i32
    %c0_i32_0 = arith.constant 0 : i32
    %c0_i32_1 = arith.constant 0 : i32
    return %arg0, %c0_i32, %c0_i32_0 : i32, i32, i32
  }
}

</mosaic_0001>

<sc_bundles>
// kernel: kernel.4.cloned.1.call-start
scs
__scs_entry_jumppad:
0x0: {  	(pc) =	sbr.rel $0x88, $3  }
0x1: {  	(tag) =	ssettag $0x0;
	lr =	simm.s32 $0x1  }
0x2: {  	[smem:$0x3F98] =	sst lr;
	_ =	strace $0xD0000000  }
0x3: {  	_ = 	snop  }
0x4: {  	_ = 	snop  }
0x5: {  	_ = 	snop  }
0x6: {  	_ = 	snop  }
0x7: {  	_ = 	snop  }
__scs_overlays_trampoline_lowered:
0x8: {  	[smem:$0x3FA7] =	sst s0  }
0x9: {  	[smem:$0x3FA8] =	sst s1  }
0xa: {  	[smem:$0x3FA9] =	sst s2  }
0xb: {  	[smem:$0x3FAA] =	sst s3  }
0xc: {  	[smem:$0x3FAB] =	sst s4  }
0xd: {  	[smem:$0x3FAC] =	sst s5  }
0xe: {  	[smem:$0x3FAD] =	sst s6  }
0xf: {  	[smem:$0x3FAE] =	sst s7  }
0x10: {  	[smem:$0x3FAF] =	sst s8  }
0x11: {  	[smem:$0x3FB0] =	sst s9;
	s0 =	simm.s32 @!p0 $0x0  }
0x12: {  	s1 =	sld [smem:$0x3F96];
	s0 =	simm.s32 @p0 $0x1  }
0x13: {  	[smem:$0x3FB1] =	sst s0;
	s0 =	simm.s32 @!p1 $0x0  }
0x14: {  	s2 =	sld [smem:$0x3F95];
	s0 =	simm.s32 @p1 $0x1  }
0x15: {  	[smem:$0x3FB2] =	sst s0;
	s0 =	simm.s32 @!p2 $0x0  }
0x16: {  	s3 =	sld [smem:$0x3FDB];
	s0 =	simm.s32 @p2 $0x1  }
0x17: {  	s4 =	simm.s32 $0x1BF5;
	[smem:$0x3FB4] =	sst s0  }
0x18: {  	s0 =	sld [smem:$0x3F97];
	_ =	swait.ge [sflag:s4], $0x0  }
0x19: {  	s7 =	sld [smem:$0x3F98]  }
0x1a: {  	s8 =	sadd.s32 $0xFFFFE003, lr  }
0x1b: {  	s9 =	sadd.s32 $0xFFFFFEF7, lr;
	s5 =	simm.s32 $0xFFFFFFFF;
	p2 =	slt.u32 s8, $0xFFFFF086  }
0x1c: {  	p1 =	slt.u32 s9, $0xF7A;
	s5 =	simm.s32 @!p2 $0x0  }
0x1d: {  	s5 =	simm.s32 @p1 $0x1;
	p0 =	seq.s32 s7, s2  }
0x1e: {  	s7 =	smul.u32 @!p0 $0xF7A, s2;
	p2 =	seq.s32 @!p0 s5, $0x0  }
0x1f: {  	s9 =	smul.u32 $0xF7A, s1;
	s8 =	simm.s32 @!p0 $0x1BF5;
	p2 =	por !p2, p0  }
0x20: {  	[sflag:s8] =	ssyncset.s32 @!p0 $0xFFFFF086;
	s6 =	sadd.s32 @!p0 s3, s7;
	s7 =	simm.s32 @!p0 $0x108  }
0x21: {  	s3 =	sadd.s32 s3, s9;
	s6 =	sadd.s32 @!p0 $0x88, s6;
	s7 =	simm.s32 @p2 $0x1082  }
0x22: {  	[simem:s7], [sflag:s8] =	dma.local @!p0 [hbm:s6], $0xF7A  }
0x23: {  	s9 =	sor.u32 $0xD0000000, s2;
	s6 =	simm.s32 $0x108;
	_ =	swait.ge @!p0 [sflag:s8], $0x0  }
0x24: {  	s3 =	sadd.s32 $0x88, s3;
	s6 =	simm.s32 @!p1 $0x1082;
	[sflag:s4] =	ssyncset.s32 $0xFFFFF086  }
0x25: {  	[simem:s6], [sflag:s4] =	dma.local [hbm:s3], $0xF7A  }
0x26: {  	[smem:$0x3F98] =	sst s1;
	(tag) =	ssettag s2;
	_ =	strace s9  }
0x27: {  	s1 =	sld [smem:$0x3FA8]  }
0x28: {  	s2 =	sld [smem:$0x3FA9]  }
0x29: {  	s4 =	sld [smem:$0x3FAB]  }
0x2a: {  	p0 =	seq.s32 s5, $0x0;
	s5 =	sld [smem:$0x3FAC]  }
0x2b: {  	s6 =	sld [smem:$0x3FAD]  }
0x2c: {  	s7 =	sld [smem:$0x3FAE]  }
0x2d: {  	s3 =	simm.s32 $0x108;
	s8 =	sld [smem:$0x3FAF]  }
0x2e: {  	s3 =	simm.s32 @!p0 $0x1082;
	s9 =	sld [smem:$0x3FB0]  }
0x2f: {  	lr =	sadd.s32 s0, s3;
	s0 =	sld [smem:$0x3FA7]  }
0x30: {  	s3 =	sld [smem:$0x3FAA]  }
0x31: {  	[smem:$0x3FB3] =	sst s10  }
0x32: {  	s10 =	sld [smem:$0x3FB1];
	_ =	sdelay $0x3  }
0x33: {  	p0 =	seq.s32 s10, $0x1;
	s10 =	sld [smem:$0x3FB3];
	_ =	sdelay $0x3  }
0x34: {  	[smem:$0x3FB3] =	sst s10  }
0x35: {  	s10 =	sld [smem:$0x3FB2];
	_ =	sdelay $0x3  }
0x36: {  	p1 =	seq.s32 s10, $0x1;
	s10 =	sld [smem:$0x3FB3];
	_ =	sdelay $0x3  }
0x37: {  	[smem:$0x3FB3] =	sst s10  }
0x38: {  	s10 =	sld [smem:$0x3FB4]  }
0x39: {  	_ = 	snop;
	(pc) =	sbr.ind lr, $3  }
0x3a: {  	_ = 	snop  }
0x3b: {  	_ = 	snop  }
0x3c: {  	p2 =	seq.s32 s10, $0x1;
	s10 =	sld [smem:$0x3FB3]  }
0x3d: {  	_ =	shalt  }
0x3e: {  	_ =	shalt  }
0x3f: {  	_ =	shalt  }
0x40: {  	_ =	shalt  }
0x41: {  	_ =	shalt  }
0x42: {  	_ =	shalt  }
0x43: {  	_ =	shalt  }
0x44: {  	_ =	shalt  }
0x45: {  	_ =	shalt  }
0x46: {  	_ =	shalt  }
0x47: {  	_ =	shalt  }
0x48: {  	_ =	shalt  }
0x49: {  	_ =	shalt  }
0x4a: {  	_ =	shalt  }
0x4b: {  	_ =	shalt  }
0x4c: {  	_ =	shalt  }
0x4d: {  	_ =	shalt  }
0x4e: {  	_ =	shalt  }
0x4f: {  	_ =	shalt  }
0x50: {  	_ =	shalt  }
0x51: {  	_ =	shalt  }
0x52: {  	_ =	shalt  }
0x53: {  	_ =	shalt  }
0x54: {  	_ =	shalt  }
0x55: {  	_ =	shalt  }
0x56: {  	_ =	shalt  }
0x57: {  	_ =	shalt  }
0x58: {  	_ =	shalt  }
0x59: {  	_ =	shalt  }
0x5a: {  	_ =	shalt  }
0x5b: {  	_ =	shalt  }
0x5c: {  	_ =	shalt  }
0x5d: {  	_ =	shalt  }
0x5e: {  	_ =	shalt  }
0x5f: {  	_ =	shalt  }
0x60: {  	_ =	shalt  }
0x61: {  	_ =	shalt  }
0x62: {  	_ =	shalt  }
0x63: {  	_ =	shalt  }
0x64: {  	_ =	shalt  }
0x65: {  	_ =	shalt  }
0x66: {  	_ =	shalt  }
0x67: {  	_ =	shalt  }
0x68: {  	_ =	shalt  }
0x69: {  	_ =	shalt  }
0x6a: {  	_ =	shalt  }
0x6b: {  	_ =	shalt  }
0x6c: {  	_ =	shalt  }
0x6d: {  	_ =	shalt  }
0x6e: {  	_ =	shalt  }
0x6f: {  	_ =	shalt  }
0x70: {  	_ =	shalt  }
0x71: {  	_ =	shalt  }
0x72: {  	_ =	shalt  }
0x73: {  	_ =	shalt  }
0x74: {  	_ =	shalt  }
0x75: {  	_ =	shalt  }
0x76: {  	_ =	shalt  }
0x77: {  	_ =	shalt  }
0x78: {  	_ =	shalt  }
0x79: {  	_ =	shalt  }
0x7a: {  	_ =	shalt  }
0x7b: {  	_ =	shalt  }
0x7c: {  	_ =	shalt  }
0x7d: {  	_ =	shalt  }
0x7e: {  	_ =	shalt  }
0x7f: {  	_ =	shalt  }
0x80: {  	_ =	shalt  }
0x81: {  	_ =	shalt  }
0x82: {  	_ =	shalt  }
0x83: {  	_ =	shalt  }
0x84: {  	_ =	shalt  }
0x85: {  	_ =	shalt  }
0x86: {  	_ =	shalt  }
0x87: {  	_ =	shalt  }
.Lfunc_end0:
.L_simem_size_0:
called_computation_lowered:
.L_overlay_start_0:
0x88: {  	s2 =	sld [smem:$0x3FD9]  }
0x89: {  	s3 =	sld [smem:$0x3FFE];
	_ =	sdelay $0x1  }
0x8a: {  	s1 =	srdreg.scid  }
0x8b: {  	s0 =	sand.u32 $0x1, s1  }
0x8c: {  	s14 =	sshll.u32 s0, $0xA;
	s2 =	sadd.s32 s3, s2  }
0x8d: {  	s2 =	sadd.s32 s2, s14  }
0x8e: {  	[smem:$0x3FBF] =	sst s2  }
0x8f: {  	_ = 	snop  }
0x90: {  	s2 =	sld [smem:$0x3FD0];
	_ =	sdelay $0x1  }
0x91: {  	s15 =	sld [smem:$0x3FC7]  }
0x92: {  	s5 =	simm.s32 $0xA;
	s6 =	simm.s32 $0x10;
	s4 =	sld [smem:$0x3FC5]  }
0x93: {  	[smem:s6], [sflag:s5] =	dma.local [hbm:s2], $0x1  }
0x94: {  	_ =	swait.eq [sflag:s5], $0x1  }
0x95: {  	[sflag:s5] =	ssyncset.done $0x0  }
0x96: {  	[sflag:s5] =	ssyncadd.s32 $0xFFFFFFFF  }
0x97: {  	s16 =	sld [smem:$0x10];
	(tm) =	ssettm $0x1  }
0x98: {  	s17 =	sld [smem:$0x3FFB];
	_ =	sdelay $0x3  }
0x99: {  	_ =	strace s17  }
0x9a: {  	s5 =	sld [smem:$0x3FFC];
	_ =	sdelay $0x3  }
0x9b: {  	_ =	strace s5  }
0x9c: {  	s5 =	sld [smem:$0x3FFD];
	_ =	sdelay $0x3  }
0x9d: {  	_ =	strace s5  }
0x9e: {  	_ =	strace $0x8FFFFFFF  }
0x9f: {  	s18 =	sld [smem:$0x3FDB];
	_ =	sdelay $0x1  }
0xa0: {  	s19 =	simm.s32 $_scs_section_size  }
0xa1: {  	s7 =	simm.s32 $_size__tile_overlayer_lowered;
	s8 =	simm.s32 $_tile_overlayer_lowered  }
0xa2: {  	s22 =	simm.s32 $0x1BFF;
	s21 =	sshll.u32 s8, $0x1;
	s5 =	sadd.s32 s19, s18  }
0xa3: {  	s9 =	simm.s32 $0x0;
	s20 =	sshll.u32 s7, $0x1;
	s7 =	sadd.s32 s21, s5  }
0xa4: {  	[timem:s9], [sflag:s22] =	dma.local [hbm:s7], s20  }
0xa5: {  	_ =	swait.ge [sflag:s22], s20  }
0xa6: {  	s6 =	ssub.s32 $0x0, s20;
	[sflag:s22] =	ssyncset.done $0x0  }
0xa7: {  	[sflag:s22] =	ssyncadd.s32 s6;
	_ =	sdelay $0x1  }
0xa8: {  	s23 =	simm.s32 $0x1B8B  }
0xa9: {  	_ =	swait.ge [sflag:s23], $0x1  }
0xaa: {  	[sflag:s23] =	ssyncset.done $0x0  }
0xab: {  	s25 =	simm.s32 $0x1B8E;
	s24 =	sld [smem:$0x3FFE];
	[sflag:s23] =	ssyncadd.s32 $0xFFFFFFFF  }
0xac: {  	s26 =	simm.s32 $execute0_lowered;
	[smem:$0x3FD2] =	sst s25  }
0xad: {  	s7 =	sshll.u32 s26, $0x1;
	_ =	strace $0x80000046;
	[dreg:$0x1] =	wrdreg $0xFFFFFFFF  }
0xae: {  	s28 =	simm.s32 $_size_execute0_lowered;
	s5 =	sadd.s32 s5, s7;
	[dreg:$0x0] =	wrdreg $0x0  }
0xaf: {  	s7 =	sshll.u32 s28, $0x1;
	[dreg:$0x2] =	wrdreg s5  }
0xb0: {  	[dreg:$0x3] =	wrdreg s7  }
0xb1: {  	[dreg:$0x4] =	wrdreg $0xC0  }
0xb2: {  	_ =	task [dreg:s9], $0x5FFFF  }
0xb3: {  	[dreg:$0x1] =	wrdreg $0xFFFFFFFF  }
0xb4: {  	[dreg:$0x0] =	wrdreg $0x60  }
0xb5: {  	[dreg:$0x2] =	wrdreg s24  }
0xb6: {  	[dreg:$0x3] =	wrdreg s15  }
0xb7: {  	[dreg:$0x4] =	wrdreg s4  }
0xb8: {  	[dreg:$0x5] =	wrdreg s16  }
0xb9: {  	[dreg:$0x6] =	wrdreg $0x9  }
0xba: {  	_ =	task.clear_ibuf [dreg:s9], $0x7FFFF;
	_ =	strace $0x90000046  }
0xbb: {  	s29 =	simm.s32 $0x9;
	_ =	strace $0x80000048  }
0xbc: {  	_ =	swait.ge [sflag:s29], $0x1  }
0xbd: {  	[sflag:s29] =	ssyncadd.s32 $0xFFFFFFFF  }
0xbe: {  	_ =	strace $0x90000048  }
0xbf: {  	_ =	sfence  }
0xc0: {  	s30 =	sld [smem:$0x0];
	_ =	sdelay $0x2  }
0xc1: {  	s31 =	sshll.u32 s1, $0xD;
	s1 =	sshrl.u32 s1, $0x2  }
0xc2: {  	s3 =	sand.u32 $0x4000, s31;
	s1 =	sadd.s32 s1, s30  }
0xc3: {  	s0 =	sor.u32 s3, s0;
	s1 =	sshll.u32 s1, $0x11  }
0xc4: {  	s0 =	sor.u32 s1, s0  }
0xc5: {  	s0 =	sadd.s32 $0x8F2B, s0  }
0xc6: {  	[sflag:s0] =	ssyncadd.remote.s32 $0x1  }
0xc7: {  	_ =	sfence.sel $0xFFFF  }
0xc8: {  	[dreg:$0x0] =	wrdreg $0xFFFFFFFF;
	(pc) =	sbr.abs _section_cstart, $3  }
0xc9: {  	[dreg:$0x1] =	wrdreg $0xFFFFFFFF  }
0xca: {  	_ =	task.clear_ibuf [dreg:s9], $0x2FFFF;
	_ =	strace $0x9FFFFFFF  }
0xcb: {  	(tm) =	ssettm $0x7FFFFFFF  }
tec
execute0_lowered:
.L_overlay_start_1:
0x0: {  	(tag) =	ssettag $0x1  }
0x1: {  	s0 =	srdreg.scid  }
0x2: {  	s8 =	stileid.u32;
	s3 =	rddreg [dreg:$0x0]  }
0x3: {  	s6 =	simm.s32 $0x1;
	s4 =	rddreg [dreg:$0x3];
	s5 =	simm.s32 $0x0  }
0x4: {  	s9 =	simm.s32 $0x2A;
	s28 =	simm.s32 $0x4;
	s20 =	simm.s32 $0x17100  }
0x5: {  	s14 =	simm.s32 $0x1A400;
	s15 =	simm.s32 $0x2;
	s16 =	simm.s32 $0x3  }
0x6: {  	s21 =	simm.s32 $0x0;
	s0 =	sand.u32 $0x1, s0;
	s1 =	sshll.u32 s8, $0x1  }
0x7: {  	v10 =	vlaneseq.u32;
	[smem:$0x7FF] =	sst s5;
	s2 =	sor.u32 s0, s1;
	p0 =	seq.s32 s0, $0x1  }
0x8: {  	v0 =	vmul.u32 $0x80, v10;
	s1 =	rddreg [dreg:$0x1];
	_ =	strace $0x80000047;
	s0 =	ssub.s32 $0x2, s0  }
0x9: {  	p1 =	seq.s32 s2, $0x0;
	s2 =	sand.u32 $0x7, s2;
	s22 =	sshrl.u32 s0, $0x1  }
0xa: {  	s9 =	simm.s32 @!p0 $0x0;
	v2 =	vor.u32 $0x800, v0;
	p1 =	por !p1, !p0;
	s11 =	smul.u32 $0xC0000, s2  }
0xb: {  	v3 =	vor.u32 $0x1000, v0;
	v6 =	vor.u32 $0x1800, v0;
	s0 =	ssub.s32 s0, s22;
	s24 =	smul.u32 $0x60, s9;
	v1 =	vor.u32 s9, v0;
	p1 =	por !p1, !p1  }
0xc: {  	v4 =	vor.u32 s9, v2;
	v5 =	vor.u32 s9, v3;
	s22 =	simm.s32 $0x18900;
	v7 =	vor.u32 s9, v6;
	s9 =	simm.s32 $0x19100;
	s6 =	simm.s32 @!p1 $0x0  }
0xd: {  	s0 =	smax.u32 s0, $0x1;
	s12 =	ssub.s32 s8, s6;
	s8 =	sshrl.u32 s8, $0x2  }
0xe: {  	[dreg:$0xc] =	wrdreg s0;
	s0 =	simm.s32 $0x17900;
	s13 =	smul.u32 $0x30000, s8  }
0xf: {  	s6 =	sshll.u32 s12, $0xA;
	s8 =	simm.s32 $0x22;
	s19 =	smul.u32 $0xC000, s12  }
0x10: {  	s12 =	simm.s32 $0x19900;
	s7 =	sand.u32 $0x1FFFFC00, s6;
	s6 =	simm.s32 $0x1  }
0x11: {  	s8 =	simm.s32 @!p0 $0x0;
	s10 =	sadd.s32 s7, s3;
	s7 =	sadd.s32 $0x4E00, s3  }
0x12: {  	s23 =	sadd.s32 s13, s11;
	s11 =	sadd.s32 $0x200, s1;
	s31 =	sadd.s32 $0xA, s8  }
0x13: {  	s10 =	sadd.s32 $0xE00, s10;
	s3 =	sshrl.u32 s23, $0x3;
	[dreg:$0xb] =	wrdreg s31  }
0x14: {  	s13 =	sadd.s32 s7, s24;
	[dreg:$0x5] =	wrdreg s10;
	s3 =	sadd.s32 s4, s3  }
0x15: {  	s18 =	sor.u32 $0x9, s8;
	[dreg:$0x6] =	wrdreg s13;
	s25 =	sadd.s32 $0x18000, s3  }
0x16: {  	s24 =	simm.s32 $0x2100;
	s26 =	sadd.s32 $0x19800, s3;
	[dreg:$0x7] =	wrdreg s25  }
0x17: {  	s10 =	sadd.s32 $0x100, s1;
	s29 =	sadd.s32 $0x1B000, s3;
	[dreg:$0x8] =	wrdreg s26  }
0x18: {  	vm0 =	vmmov $0xffff;
	v9 =	vshrl.u32 v10, $0x3;
	s13 =	sshll.u32 s2, $0x7;
	s30 =	sadd.s32 $0x1C800, s3;
	[dreg:$0x9] =	wrdreg s29  }
0x19: {  	v8 =	vand.u32 $0x7, v10;
	v10 =	vor.u32 $0x8, v10;
	v9 =	vmul.u32 $0x8, v9;
	s2 =	simm.s32 $0xE100;
	s3 =	simm.s32 $0x18100;
	[dreg:$0xa] =	wrdreg s30  }
.LBB2_1:
0x1a: {  	[dreg:$0xd] =	wrdreg s21  }
0x1b: {  	s17 =	rddreg [dreg:$0x2];
	s29 =	simm.s32 $0x1A700;
	s30 =	simm.s32 $0x5  }
0x1c: {  	[tilespmem:s29], [sflag:$0x5] =	stream.linear.gather [hbm4b:s17+s5], $0x1800, $0x38;
	[tilespmem:$0x1BF00] =	vst v63  }
0x1d: {  	_ =	swait.ge [sflag:s30], $0x1800  }
0x1e: {  	[sflag:s30] =	ssyncset.done $0x0  }
0x1f: {  	s31 =	rddreg [dreg:$0x5];
	[sflag:s30] =	ssyncadd.s32 $0xFFFFE800  }
0x20: {  	[tilespmem:s5], [sflag:$0x5] =	stream.linear.gather [hbm4b:s31+s5], $0x2000, $0x38;
	[tilespmem:$0x1BF00] =	vst v63  }
0x21: {  	_ =	swait.ge [sflag:s30], $0x2000  }
0x22: {  	[sflag:s30] =	ssyncset.done $0x0  }
0x23: {  	[sflag:s30] =	ssyncadd.s32 $0xFFFFE000  }
0x24: {  	v11 =	vld.idx.msk [tilespmem:v1+s5+$0x0], $0xffff;
	_ =	sdelay $0x4  }
0x25: {  	[tilespmem:$0x2000] =	vst v11  }
0x26: {  	v12 =	vld.idx.msk [tilespmem:v4+s5+$0x0], $0xffff;
	_ =	sdelay $0x4  }
0x27: {  	[tilespmem:$0x2010] =	vst v12  }
0x28: {  	v12 =	vld.idx.msk [tilespmem:v5+s5+$0x0], $0xffff  }
0x29: {  	v13 =	vshrl.u32 v11, $0x3  }
0x2a: {  	v13 =	vmul.u32 $0x30, v13  }
0x2b: {  	v11 =	vand.u32 $0x7, v11  }
0x2c: {  	v11 =	vor.u32 v11, v13  }
0x2d: {  	[tilespmem:$0x2020] =	vst v12;
	v12 =	vperm.xlane v11, v8  }
0x2e: {  	v13 =	vld.idx.msk [tilespmem:v7+s5+$0x0], $0xffff  }
0x2f: {  	v12 =	vadd.s32 v9, v12;
	_ =	sdelay $0x3  }
0x30: {  	v11 =	vperm.xlane v11, v10;
	[tilespmem:$0x2030] =	vst v13  }
0x31: {  	[tilespmem:s24], [sflag:$0x1] =	stream.indirect_vreg.gather [hbm4b:s1+s5], $0x80, v12, vm0, $0xb8;
	[tilespmem:$0x1BF00] =	vst v63  }
0x32: {  	s23 =	simm.s32 $0x2900;
	v11 =	vadd.s32 v9, v11  }
0x33: {  	[tilespmem:s23], [sflag:$0x1] =	stream.indirect_vreg.gather [hbm4b:s10+s5], $0x80, v12, vm0, $0xb8;
	[tilespmem:$0x1BF00] =	vst v63  }
0x34: {  	s25 =	simm.s32 $0x3100  }
0x35: {  	[tilespmem:s25], [sflag:$0x1] =	stream.indirect_vreg.gather [hbm4b:s11+s5], $0x80, v12, vm0, $0xb8;
	[tilespmem:$0x1BF00] =	vst v63  }
0x36: {  	s26 =	simm.s32 $0x3900  }
0x37: {  	[tilespmem:s26], [sflag:$0x1] =	stream.indirect_vreg.gather [hbm4b:s1+s5], $0x80, v11, vm0, $0xb8;
	[tilespmem:$0x1BF00] =	vst v63  }
0x38: {  	s29 =	simm.s32 $0x4100  }
0x39: {  	[tilespmem:s29], [sflag:$0x1] =	stream.indirect_vreg.gather [hbm4b:s10+s5], $0x80, v11, vm0, $0xb8;
	[tilespmem:$0x1BF00] =	vst v63  }
0x3a: {  	s30 =	simm.s32 $0x4900  }
0x3b: {  	[tilespmem:s30], [sflag:$0x1] =	stream.indirect_vreg.gather [hbm4b:s11+s5], $0x80, v11, vm0, $0xb8;
	[tilespmem:$0x1BF00] =	vst v63  }
0x3c: {  	v11 =	vld [tilespmem:$0x2010];
	_ =	sdelay $0x4  }
0x3d: {  	v12 =	vshrl.u32 v11, $0x3  }
0x3e: {  	v12 =	vmul.u32 $0x30, v12  }
0x3f: {  	v11 =	vand.u32 $0x7, v11  }
0x40: {  	v11 =	vor.u32 v11, v12  }
0x41: {  	v12 =	vperm.xlane v11, v8;
	_ =	sdelay $0x1  }
0x42: {  	v12 =	vadd.s32 v9, v12;
	_ =	sdelay $0x3  }
0x43: {  	s31 =	simm.s32 $0x5100;
	v11 =	vperm.xlane v11, v10  }
0x44: {  	[tilespmem:s31], [sflag:$0x1] =	stream.indirect_vreg.gather [hbm4b:s1+s5], $0x80, v12, vm0, $0xb8;
	[tilespmem:$0x1BF00] =	vst v63  }
0x45: {  	s21 =	simm.s32 $0x5900;
	v11 =	vadd.s32 v9, v11  }
0x46: {  	[tilespmem:s21], [sflag:$0x1] =	stream.indirect_vreg.gather [hbm4b:s10+s5], $0x80, v12, vm0, $0xb8;
	[tilespmem:$0x1BF00] =	vst v63  }
0x47: {  	s23 =	simm.s32 $0x6100  }
0x48: {  	[tilespmem:s23], [sflag:$0x1] =	stream.indirect_vreg.gather [hbm4b:s11+s5], $0x80, v12, vm0, $0xb8;
	[tilespmem:$0x1BF00] =	vst v63  }
0x49: {  	s25 =	simm.s32 $0x6900  }
0x4a: {  	[tilespmem:s25], [sflag:$0x1] =	stream.indirect_vreg.gather [hbm4b:s1+s5], $0x80, v11, vm0, $0xb8;
	[tilespmem:$0x1BF00] =	vst v63  }
0x4b: {  	s26 =	simm.s32 $0x7100  }
0x4c: {  	[tilespmem:s26], [sflag:$0x1] =	stream.indirect_vreg.gather [hbm4b:s10+s5], $0x80, v11, vm0, $0xb8;
	[tilespmem:$0x1BF00] =	vst v63  }
0x4d: {  	s29 =	simm.s32 $0x7900  }
0x4e: {  	[tilespmem:s29], [sflag:$0x1] =	stream.indirect_vreg.gather [hbm4b:s11+s5], $0x80, v11, vm0, $0xb8;
	[tilespmem:$0x1BF00] =	vst v63  }
0x4f: {  	v11 =	vld [tilespmem:$0x2020];
	_ =	sdelay $0x4  }
0x50: {  	v12 =	vshrl.u32 v11, $0x3  }
0x51: {  	v12 =	vmul.u32 $0x30, v12  }
0x52: {  	v11 =	vand.u32 $0x7, v11  }
0x53: {  	v11 =	vor.u32 v11, v12  }
0x54: {  	v12 =	vperm.xlane v11, v8;
	_ =	sdelay $0x1  }
0x55: {  	v12 =	vadd.s32 v9, v12;
	_ =	sdelay $0x3  }
0x56: {  	s30 =	simm.s32 $0x8100;
	v11 =	vperm.xlane v11, v10  }
0x57: {  	[tilespmem:s30], [sflag:$0x1] =	stream.indirect_vreg.gather [hbm4b:s1+s5], $0x80, v12, vm0, $0xb8;
	[tilespmem:$0x1BF00] =	vst v63  }
0x58: {  	s31 =	simm.s32 $0x8900;
	v11 =	vadd.s32 v9, v11  }
0x59: {  	[tilespmem:s31], [sflag:$0x1] =	stream.indirect_vreg.gather [hbm4b:s10+s5], $0x80, v12, vm0, $0xb8;
	[tilespmem:$0x1BF00] =	vst v63  }
0x5a: {  	s21 =	simm.s32 $0x9100  }
0x5b: {  	[tilespmem:s21], [sflag:$0x1] =	stream.indirect_vreg.gather [hbm4b:s11+s5], $0x80, v12, vm0, $0xb8;
	[tilespmem:$0x1BF00] =	vst v63  }
0x5c: {  	s23 =	simm.s32 $0x9900  }
0x5d: {  	[tilespmem:s23], [sflag:$0x1] =	stream.indirect_vreg.gather [hbm4b:s1+s5], $0x80, v11, vm0, $0xb8;
	[tilespmem:$0x1BF00] =	vst v63  }
0x5e: {  	s25 =	simm.s32 $0xA100  }
0x5f: {  	[tilespmem:s25], [sflag:$0x1] =	stream.indirect_vreg.gather [hbm4b:s10+s5], $0x80, v11, vm0, $0xb8;
	[tilespmem:$0x1BF00] =	vst v63  }
0x60: {  	s26 =	simm.s32 $0xA900  }
0x61: {  	[tilespmem:s26], [sflag:$0x1] =	stream.indirect_vreg.gather [hbm4b:s11+s5], $0x80, v11, vm0, $0xb8;
	[tilespmem:$0x1BF00] =	vst v63  }
0x62: {  	v11 =	vld [tilespmem:$0x2030];
	_ =	sdelay $0x4  }
0x63: {  	v12 =	vshrl.u32 v11, $0x3  }
0x64: {  	v12 =	vmul.u32 $0x30, v12  }
0x65: {  	v11 =	vand.u32 $0x7, v11  }
0x66: {  	v11 =	vor.u32 v11, v12  }
0x67: {  	v12 =	vperm.xlane v11, v8;
	_ =	sdelay $0x1  }
0x68: {  	v12 =	vadd.s32 v9, v12;
	_ =	sdelay $0x3  }
0x69: {  	s29 =	simm.s32 $0xB100;
	v11 =	vperm.xlane v11, v10  }
0x6a: {  	[tilespmem:s29], [sflag:$0x1] =	stream.indirect_vreg.gather [hbm4b:s1+s5], $0x80, v12, vm0, $0xb8;
	[tilespmem:$0x1BF00] =	vst v63  }
0x6b: {  	s30 =	simm.s32 $0xB900;
	v11 =	vadd.s32 v9, v11  }
0x6c: {  	[tilespmem:s30], [sflag:$0x1] =	stream.indirect_vreg.gather [hbm4b:s10+s5], $0x80, v12, vm0, $0xb8;
	[tilespmem:$0x1BF00] =	vst v63  }
0x6d: {  	s31 =	simm.s32 $0xC100  }
0x6e: {  	[tilespmem:s31], [sflag:$0x1] =	stream.indirect_vreg.gather [hbm4b:s11+s5], $0x80, v12, vm0, $0xb8;
	[tilespmem:$0x1BF00] =	vst v63  }
0x6f: {  	s21 =	simm.s32 $0xC900  }
0x70: {  	[tilespmem:s21], [sflag:$0x1] =	stream.indirect_vreg.gather [hbm4b:s1+s5], $0x80, v11, vm0, $0xb8;
	[tilespmem:$0x1BF00] =	vst v63  }
0x71: {  	s23 =	simm.s32 $0xD100  }
0x72: {  	[tilespmem:s23], [sflag:$0x1] =	stream.indirect_vreg.gather [hbm4b:s10+s5], $0x80, v11, vm0, $0xb8;
	[tilespmem:$0x1BF00] =	vst v63  }
0x73: {  	s25 =	simm.s32 $0xD900  }
0x74: {  	[tilespmem:s25], [sflag:$0x1] =	stream.indirect_vreg.gather [hbm4b:s11+s5], $0x80, v11, vm0, $0xb8;
	[tilespmem:$0x1BF00] =	vst v63  }
0x75: {  	s26 =	rddreg [dreg:$0x6];
	s29 =	simm.s32 $0x1A100  }
0x76: {  	[tilespmem:s29], [sflag:$0x1] =	stream.linear.gather [hbm4b:s26+s5], $0x300, $0x38;
	[tilespmem:$0x1BF00] =	vst v63  }
0x77: {  	v11 =	vld [tilespmem:s13+$0x1A700]  }
0x78: {  	v12 =	vld [tilespmem:s13+$0x1A710]  }
0x79: {  	s30 =	simm.s32 $0x0;
	v17 =	vld [tilespmem:s13+$0x1A770]  }
0x7a: {  	s17 =	smul.u32 $0x6000, s30;
	v13 =	vld [tilespmem:s13+$0x1A720]  }
0x7b: {  	v14 =	vld [tilespmem:s13+$0x1A730]  }
0x7c: {  	s31 =	sand.u32 $0x380, s5;
	s17 =	sshra.s32 s17, $0x2;
	v15 =	vld [tilespmem:s13+$0x1A740]  }
0x7d: {  	s17 =	sor.u32 s31, s17;
	v16 =	vld [tilespmem:s13+$0x1A750]  }
0x7e: {  	v18 =	vld [tilespmem:s13+$0x1A760];
	[tilespmem:s17+$0xE170] =	vst v17  }
0x7f: {  	[tilespmem:s17+$0xE100] =	vst v11  }
0x80: {  	[tilespmem:s17+$0xE110] =	vst v12  }
0x81: {  	s21 =	simm.s32 $0x0;
	s23 =	simm.s32 $0x2;
	s25 =	simm.s32 $0x0;
	[tilespmem:s17+$0xE120] =	vst v13  }
.LBB2_2:
0x82: {  	p0 =	sne.s32 s23, $0x3F;
	s25 =	smul.u32 $0x6000, s25;
	[tilespmem:s17+$0xE130] =	vst v14  }
0x83: {  	s21 =	sadd.s32 $0x80, s21;
	[tilespmem:s17+$0xE140] =	vst v15  }
0x84: {  	s26 =	sand.u32 $0x380, s21;
	s25 =	sshra.s32 s25, $0x2;
	[tilespmem:s17+$0xE150] =	vst v16  }
.Ltmp0:
0x85: {  	[tilespmem:s17+$0xE160] =	vst v18;
	s17 =	sor.u32 s26, s25;
	(pc) =	sbr.rel @p0 .LBB2_2-.Ltmp0, $4  }
0x86: {  	[tilespmem:s17+$0xE170] =	vst v17  }
0x87: {  	[tilespmem:s17+$0xE100] =	vst v11  }
0x88: {  	[tilespmem:s17+$0xE110] =	vst v12  }
0x89: {  	s25 =	sshrl.u32 s23, $0x3;
	s23 =	sadd.s32 $0x1, s23;
	[tilespmem:s17+$0xE120] =	vst v13  }
0x8a: {  	s23 =	smul.u32 $0x6000, s25;
	[tilespmem:s17+$0xE130] =	vst v14  }
0x8b: {  	[tilespmem:s17+$0xE140] =	vst v15;
	s21 =	sadd.s32 $0x80, s21  }
0x8c: {  	[tilespmem:s17+$0xE150] =	vst v16;
	s21 =	sand.u32 $0x380, s21;
	s23 =	sshra.s32 s23, $0x2  }
0x8d: {  	[tilespmem:s17+$0xE160] =	vst v18;
	s21 =	sor.u32 s21, s23  }
0x8e: {  	[tilespmem:s21+$0xE170] =	vst v17  }
0x8f: {  	[tilespmem:s21+$0xE100] =	vst v11  }
0x90: {  	[tilespmem:s21+$0xE110] =	vst v12  }
0x91: {  	[tilespmem:s21+$0xE120] =	vst v13  }
0x92: {  	[tilespmem:s21+$0xE130] =	vst v14  }
0x93: {  	[tilespmem:s21+$0xE140] =	vst v15  }
0x94: {  	[tilespmem:s21+$0xE150] =	vst v16  }
0x95: {  	[tilespmem:s21+$0xE160] =	vst v18  }
0x96: {  	v11 =	vld [tilespmem:s13+$0x1AB00]  }
0x97: {  	v12 =	vld [tilespmem:s13+$0x1AB10]  }
0x98: {  	s29 =	simm.s32 $0x0;
	v17 =	vld [tilespmem:s13+$0x1AB70]  }
0x99: {  	s30 =	smul.u32 $0x6000, s29;
	v13 =	vld [tilespmem:s13+$0x1AB20]  }
0x9a: {  	s17 =	simm.s32 $0x0;
	v14 =	vld [tilespmem:s13+$0x1AB30]  }
0x9b: {  	s31 =	sand.u32 $0x380, s17;
	s21 =	sshra.s32 s30, $0x2;
	v15 =	vld [tilespmem:s13+$0x1AB40]  }
0x9c: {  	v16 =	vld [tilespmem:s13+$0x1AB50];
	s21 =	sor.u32 s31, s21  }
0x9d: {  	v18 =	vld [tilespmem:s13+$0x1AB60];
	[tilespmem:s21+$0xE570] =	vst v17  }
0x9e: {  	[tilespmem:s21+$0xE500] =	vst v11  }
0x9f: {  	[tilespmem:s21+$0xE510] =	vst v12  }
0xa0: {  	s25 =	simm.s32 $0x0;
	s23 =	simm.s32 $0x2;
	[tilespmem:s21+$0xE520] =	vst v13  }
.LBB2_4:
0xa1: {  	p0 =	sne.s32 s23, $0x3F;
	s25 =	smul.u32 $0x6000, s25;
	[tilespmem:s21+$0xE530] =	vst v14  }
0xa2: {  	s17 =	sadd.s32 $0x80, s17;
	[tilespmem:s21+$0xE540] =	vst v15  }
0xa3: {  	s26 =	sand.u32 $0x380, s17;
	s25 =	sshra.s32 s25, $0x2;
	[tilespmem:s21+$0xE550] =	vst v16  }
.Ltmp1:
0xa4: {  	[tilespmem:s21+$0xE560] =	vst v18;
	s21 =	sor.u32 s26, s25;
	(pc) =	sbr.rel @p0 .LBB2_4-.Ltmp1, $4  }
0xa5: {  	[tilespmem:s21+$0xE570] =	vst v17  }
0xa6: {  	[tilespmem:s21+$0xE500] =	vst v11  }
0xa7: {  	[tilespmem:s21+$0xE510] =	vst v12  }
0xa8: {  	s25 =	sshrl.u32 s23, $0x3;
	s23 =	sadd.s32 $0x1, s23;
	[tilespmem:s21+$0xE520] =	vst v13  }
0xa9: {  	s23 =	smul.u32 $0x6000, s25;
	[tilespmem:s21+$0xE530] =	vst v14  }
0xaa: {  	[tilespmem:s21+$0xE540] =	vst v15;
	s17 =	sadd.s32 $0x80, s17  }
0xab: {  	[tilespmem:s21+$0xE550] =	vst v16;
	s17 =	sand.u32 $0x380, s17;
	s23 =	sshra.s32 s23, $0x2  }
0xac: {  	[tilespmem:s21+$0xE560] =	vst v18;
	s17 =	sor.u32 s17, s23  }
0xad: {  	[tilespmem:s17+$0xE570] =	vst v17  }
0xae: {  	[tilespmem:s17+$0xE500] =	vst v11  }
0xaf: {  	[tilespmem:s17+$0xE510] =	vst v12  }
0xb0: {  	[tilespmem:s17+$0xE520] =	vst v13  }
0xb1: {  	[tilespmem:s17+$0xE530] =	vst v14  }
0xb2: {  	[tilespmem:s17+$0xE540] =	vst v15  }
0xb3: {  	[tilespmem:s17+$0xE550] =	vst v16  }
0xb4: {  	[tilespmem:s17+$0xE560] =	vst v18  }
0xb5: {  	v11 =	vld [tilespmem:s13+$0x1AF00]  }
0xb6: {  	v12 =	vld [tilespmem:s13+$0x1AF10]  }
0xb7: {  	s29 =	simm.s32 $0x0;
	v17 =	vld [tilespmem:s13+$0x1AF70]  }
0xb8: {  	s30 =	smul.u32 $0x6000, s29;
	v13 =	vld [tilespmem:s13+$0x1AF20]  }
0xb9: {  	s17 =	simm.s32 $0x0;
	v14 =	vld [tilespmem:s13+$0x1AF30]  }
0xba: {  	s21 =	sshra.s32 s30, $0x2;
	v15 =	vld [tilespmem:s13+$0x1AF40];
	s31 =	sand.u32 $0x380, s17  }
0xbb: {  	v16 =	vld [tilespmem:s13+$0x1AF50];
	s21 =	sor.u32 s31, s21  }
0xbc: {  	v18 =	vld [tilespmem:s13+$0x1AF60];
	[tilespmem:s21+$0xE970] =	vst v17  }
0xbd: {  	[tilespmem:s21+$0xE900] =	vst v11  }
0xbe: {  	[tilespmem:s21+$0xE910] =	vst v12  }
0xbf: {  	s25 =	simm.s32 $0x0;
	s23 =	simm.s32 $0x2;
	[tilespmem:s21+$0xE920] =	vst v13  }
.LBB2_6:
0xc0: {  	p0 =	sne.s32 s23, $0x3F;
	s25 =	smul.u32 $0x6000, s25;
	[tilespmem:s21+$0xE930] =	vst v14  }
0xc1: {  	s17 =	sadd.s32 $0x80, s17;
	[tilespmem:s21+$0xE940] =	vst v15  }
0xc2: {  	s26 =	sand.u32 $0x380, s17;
	s25 =	sshra.s32 s25, $0x2;
	[tilespmem:s21+$0xE950] =	vst v16  }
.Ltmp2:
0xc3: {  	[tilespmem:s21+$0xE960] =	vst v18;
	s21 =	sor.u32 s26, s25;
	(pc) =	sbr.rel @p0 .LBB2_6-.Ltmp2, $4  }
0xc4: {  	[tilespmem:s21+$0xE970] =	vst v17  }
0xc5: {  	[tilespmem:s21+$0xE900] =	vst v11  }
0xc6: {  	[tilespmem:s21+$0xE910] =	vst v12  }
0xc7: {  	s25 =	sshrl.u32 s23, $0x3;
	s23 =	sadd.s32 $0x1, s23;
	[tilespmem:s21+$0xE920] =	vst v13  }
0xc8: {  	s23 =	smul.u32 $0x6000, s25;
	[tilespmem:s21+$0xE930] =	vst v14  }
0xc9: {  	[tilespmem:s21+$0xE940] =	vst v15;
	s17 =	sadd.s32 $0x80, s17  }
0xca: {  	[tilespmem:s21+$0xE950] =	vst v16;
	s17 =	sand.u32 $0x380, s17;
	s23 =	sshra.s32 s23, $0x2  }
0xcb: {  	[tilespmem:s21+$0xE960] =	vst v18;
	s17 =	sor.u32 s17, s23  }
0xcc: {  	[tilespmem:s17+$0xE970] =	vst v17  }
0xcd: {  	[tilespmem:s17+$0xE900] =	vst v11  }
0xce: {  	[tilespmem:s17+$0xE910] =	vst v12  }
0xcf: {  	[tilespmem:s17+$0xE920] =	vst v13  }
0xd0: {  	[tilespmem:s17+$0xE930] =	vst v14  }
0xd1: {  	[tilespmem:s17+$0xE940] =	vst v15  }
0xd2: {  	[tilespmem:s17+$0xE950] =	vst v16  }
0xd3: {  	[tilespmem:s17+$0xE960] =	vst v18  }
0xd4: {  	v11 =	vld [tilespmem:s13+$0x1B300]  }
0xd5: {  	v12 =	vld [tilespmem:s13+$0x1B310]  }
0xd6: {  	s29 =	simm.s32 $0x0;
	v17 =	vld [tilespmem:s13+$0x1B370]  }
0xd7: {  	s30 =	smul.u32 $0x6000, s29;
	v13 =	vld [tilespmem:s13+$0x1B320]  }
0xd8: {  	s17 =	simm.s32 $0x0;
	v14 =	vld [tilespmem:s13+$0x1B330]  }
0xd9: {  	s21 =	sshra.s32 s30, $0x2;
	v15 =	vld [tilespmem:s13+$0x1B340];
	s31 =	sand.u32 $0x380, s17  }
0xda: {  	v16 =	vld [tilespmem:s13+$0x1B350];
	s21 =	sor.u32 s31, s21  }
0xdb: {  	v18 =	vld [tilespmem:s13+$0x1B360];
	[tilespmem:s21+$0xED70] =	vst v17  }
0xdc: {  	[tilespmem:s21+$0xED00] =	vst v11  }
0xdd: {  	[tilespmem:s21+$0xED10] =	vst v12  }
0xde: {  	s25 =	simm.s32 $0x0;
	s23 =	simm.s32 $0x2;
	[tilespmem:s21+$0xED20] =	vst v13  }
.LBB2_8:
0xdf: {  	p0 =	sne.s32 s23, $0x3F;
	s25 =	smul.u32 $0x6000, s25;
	[tilespmem:s21+$0xED30] =	vst v14  }
0xe0: {  	s17 =	sadd.s32 $0x80, s17;
	[tilespmem:s21+$0xED40] =	vst v15  }
0xe1: {  	s26 =	sand.u32 $0x380, s17;
	s25 =	sshra.s32 s25, $0x2;
	[tilespmem:s21+$0xED50] =	vst v16  }
.Ltmp3:
0xe2: {  	[tilespmem:s21+$0xED60] =	vst v18;
	s21 =	sor.u32 s26, s25;
	(pc) =	sbr.rel @p0 .LBB2_8-.Ltmp3, $4  }
0xe3: {  	[tilespmem:s21+$0xED70] =	vst v17  }
0xe4: {  	[tilespmem:s21+$0xED00] =	vst v11  }
0xe5: {  	[tilespmem:s21+$0xED10] =	vst v12  }
0xe6: {  	s25 =	sshrl.u32 s23, $0x3;
	s23 =	sadd.s32 $0x1, s23;
	[tilespmem:s21+$0xED20] =	vst v13  }
0xe7: {  	s23 =	smul.u32 $0x6000, s25;
	[tilespmem:s21+$0xED30] =	vst v14  }
0xe8: {  	[tilespmem:s21+$0xED40] =	vst v15;
	s17 =	sadd.s32 $0x80, s17  }
0xe9: {  	[tilespmem:s21+$0xED50] =	vst v16;
	s17 =	sand.u32 $0x380, s17;
	s23 =	sshra.s32 s23, $0x2  }
0xea: {  	[tilespmem:s21+$0xED60] =	vst v18;
	s17 =	sor.u32 s17, s23  }
0xeb: {  	[tilespmem:s17+$0xED70] =	vst v17  }
0xec: {  	[tilespmem:s17+$0xED00] =	vst v11  }
0xed: {  	[tilespmem:s17+$0xED10] =	vst v12  }
0xee: {  	[tilespmem:s17+$0xED20] =	vst v13  }
0xef: {  	[tilespmem:s17+$0xED30] =	vst v14  }
0xf0: {  	[tilespmem:s17+$0xED40] =	vst v15  }
0xf1: {  	[tilespmem:s17+$0xED50] =	vst v16  }
0xf2: {  	[tilespmem:s17+$0xED60] =	vst v18  }
0xf3: {  	v11 =	vld [tilespmem:s13+$0x1B700]  }
0xf4: {  	v12 =	vld [tilespmem:s13+$0x1B710]  }
0xf5: {  	s29 =	simm.s32 $0x0;
	v17 =	vld [tilespmem:s13+$0x1B770]  }
0xf6: {  	s30 =	smul.u32 $0x6000, s29;
	v13 =	vld [tilespmem:s13+$0x1B720]  }
0xf7: {  	s17 =	simm.s32 $0x0;
	v14 =	vld [tilespmem:s13+$0x1B730]  }
0xf8: {  	s21 =	sshra.s32 s30, $0x2;
	v15 =	vld [tilespmem:s13+$0x1B740];
	s31 =	sand.u32 $0x380, s17  }
0xf9: {  	v16 =	vld [tilespmem:s13+$0x1B750];
	s21 =	sor.u32 s31, s21  }
0xfa: {  	v18 =	vld [tilespmem:s13+$0x1B760];
	[tilespmem:s21+$0xF170] =	vst v17  }
0xfb: {  	[tilespmem:s21+$0xF100] =	vst v11  }
0xfc: {  	[tilespmem:s21+$0xF110] =	vst v12  }
0xfd: {  	s25 =	simm.s32 $0x0;
	s23 =	simm.s32 $0x2;
	[tilespmem:s21+$0xF120] =	vst v13  }
.LBB2_10:
0xfe: {  	p0 =	sne.s32 s23, $0x3F;
	s25 =	smul.u32 $0x6000, s25;
	[tilespmem:s21+$0xF130] =	vst v14  }
0xff: {  	s17 =	sadd.s32 $0x80, s17;
	[tilespmem:s21+$0xF140] =	vst v15  }
0x100: {  	s26 =	sand.u32 $0x380, s17;
	s25 =	sshra.s32 s25, $0x2;
	[tilespmem:s21+$0xF150] =	vst v16  }
.Ltmp4:
0x101: {  	[tilespmem:s21+$0xF160] =	vst v18;
	s21 =	sor.u32 s26, s25;
	(pc) =	sbr.rel @p0 .LBB2_10-.Ltmp4, $4  }
0x102: {  	[tilespmem:s21+$0xF170] =	vst v17  }
0x103: {  	[tilespmem:s21+$0xF100] =	vst v11  }
0x104: {  	[tilespmem:s21+$0xF110] =	vst v12  }
0x105: {  	s25 =	sshrl.u32 s23, $0x3;
	s23 =	sadd.s32 $0x1, s23;
	[tilespmem:s21+$0xF120] =	vst v13  }
0x106: {  	s23 =	smul.u32 $0x6000, s25;
	[tilespmem:s21+$0xF130] =	vst v14  }
0x107: {  	[tilespmem:s21+$0xF140] =	vst v15;
	s17 =	sadd.s32 $0x80, s17  }
0x108: {  	[tilespmem:s21+$0xF150] =	vst v16;
	s17 =	sand.u32 $0x380, s17;
	s23 =	sshra.s32 s23, $0x2  }
0x109: {  	[tilespmem:s21+$0xF160] =	vst v18;
	s17 =	sor.u32 s17, s23  }
0x10a: {  	[tilespmem:s17+$0xF170] =	vst v17  }
0x10b: {  	[tilespmem:s17+$0xF100] =	vst v11  }
0x10c: {  	[tilespmem:s17+$0xF110] =	vst v12  }
0x10d: {  	[tilespmem:s17+$0xF120] =	vst v13  }
0x10e: {  	[tilespmem:s17+$0xF130] =	vst v14  }
0x10f: {  	[tilespmem:s17+$0xF140] =	vst v15  }
0x110: {  	[tilespmem:s17+$0xF150] =	vst v16  }
0x111: {  	[tilespmem:s17+$0xF160] =	vst v18  }
0x112: {  	v11 =	vld [tilespmem:s13+$0x1BB00]  }
0x113: {  	v12 =	vld [tilespmem:s13+$0x1BB10]  }
0x114: {  	s29 =	simm.s32 $0x0;
	v17 =	vld [tilespmem:s13+$0x1BB70]  }
0x115: {  	s30 =	smul.u32 $0x6000, s29;
	v13 =	vld [tilespmem:s13+$0x1BB20]  }
0x116: {  	s17 =	simm.s32 $0x0;
	v14 =	vld [tilespmem:s13+$0x1BB30]  }
0x117: {  	s21 =	sshra.s32 s30, $0x2;
	v15 =	vld [tilespmem:s13+$0x1BB40];
	s31 =	sand.u32 $0x380, s17  }
0x118: {  	v16 =	vld [tilespmem:s13+$0x1BB50];
	s21 =	sor.u32 s31, s21  }
0x119: {  	v18 =	vld [tilespmem:s13+$0x1BB60];
	[tilespmem:s21+$0xF570] =	vst v17  }
0x11a: {  	[tilespmem:s21+$0xF500] =	vst v11  }
0x11b: {  	[tilespmem:s21+$0xF510] =	vst v12  }
0x11c: {  	s25 =	simm.s32 $0x0;
	s23 =	simm.s32 $0x2;
	[tilespmem:s21+$0xF520] =	vst v13  }
.LBB2_12:
0x11d: {  	p0 =	sne.s32 s23, $0x3F;
	s25 =	smul.u32 $0x6000, s25;
	[tilespmem:s21+$0xF530] =	vst v14  }
0x11e: {  	s17 =	sadd.s32 $0x80, s17;
	[tilespmem:s21+$0xF540] =	vst v15  }
0x11f: {  	s26 =	sand.u32 $0x380, s17;
	s25 =	sshra.s32 s25, $0x2;
	[tilespmem:s21+$0xF550] =	vst v16  }
.Ltmp5:
0x120: {  	[tilespmem:s21+$0xF560] =	vst v18;
	s21 =	sor.u32 s26, s25;
	(pc) =	sbr.rel @p0 .LBB2_12-.Ltmp5, $4  }
0x121: {  	[tilespmem:s21+$0xF570] =	vst v17  }
0x122: {  	[tilespmem:s21+$0xF500] =	vst v11  }
0x123: {  	[tilespmem:s21+$0xF510] =	vst v12  }
0x124: {  	s25 =	sshrl.u32 s23, $0x3;
	s23 =	sadd.s32 $0x1, s23;
	[tilespmem:s21+$0xF520] =	vst v13  }
0x125: {  	s23 =	smul.u32 $0x6000, s25;
	[tilespmem:s21+$0xF530] =	vst v14  }
0x126: {  	[tilespmem:s21+$0xF540] =	vst v15;
	s17 =	sadd.s32 $0x80, s17  }
0x127: {  	[tilespmem:s21+$0xF550] =	vst v16;
	s17 =	sand.u32 $0x380, s17;
	s23 =	sshra.s32 s23, $0x2  }
0x128: {  	[tilespmem:s21+$0xF560] =	vst v18;
	s17 =	sor.u32 s17, s23  }
0x129: {  	[tilespmem:s17+$0xF570] =	vst v17  }
0x12a: {  	[tilespmem:s17+$0xF500] =	vst v11  }
0x12b: {  	[tilespmem:s17+$0xF510] =	vst v12  }
0x12c: {  	[tilespmem:s17+$0xF520] =	vst v13  }
0x12d: {  	[tilespmem:s17+$0xF530] =	vst v14  }
0x12e: {  	[tilespmem:s17+$0xF540] =	vst v15  }
0x12f: {  	[tilespmem:s17+$0xF550] =	vst v16  }
0x130: {  	s26 =	rddreg [dreg:$0x7];
	[tilespmem:s17+$0xF560] =	vst v18;
	s17 =	simm.s32 $0x0  }
0x131: {  	[hbm4b:s26+s17] =	stream.linear.scatter [tilespmem:s2], [sflag:$0x4], $0xC000, $0x38;
	[tilespmem:$0x1BF00] =	vst v63  }
0x132: {  	s29 =	rddreg [dreg:$0x8]  }
0x133: {  	[hbm4b:s29+s17] =	stream.linear.scatter [tilespmem:s2], [sflag:$0x4], $0xC000, $0x38;
	[tilespmem:$0x1BF00] =	vst v63  }
0x134: {  	s30 =	rddreg [dreg:$0x9]  }
0x135: {  	[hbm4b:s30+s17] =	stream.linear.scatter [tilespmem:s2], [sflag:$0x4], $0xC000, $0x38;
	[tilespmem:$0x1BF00] =	vst v63  }
0x136: {  	s31 =	rddreg [dreg:$0xa]  }
0x137: {  	[hbm4b:s31+s17] =	stream.linear.scatter [tilespmem:s2], [sflag:$0x4], $0xC000, $0x38;
	[tilespmem:$0x1BF00] =	vst v63  }
0x138: {  	_ =	swait.ge [sflag:s28], $0xC000  }
0x139: {  	[sflag:s28] =	ssyncset.done $0x0  }
0x13a: {  	[sflag:s28] =	ssyncadd.s32 $0xFFFF4000  }
0x13b: {  	_ =	swait.ge [sflag:s28], $0xC000  }
0x13c: {  	[sflag:s28] =	ssyncset.done $0x0  }
0x13d: {  	[sflag:s28] =	ssyncadd.s32 $0xFFFF4000  }
0x13e: {  	_ =	swait.ge [sflag:s28], $0xC000  }
0x13f: {  	[sflag:s28] =	ssyncset.done $0x0  }
0x140: {  	[sflag:s28] =	ssyncadd.s32 $0xFFFF4000  }
0x141: {  	_ =	swait.ge [sflag:s28], $0xC000  }
0x142: {  	[sflag:s28] =	ssyncset.done $0x0  }
0x143: {  	s21 =	simm.s32 $0x0;
	[sflag:s28] =	ssyncadd.s32 $0xFFFF4000  }
.LBB2_14:
0x144: {  	s25 =	sshll.u32 s21, $0x1  }
0x145: {  	s23 =	sadd.s32 s25, s18  }
0x146: {  	p0 =	seq.s32 s21, $0x0;
	v11 =	vadd.s32 s23, v0  }
0x147: {  	s26 =	simm.s32 @!p0 $0x4  }
0x148: {  	_ =	swait.ge @!p0 [sflag:s26], $0xC000  }
0x149: {  	[sflag:s26] =	ssyncset.done @!p0 $0x0  }
0x14a: {  	[sflag:s26] =	ssyncadd.s32 @!p0 $0xFFFF4000  }
0x14b: {  	v11 =	vld.idx.msk [tilespmem:v11+s17+$0x0], $0xffff  }
0x14c: {  	v12 =	vadd.s32 s23, v2;
	_ =	sdelay $0x3  }
0x14d: {  	[tilespmem:$0x2080] =	vst v11  }
0x14e: {  	v12 =	vld.idx.msk [tilespmem:v12+s17+$0x0], $0xffff  }
0x14f: {  	v13 =	vadd.s32 s23, v3;
	_ =	sdelay $0x3  }
0x150: {  	[tilespmem:$0x2090] =	vst v12  }
0x151: {  	v12 =	vld.idx.msk [tilespmem:v13+s17+$0x0], $0xffff  }
0x152: {  	v14 =	vshrl.u32 v11, $0x3;
	v13 =	vadd.s32 s23, v6  }
0x153: {  	v14 =	vmul.u32 $0x30, v14  }
0x154: {  	v11 =	vand.u32 $0x7, v11  }
0x155: {  	v11 =	vor.u32 v11, v14  }
0x156: {  	[tilespmem:$0x20A0] =	vst v12;
	v12 =	vperm.xlane v11, v8  }
0x157: {  	v13 =	vld.idx.msk [tilespmem:v13+s17+$0x0], $0xffff  }
0x158: {  	v12 =	vadd.s32 v9, v12;
	_ =	sdelay $0x3  }
0x159: {  	v11 =	vperm.xlane v11, v10;
	[tilespmem:$0x20B0] =	vst v13  }
0x15a: {  	[tilespmem:s2], [sflag:$0x2] =	stream.indirect_vreg.gather [hbm4b:s1+s17], $0x80, v12, vm0, $0xb8;
	[tilespmem:$0x1BF00] =	vst v63  }
0x15b: {  	s31 =	simm.s32 $0xE900;
	v11 =	vadd.s32 v9, v11  }
0x15c: {  	[tilespmem:s31], [sflag:$0x2] =	stream.indirect_vreg.gather [hbm4b:s10+s17], $0x80, v12, vm0, $0xb8;
	[tilespmem:$0x1BF00] =	vst v63  }
0x15d: {  	s31 =	simm.s32 $0xF100  }
0x15e: {  	[tilespmem:s31], [sflag:$0x2] =	stream.indirect_vreg.gather [hbm4b:s11+s17], $0x80, v12, vm0, $0xb8;
	[tilespmem:$0x1BF00] =	vst v63  }
0x15f: {  	s31 =	simm.s32 $0xF900  }
0x160: {  	[tilespmem:s31], [sflag:$0x2] =	stream.indirect_vreg.gather [hbm4b:s1+s17], $0x80, v11, vm0, $0xb8;
	[tilespmem:$0x1BF00] =	vst v63  }
0x161: {  	s31 =	simm.s32 $0x10100  }
0x162: {  	[tilespmem:s31], [sflag:$0x2] =	stream.indirect_vreg.gather [hbm4b:s10+s17], $0x80, v11, vm0, $0xb8;
	[tilespmem:$0x1BF00] =	vst v63  }
0x163: {  	s31 =	simm.s32 $0x10900  }
0x164: {  	[tilespmem:s31], [sflag:$0x2] =	stream.indirect_vreg.gather [hbm4b:s11+s17], $0x80, v11, vm0, $0xb8;
	[tilespmem:$0x1BF00] =	vst v63  }
0x165: {  	v11 =	vld [tilespmem:$0x2090];
	_ =	sdelay $0x4  }
0x166: {  	v12 =	vshrl.u32 v11, $0x3  }
0x167: {  	v12 =	vmul.u32 $0x30, v12  }
0x168: {  	v11 =	vand.u32 $0x7, v11  }
0x169: {  	v11 =	vor.u32 v11, v12  }
0x16a: {  	v12 =	vperm.xlane v11, v8;
	_ =	sdelay $0x1  }
0x16b: {  	v12 =	vadd.s32 v9, v12;
	_ =	sdelay $0x3  }
0x16c: {  	s31 =	simm.s32 $0x11100;
	v11 =	vperm.xlane v11, v10  }
0x16d: {  	[tilespmem:s31], [sflag:$0x2] =	stream.indirect_vreg.gather [hbm4b:s1+s17], $0x80, v12, vm0, $0xb8;
	[tilespmem:$0x1BF00] =	vst v63  }
0x16e: {  	v11 =	vadd.s32 v9, v11;
	s31 =	simm.s32 $0x11900  }
0x16f: {  	[tilespmem:s31], [sflag:$0x2] =	stream.indirect_vreg.gather [hbm4b:s10+s17], $0x80, v12, vm0, $0xb8;
	[tilespmem:$0x1BF00] =	vst v63  }
0x170: {  	s31 =	simm.s32 $0x12100  }
0x171: {  	[tilespmem:s31], [sflag:$0x2] =	stream.indirect_vreg.gather [hbm4b:s11+s17], $0x80, v12, vm0, $0xb8;
	[tilespmem:$0x1BF00] =	vst v63  }
0x172: {  	s31 =	simm.s32 $0x12900  }
0x173: {  	[tilespmem:s31], [sflag:$0x2] =	stream.indirect_vreg.gather [hbm4b:s1+s17], $0x80, v11, vm0, $0xb8;
	[tilespmem:$0x1BF00] =	vst v63  }
0x174: {  	s31 =	simm.s32 $0x13100  }
0x175: {  	[tilespmem:s31], [sflag:$0x2] =	stream.indirect_vreg.gather [hbm4b:s10+s17], $0x80, v11, vm0, $0xb8;
	[tilespmem:$0x1BF00] =	vst v63  }
0x176: {  	s31 =	simm.s32 $0x13900  }
0x177: {  	[tilespmem:s31], [sflag:$0x2] =	stream.indirect_vreg.gather [hbm4b:s11+s17], $0x80, v11, vm0, $0xb8;
	[tilespmem:$0x1BF00] =	vst v63  }
0x178: {  	v11 =	vld [tilespmem:$0x20A0];
	_ =	sdelay $0x4  }
0x179: {  	v12 =	vshrl.u32 v11, $0x3  }
0x17a: {  	v12 =	vmul.u32 $0x30, v12  }
0x17b: {  	v11 =	vand.u32 $0x7, v11  }
0x17c: {  	v11 =	vor.u32 v11, v12  }
0x17d: {  	v12 =	vperm.xlane v11, v8;
	_ =	sdelay $0x1  }
0x17e: {  	v12 =	vadd.s32 v9, v12;
	_ =	sdelay $0x3  }
0x17f: {  	s31 =	simm.s32 $0x14100;
	v11 =	vperm.xlane v11, v10  }
0x180: {  	[tilespmem:s31], [sflag:$0x2] =	stream.indirect_vreg.gather [hbm4b:s1+s17], $0x80, v12, vm0, $0xb8;
	[tilespmem:$0x1BF00] =	vst v63  }
0x181: {  	v11 =	vadd.s32 v9, v11;
	s31 =	simm.s32 $0x14900  }
0x182: {  	[tilespmem:s31], [sflag:$0x2] =	stream.indirect_vreg.gather [hbm4b:s10+s17], $0x80, v12, vm0, $0xb8;
	[tilespmem:$0x1BF00] =	vst v63  }
0x183: {  	s31 =	simm.s32 $0x15100  }
0x184: {  	[tilespmem:s31], [sflag:$0x2] =	stream.indirect_vreg.gather [hbm4b:s11+s17], $0x80, v12, vm0, $0xb8;
	[tilespmem:$0x1BF00] =	vst v63  }
0x185: {  	s31 =	simm.s32 $0x15900  }
0x186: {  	[tilespmem:s31], [sflag:$0x2] =	stream.indirect_vreg.gather [hbm4b:s1+s17], $0x80, v11, vm0, $0xb8;
	[tilespmem:$0x1BF00] =	vst v63  }
0x187: {  	s31 =	simm.s32 $0x16100  }
0x188: {  	[tilespmem:s31], [sflag:$0x2] =	stream.indirect_vreg.gather [hbm4b:s10+s17], $0x80, v11, vm0, $0xb8;
	[tilespmem:$0x1BF00] =	vst v63  }
0x189: {  	s31 =	simm.s32 $0x16900  }
0x18a: {  	[tilespmem:s31], [sflag:$0x2] =	stream.indirect_vreg.gather [hbm4b:s11+s17], $0x80, v11, vm0, $0xb8;
	[tilespmem:$0x1BF00] =	vst v63  }
0x18b: {  	v11 =	vld [tilespmem:$0x20B0];
	_ =	sdelay $0x4  }
0x18c: {  	v12 =	vshrl.u32 v11, $0x3  }
0x18d: {  	v12 =	vmul.u32 $0x30, v12  }
0x18e: {  	v11 =	vand.u32 $0x7, v11  }
0x18f: {  	v11 =	vor.u32 v11, v12  }
0x190: {  	v12 =	vperm.xlane v11, v8;
	_ =	sdelay $0x1  }
0x191: {  	v12 =	vadd.s32 v9, v12;
	_ =	sdelay $0x3  }
0x192: {  	v11 =	vperm.xlane v11, v10  }
0x193: {  	[tilespmem:s20], [sflag:$0x2] =	stream.indirect_vreg.gather [hbm4b:s1+s17], $0x80, v12, vm0, $0xb8;
	[tilespmem:$0x1BF00] =	vst v63  }
0x194: {  	v11 =	vadd.s32 v9, v11  }
0x195: {  	[tilespmem:s0], [sflag:$0x2] =	stream.indirect_vreg.gather [hbm4b:s10+s17], $0x80, v12, vm0, $0xb8;
	[tilespmem:$0x1BF00] =	vst v63  }
0x196: {  	_ = 	snop  }
0x197: {  	[tilespmem:s3], [sflag:$0x2] =	stream.indirect_vreg.gather [hbm4b:s11+s17], $0x80, v12, vm0, $0xb8;
	[tilespmem:$0x1BF00] =	vst v63  }
0x198: {  	_ = 	snop  }
0x199: {  	[tilespmem:s22], [sflag:$0x2] =	stream.indirect_vreg.gather [hbm4b:s1+s17], $0x80, v11, vm0, $0xb8;
	[tilespmem:$0x1BF00] =	vst v63  }
0x19a: {  	_ = 	snop  }
0x19b: {  	[tilespmem:s9], [sflag:$0x2] =	stream.indirect_vreg.gather [hbm4b:s10+s17], $0x80, v11, vm0, $0xb8;
	[tilespmem:$0x1BF00] =	vst v63  }
0x19c: {  	s31 =	smul.u32 $0x60, s23  }
0x19d: {  	[tilespmem:s12], [sflag:$0x2] =	stream.indirect_vreg.gather [hbm4b:s11+s17], $0x80, v11, vm0, $0xb8;
	[tilespmem:$0x1BF00] =	vst v63  }
0x19e: {  	s26 =	sadd.s32 s7, s31  }
0x19f: {  	[tilespmem:s14], [sflag:$0x2] =	stream.linear.gather [hbm4b:s26+s17], $0x300, $0x38;
	[tilespmem:$0x1BF00] =	vst v63  }
0x1a0: {  	_ =	swait.ge [sflag:s6], $0xC000  }
0x1a1: {  	[sflag:s6] =	ssyncset.done $0x0  }
0x1a2: {  	[sflag:s6] =	ssyncadd.s32 $0xFFFF4000  }
0x1a3: {  	_ =	swait.ge [sflag:s6], $0x300  }
0x1a4: {  	[sflag:s6] =	ssyncset.done $0x0  }
0x1a5: {  	[sflag:s6] =	ssyncadd.s32 $0xFFFFFD00  }
0x1a6: {  	v11 =	vld [tilespmem:$0x1A100]  }
0x1a7: {  	v12 =	vld [tilespmem:$0x1A110]  }
0x1a8: {  	v13 =	vld [tilespmem:$0x1A120]  }
0x1a9: {  	s31 =	simm.s32 $0x0;
	v17 =	vld [tilespmem:$0x1A170]  }
0x1aa: {  	s26 =	smul.u32 $0x6000, s31;
	v14 =	vld [tilespmem:$0x1A130]  }
0x1ab: {  	v15 =	vld [tilespmem:$0x1A140]  }
0x1ac: {  	s28 =	sand.u32 $0x380, s17;
	s26 =	sshra.s32 s26, $0x2;
	v16 =	vld [tilespmem:$0x1A150]  }
0x1ad: {  	s26 =	sor.u32 s28, s26;
	v18 =	vld [tilespmem:$0x1A160]  }
0x1ae: {  	[tilespmem:s26+$0x2170] =	vst.add.f32.msk $0xffff, v17  }
0x1af: {  	[tilespmem:s26+$0x2100] =	vst.add.f32.msk $0xffff, v11  }
0x1b0: {  	[tilespmem:s26+$0x2110] =	vst.add.f32.msk $0xffff, v12  }
0x1b1: {  	s30 =	simm.s32 $0x0;
	s29 =	simm.s32 $0x2;
	s28 =	simm.s32 $0x0;
	[tilespmem:s26+$0x2120] =	vst.add.f32.msk $0xffff, v13  }
.LBB2_15:
0x1b2: {  	p0 =	sne.s32 s29, $0x3F;
	s30 =	smul.u32 $0x6000, s30;
	[tilespmem:s26+$0x2130] =	vst.add.f32.msk $0xffff, v14  }
0x1b3: {  	s28 =	sadd.s32 $0x80, s28;
	[tilespmem:s26+$0x2140] =	vst.add.f32.msk $0xffff, v15  }
0x1b4: {  	s31 =	sand.u32 $0x380, s28;
	s30 =	sshra.s32 s30, $0x2;
	[tilespmem:s26+$0x2150] =	vst.add.f32.msk $0xffff, v16  }
.Ltmp6:
0x1b5: {  	[tilespmem:s26+$0x2160] =	vst.add.f32.msk $0xffff, v18;
	s26 =	sor.u32 s31, s30;
	(pc) =	sbr.rel @p0 .LBB2_15-.Ltmp6, $4  }
0x1b6: {  	[tilespmem:s26+$0x2170] =	vst.add.f32.msk $0xffff, v17  }
0x1b7: {  	[tilespmem:s26+$0x2100] =	vst.add.f32.msk $0xffff, v11  }
0x1b8: {  	[tilespmem:s26+$0x2110] =	vst.add.f32.msk $0xffff, v12  }
0x1b9: {  	s30 =	sshrl.u32 s29, $0x3;
	s29 =	sadd.s32 $0x1, s29;
	[tilespmem:s26+$0x2120] =	vst.add.f32.msk $0xffff, v13  }
0x1ba: {  	s29 =	smul.u32 $0x6000, s30;
	[tilespmem:s26+$0x2130] =	vst.add.f32.msk $0xffff, v14  }
0x1bb: {  	[tilespmem:s26+$0x2140] =	vst.add.f32.msk $0xffff, v15;
	s28 =	sadd.s32 $0x80, s28  }
0x1bc: {  	[tilespmem:s26+$0x2150] =	vst.add.f32.msk $0xffff, v16;
	s28 =	sand.u32 $0x380, s28;
	s29 =	sshra.s32 s29, $0x2  }
0x1bd: {  	[tilespmem:s26+$0x2160] =	vst.add.f32.msk $0xffff, v18;
	s28 =	sor.u32 s28, s29  }
0x1be: {  	[tilespmem:s28+$0x2170] =	vst.add.f32.msk $0xffff, v17  }
0x1bf: {  	[tilespmem:s28+$0x2100] =	vst.add.f32.msk $0xffff, v11  }
0x1c0: {  	[tilespmem:s28+$0x2110] =	vst.add.f32.msk $0xffff, v12  }
0x1c1: {  	[tilespmem:s28+$0x2120] =	vst.add.f32.msk $0xffff, v13  }
0x1c2: {  	[tilespmem:s28+$0x2130] =	vst.add.f32.msk $0xffff, v14  }
0x1c3: {  	[tilespmem:s28+$0x2140] =	vst.add.f32.msk $0xffff, v15  }
0x1c4: {  	[tilespmem:s28+$0x2150] =	vst.add.f32.msk $0xffff, v16  }
0x1c5: {  	[tilespmem:s28+$0x2160] =	vst.add.f32.msk $0xffff, v18  }
0x1c6: {  	v11 =	vld [tilespmem:$0x1A180]  }
0x1c7: {  	v12 =	vld [tilespmem:$0x1A190]  }
0x1c8: {  	v13 =	vld [tilespmem:$0x1A1A0]  }
0x1c9: {  	s31 =	simm.s32 $0x0;
	v17 =	vld [tilespmem:$0x1A1F0]  }
0x1ca: {  	s28 =	smul.u32 $0x6000, s31;
	v14 =	vld [tilespmem:$0x1A1B0]  }
0x1cb: {  	s26 =	simm.s32 $0x0;
	v15 =	vld [tilespmem:$0x1A1C0]  }
0x1cc: {  	s29 =	sand.u32 $0x380, s26;
	v16 =	vld [tilespmem:$0x1A1D0];
	s28 =	sshra.s32 s28, $0x2  }
0x1cd: {  	v18 =	vld [tilespmem:$0x1A1E0];
	s28 =	sor.u32 s29, s28  }
0x1ce: {  	[tilespmem:s28+$0x2570] =	vst.add.f32.msk $0xffff, v17  }
0x1cf: {  	[tilespmem:s28+$0x2500] =	vst.add.f32.msk $0xffff, v11  }
0x1d0: {  	[tilespmem:s28+$0x2510] =	vst.add.f32.msk $0xffff, v12  }
0x1d1: {  	s30 =	simm.s32 $0x0;
	s29 =	simm.s32 $0x2;
	[tilespmem:s28+$0x2520] =	vst.add.f32.msk $0xffff, v13  }
.LBB2_17:
0x1d2: {  	p0 =	sne.s32 s29, $0x3F;
	s30 =	smul.u32 $0x6000, s30;
	[tilespmem:s28+$0x2530] =	vst.add.f32.msk $0xffff, v14  }
0x1d3: {  	s26 =	sadd.s32 $0x80, s26;
	[tilespmem:s28+$0x2540] =	vst.add.f32.msk $0xffff, v15  }
0x1d4: {  	s31 =	sand.u32 $0x380, s26;
	s30 =	sshra.s32 s30, $0x2;
	[tilespmem:s28+$0x2550] =	vst.add.f32.msk $0xffff, v16  }
.Ltmp7:
0x1d5: {  	[tilespmem:s28+$0x2560] =	vst.add.f32.msk $0xffff, v18;
	s28 =	sor.u32 s31, s30;
	(pc) =	sbr.rel @p0 .LBB2_17-.Ltmp7, $4  }
0x1d6: {  	[tilespmem:s28+$0x2570] =	vst.add.f32.msk $0xffff, v17  }
0x1d7: {  	[tilespmem:s28+$0x2500] =	vst.add.f32.msk $0xffff, v11  }
0x1d8: {  	[tilespmem:s28+$0x2510] =	vst.add.f32.msk $0xffff, v12  }
0x1d9: {  	s30 =	sshrl.u32 s29, $0x3;
	s29 =	sadd.s32 $0x1, s29;
	[tilespmem:s28+$0x2520] =	vst.add.f32.msk $0xffff, v13  }
0x1da: {  	s29 =	smul.u32 $0x6000, s30;
	[tilespmem:s28+$0x2530] =	vst.add.f32.msk $0xffff, v14  }
0x1db: {  	[tilespmem:s28+$0x2540] =	vst.add.f32.msk $0xffff, v15;
	s26 =	sadd.s32 $0x80, s26  }
0x1dc: {  	[tilespmem:s28+$0x2550] =	vst.add.f32.msk $0xffff, v16;
	s26 =	sand.u32 $0x380, s26;
	s29 =	sshra.s32 s29, $0x2  }
0x1dd: {  	[tilespmem:s28+$0x2560] =	vst.add.f32.msk $0xffff, v18;
	s26 =	sor.u32 s26, s29  }
0x1de: {  	[tilespmem:s26+$0x2570] =	vst.add.f32.msk $0xffff, v17  }
0x1df: {  	[tilespmem:s26+$0x2500] =	vst.add.f32.msk $0xffff, v11  }
0x1e0: {  	[tilespmem:s26+$0x2510] =	vst.add.f32.msk $0xffff, v12  }
0x1e1: {  	[tilespmem:s26+$0x2520] =	vst.add.f32.msk $0xffff, v13  }
0x1e2: {  	[tilespmem:s26+$0x2530] =	vst.add.f32.msk $0xffff, v14  }
0x1e3: {  	[tilespmem:s26+$0x2540] =	vst.add.f32.msk $0xffff, v15  }
0x1e4: {  	[tilespmem:s26+$0x2550] =	vst.add.f32.msk $0xffff, v16  }
0x1e5: {  	[tilespmem:s26+$0x2560] =	vst.add.f32.msk $0xffff, v18  }
0x1e6: {  	v11 =	vld [tilespmem:$0x1A200]  }
0x1e7: {  	v12 =	vld [tilespmem:$0x1A210]  }
0x1e8: {  	v13 =	vld [tilespmem:$0x1A220]  }
0x1e9: {  	s31 =	simm.s32 $0x0;
	v17 =	vld [tilespmem:$0x1A270]  }
0x1ea: {  	s28 =	smul.u32 $0x6000, s31;
	v14 =	vld [tilespmem:$0x1A230]  }
0x1eb: {  	s26 =	simm.s32 $0x0;
	v15 =	vld [tilespmem:$0x1A240]  }
0x1ec: {  	s28 =	sshra.s32 s28, $0x2;
	v16 =	vld [tilespmem:$0x1A250];
	s29 =	sand.u32 $0x380, s26  }
0x1ed: {  	v18 =	vld [tilespmem:$0x1A260];
	s28 =	sor.u32 s29, s28  }
0x1ee: {  	[tilespmem:s28+$0x2970] =	vst.add.f32.msk $0xffff, v17  }
0x1ef: {  	[tilespmem:s28+$0x2900] =	vst.add.f32.msk $0xffff, v11  }
0x1f0: {  	[tilespmem:s28+$0x2910] =	vst.add.f32.msk $0xffff, v12  }
0x1f1: {  	s30 =	simm.s32 $0x0;
	s29 =	simm.s32 $0x2;
	[tilespmem:s28+$0x2920] =	vst.add.f32.msk $0xffff, v13  }
.LBB2_19:
0x1f2: {  	p0 =	sne.s32 s29, $0x3F;
	s30 =	smul.u32 $0x6000, s30;
	[tilespmem:s28+$0x2930] =	vst.add.f32.msk $0xffff, v14  }
0x1f3: {  	s26 =	sadd.s32 $0x80, s26;
	[tilespmem:s28+$0x2940] =	vst.add.f32.msk $0xffff, v15  }
0x1f4: {  	s31 =	sand.u32 $0x380, s26;
	s30 =	sshra.s32 s30, $0x2;
	[tilespmem:s28+$0x2950] =	vst.add.f32.msk $0xffff, v16  }
.Ltmp8:
0x1f5: {  	[tilespmem:s28+$0x2960] =	vst.add.f32.msk $0xffff, v18;
	s28 =	sor.u32 s31, s30;
	(pc) =	sbr.rel @p0 .LBB2_19-.Ltmp8, $4  }
0x1f6: {  	[tilespmem:s28+$0x2970] =	vst.add.f32.msk $0xffff, v17  }
0x1f7: {  	[tilespmem:s28+$0x2900] =	vst.add.f32.msk $0xffff, v11  }
0x1f8: {  	[tilespmem:s28+$0x2910] =	vst.add.f32.msk $0xffff, v12  }
0x1f9: {  	s30 =	sshrl.u32 s29, $0x3;
	s29 =	sadd.s32 $0x1, s29;
	[tilespmem:s28+$0x2920] =	vst.add.f32.msk $0xffff, v13  }
0x1fa: {  	s29 =	smul.u32 $0x6000, s30;
	[tilespmem:s28+$0x2930] =	vst.add.f32.msk $0xffff, v14  }
0x1fb: {  	[tilespmem:s28+$0x2940] =	vst.add.f32.msk $0xffff, v15;
	s26 =	sadd.s32 $0x80, s26  }
0x1fc: {  	[tilespmem:s28+$0x2950] =	vst.add.f32.msk $0xffff, v16;
	s26 =	sand.u32 $0x380, s26;
	s29 =	sshra.s32 s29, $0x2  }
0x1fd: {  	[tilespmem:s28+$0x2960] =	vst.add.f32.msk $0xffff, v18;
	s26 =	sor.u32 s26, s29  }
0x1fe: {  	[tilespmem:s26+$0x2970] =	vst.add.f32.msk $0xffff, v17  }
0x1ff: {  	[tilespmem:s26+$0x2900] =	vst.add.f32.msk $0xffff, v11  }
0x200: {  	[tilespmem:s26+$0x2910] =	vst.add.f32.msk $0xffff, v12  }
0x201: {  	[tilespmem:s26+$0x2920] =	vst.add.f32.msk $0xffff, v13  }
0x202: {  	[tilespmem:s26+$0x2930] =	vst.add.f32.msk $0xffff, v14  }
0x203: {  	[tilespmem:s26+$0x2940] =	vst.add.f32.msk $0xffff, v15  }
0x204: {  	[tilespmem:s26+$0x2950] =	vst.add.f32.msk $0xffff, v16  }
0x205: {  	[tilespmem:s26+$0x2960] =	vst.add.f32.msk $0xffff, v18  }
0x206: {  	v11 =	vld [tilespmem:$0x1A280]  }
0x207: {  	v12 =	vld [tilespmem:$0x1A290]  }
0x208: {  	v13 =	vld [tilespmem:$0x1A2A0]  }
0x209: {  	s31 =	simm.s32 $0x0;
	v17 =	vld [tilespmem:$0x1A2F0]  }
0x20a: {  	s28 =	smul.u32 $0x6000, s31;
	v14 =	vld [tilespmem:$0x1A2B0]  }
0x20b: {  	s26 =	simm.s32 $0x0;
	v15 =	vld [tilespmem:$0x1A2C0]  }
0x20c: {  	s28 =	sshra.s32 s28, $0x2;
	v16 =	vld [tilespmem:$0x1A2D0];
	s29 =	sand.u32 $0x380, s26  }
0x20d: {  	v18 =	vld [tilespmem:$0x1A2E0];
	s28 =	sor.u32 s29, s28  }
0x20e: {  	[tilespmem:s28+$0x2D70] =	vst.add.f32.msk $0xffff, v17  }
0x20f: {  	[tilespmem:s28+$0x2D00] =	vst.add.f32.msk $0xffff, v11  }
0x210: {  	[tilespmem:s28+$0x2D10] =	vst.add.f32.msk $0xffff, v12  }
0x211: {  	s30 =	simm.s32 $0x0;
	s29 =	simm.s32 $0x2;
	[tilespmem:s28+$0x2D20] =	vst.add.f32.msk $0xffff, v13  }
.LBB2_21:
0x212: {  	p0 =	sne.s32 s29, $0x3F;
	s30 =	smul.u32 $0x6000, s30;
	[tilespmem:s28+$0x2D30] =	vst.add.f32.msk $0xffff, v14  }
0x213: {  	s26 =	sadd.s32 $0x80, s26;
	[tilespmem:s28+$0x2D40] =	vst.add.f32.msk $0xffff, v15  }
0x214: {  	s31 =	sand.u32 $0x380, s26;
	s30 =	sshra.s32 s30, $0x2;
	[tilespmem:s28+$0x2D50] =	vst.add.f32.msk $0xffff, v16  }
.Ltmp9:
0x215: {  	[tilespmem:s28+$0x2D60] =	vst.add.f32.msk $0xffff, v18;
	s28 =	sor.u32 s31, s30;
	(pc) =	sbr.rel @p0 .LBB2_21-.Ltmp9, $4  }
0x216: {  	[tilespmem:s28+$0x2D70] =	vst.add.f32.msk $0xffff, v17  }
0x217: {  	[tilespmem:s28+$0x2D00] =	vst.add.f32.msk $0xffff, v11  }
0x218: {  	[tilespmem:s28+$0x2D10] =	vst.add.f32.msk $0xffff, v12  }
0x219: {  	s30 =	sshrl.u32 s29, $0x3;
	s29 =	sadd.s32 $0x1, s29;
	[tilespmem:s28+$0x2D20] =	vst.add.f32.msk $0xffff, v13  }
0x21a: {  	s29 =	smul.u32 $0x6000, s30;
	[tilespmem:s28+$0x2D30] =	vst.add.f32.msk $0xffff, v14  }
0x21b: {  	[tilespmem:s28+$0x2D40] =	vst.add.f32.msk $0xffff, v15;
	s26 =	sadd.s32 $0x80, s26  }
0x21c: {  	[tilespmem:s28+$0x2D50] =	vst.add.f32.msk $0xffff, v16;
	s26 =	sand.u32 $0x380, s26;
	s29 =	sshra.s32 s29, $0x2  }
0x21d: {  	[tilespmem:s28+$0x2D60] =	vst.add.f32.msk $0xffff, v18;
	s26 =	sor.u32 s26, s29  }
0x21e: {  	[tilespmem:s26+$0x2D70] =	vst.add.f32.msk $0xffff, v17  }
0x21f: {  	[tilespmem:s26+$0x2D00] =	vst.add.f32.msk $0xffff, v11  }
0x220: {  	[tilespmem:s26+$0x2D10] =	vst.add.f32.msk $0xffff, v12  }
0x221: {  	[tilespmem:s26+$0x2D20] =	vst.add.f32.msk $0xffff, v13  }
0x222: {  	[tilespmem:s26+$0x2D30] =	vst.add.f32.msk $0xffff, v14  }
0x223: {  	[tilespmem:s26+$0x2D40] =	vst.add.f32.msk $0xffff, v15  }
0x224: {  	[tilespmem:s26+$0x2D50] =	vst.add.f32.msk $0xffff, v16  }
0x225: {  	[tilespmem:s26+$0x2D60] =	vst.add.f32.msk $0xffff, v18  }
0x226: {  	v11 =	vld [tilespmem:$0x1A300]  }
0x227: {  	v12 =	vld [tilespmem:$0x1A310]  }
0x228: {  	v13 =	vld [tilespmem:$0x1A320]  }
0x229: {  	s31 =	simm.s32 $0x0;
	v17 =	vld [tilespmem:$0x1A370]  }
0x22a: {  	s28 =	smul.u32 $0x6000, s31;
	v14 =	vld [tilespmem:$0x1A330]  }
0x22b: {  	s26 =	simm.s32 $0x0;
	v15 =	vld [tilespmem:$0x1A340]  }
0x22c: {  	s28 =	sshra.s32 s28, $0x2;
	v16 =	vld [tilespmem:$0x1A350];
	s29 =	sand.u32 $0x380, s26  }
0x22d: {  	v18 =	vld [tilespmem:$0x1A360];
	s28 =	sor.u32 s29, s28  }
0x22e: {  	[tilespmem:s28+$0x3170] =	vst.add.f32.msk $0xffff, v17  }
0x22f: {  	[tilespmem:s28+$0x3100] =	vst.add.f32.msk $0xffff, v11  }
0x230: {  	[tilespmem:s28+$0x3110] =	vst.add.f32.msk $0xffff, v12  }
0x231: {  	s30 =	simm.s32 $0x0;
	s29 =	simm.s32 $0x2;
	[tilespmem:s28+$0x3120] =	vst.add.f32.msk $0xffff, v13  }
.LBB2_23:
0x232: {  	p0 =	sne.s32 s29, $0x3F;
	s30 =	smul.u32 $0x6000, s30;
	[tilespmem:s28+$0x3130] =	vst.add.f32.msk $0xffff, v14  }
0x233: {  	s26 =	sadd.s32 $0x80, s26;
	[tilespmem:s28+$0x3140] =	vst.add.f32.msk $0xffff, v15  }
0x234: {  	s31 =	sand.u32 $0x380, s26;
	s30 =	sshra.s32 s30, $0x2;
	[tilespmem:s28+$0x3150] =	vst.add.f32.msk $0xffff, v16  }
.Ltmp10:
0x235: {  	[tilespmem:s28+$0x3160] =	vst.add.f32.msk $0xffff, v18;
	s28 =	sor.u32 s31, s30;
	(pc) =	sbr.rel @p0 .LBB2_23-.Ltmp10, $4  }
0x236: {  	[tilespmem:s28+$0x3170] =	vst.add.f32.msk $0xffff, v17  }
0x237: {  	[tilespmem:s28+$0x3100] =	vst.add.f32.msk $0xffff, v11  }
0x238: {  	[tilespmem:s28+$0x3110] =	vst.add.f32.msk $0xffff, v12  }
0x239: {  	s30 =	sshrl.u32 s29, $0x3;
	s29 =	sadd.s32 $0x1, s29;
	[tilespmem:s28+$0x3120] =	vst.add.f32.msk $0xffff, v13  }
0x23a: {  	s29 =	smul.u32 $0x6000, s30;
	[tilespmem:s28+$0x3130] =	vst.add.f32.msk $0xffff, v14  }
0x23b: {  	[tilespmem:s28+$0x3140] =	vst.add.f32.msk $0xffff, v15;
	s26 =	sadd.s32 $0x80, s26  }
0x23c: {  	[tilespmem:s28+$0x3150] =	vst.add.f32.msk $0xffff, v16;
	s26 =	sand.u32 $0x380, s26;
	s29 =	sshra.s32 s29, $0x2  }
0x23d: {  	[tilespmem:s28+$0x3160] =	vst.add.f32.msk $0xffff, v18;
	s26 =	sor.u32 s26, s29  }
0x23e: {  	[tilespmem:s26+$0x3170] =	vst.add.f32.msk $0xffff, v17  }
0x23f: {  	[tilespmem:s26+$0x3100] =	vst.add.f32.msk $0xffff, v11  }
0x240: {  	[tilespmem:s26+$0x3110] =	vst.add.f32.msk $0xffff, v12  }
0x241: {  	[tilespmem:s26+$0x3120] =	vst.add.f32.msk $0xffff, v13  }
0x242: {  	[tilespmem:s26+$0x3130] =	vst.add.f32.msk $0xffff, v14  }
0x243: {  	[tilespmem:s26+$0x3140] =	vst.add.f32.msk $0xffff, v15  }
0x244: {  	[tilespmem:s26+$0x3150] =	vst.add.f32.msk $0xffff, v16  }
0x245: {  	[tilespmem:s26+$0x3160] =	vst.add.f32.msk $0xffff, v18  }
0x246: {  	v16 =	vld [tilespmem:$0x1A380]  }
0x247: {  	v11 =	vld [tilespmem:$0x1A390]  }
0x248: {  	v12 =	vld [tilespmem:$0x1A3A0]  }
0x249: {  	s31 =	simm.s32 $0x0;
	v18 =	vld [tilespmem:$0x1A3F0]  }
0x24a: {  	s28 =	smul.u32 $0x6000, s31;
	v13 =	vld [tilespmem:$0x1A3B0]  }
0x24b: {  	s26 =	simm.s32 $0x0;
	v14 =	vld [tilespmem:$0x1A3C0]  }
0x24c: {  	s28 =	sshra.s32 s28, $0x2;
	v15 =	vld [tilespmem:$0x1A3D0];
	s29 =	sand.u32 $0x380, s26  }
0x24d: {  	v17 =	vld [tilespmem:$0x1A3E0];
	s28 =	sor.u32 s29, s28  }
0x24e: {  	[tilespmem:s28+$0x3570] =	vst.add.f32.msk $0xffff, v18  }
0x24f: {  	[tilespmem:s28+$0x3500] =	vst.add.f32.msk $0xffff, v16  }
0x250: {  	[tilespmem:s28+$0x3510] =	vst.add.f32.msk $0xffff, v11  }
0x251: {  	s30 =	simm.s32 $0x0;
	s29 =	simm.s32 $0x2;
	[tilespmem:s28+$0x3520] =	vst.add.f32.msk $0xffff, v12  }
.LBB2_25:
0x252: {  	p0 =	sne.s32 s29, $0x3F;
	s30 =	smul.u32 $0x6000, s30;
	[tilespmem:s28+$0x3530] =	vst.add.f32.msk $0xffff, v13  }
0x253: {  	s26 =	sadd.s32 $0x80, s26;
	[tilespmem:s28+$0x3540] =	vst.add.f32.msk $0xffff, v14  }
0x254: {  	s31 =	sand.u32 $0x380, s26;
	s30 =	sshra.s32 s30, $0x2;
	[tilespmem:s28+$0x3550] =	vst.add.f32.msk $0xffff, v15  }
.Ltmp11:
0x255: {  	[tilespmem:s28+$0x3560] =	vst.add.f32.msk $0xffff, v17;
	s28 =	sor.u32 s31, s30;
	(pc) =	sbr.rel @p0 .LBB2_25-.Ltmp11, $4  }
0x256: {  	[tilespmem:s28+$0x3570] =	vst.add.f32.msk $0xffff, v18  }
0x257: {  	[tilespmem:s28+$0x3500] =	vst.add.f32.msk $0xffff, v16  }
0x258: {  	[tilespmem:s28+$0x3510] =	vst.add.f32.msk $0xffff, v11  }
0x259: {  	s30 =	sshrl.u32 s29, $0x3;
	s29 =	sadd.s32 $0x1, s29;
	[tilespmem:s28+$0x3520] =	vst.add.f32.msk $0xffff, v12  }
0x25a: {  	s29 =	smul.u32 $0x6000, s30;
	[tilespmem:s28+$0x3530] =	vst.add.f32.msk $0xffff, v13  }
0x25b: {  	[tilespmem:s28+$0x3540] =	vst.add.f32.msk $0xffff, v14;
	s26 =	sadd.s32 $0x80, s26  }
0x25c: {  	[tilespmem:s28+$0x3550] =	vst.add.f32.msk $0xffff, v15;
	s26 =	sand.u32 $0x380, s26;
	s29 =	sshra.s32 s29, $0x2  }
0x25d: {  	[tilespmem:s28+$0x3560] =	vst.add.f32.msk $0xffff, v17;
	s31 =	sadd.s32 s8, s25;
	s26 =	sor.u32 s26, s29  }
0x25e: {  	s30 =	smul.u32 $0xC0000, s31;
	[tilespmem:s26+$0x3570] =	vst.add.f32.msk $0xffff, v18  }
0x25f: {  	[tilespmem:s26+$0x3500] =	vst.add.f32.msk $0xffff, v16  }
0x260: {  	p0 =	seq.s32 s31, $0x0;
	s28 =	sadd.s32 $0x600000, s30;
	[tilespmem:s26+$0x3510] =	vst.add.f32.msk $0xffff, v11  }
0x261: {  	[tilespmem:s26+$0x3520] =	vst.add.f32.msk $0xffff, v12;
	s28 =	simm.s32 @p0 $0x0;
	p0 =	seq.s32 s21, $0x10  }
.Ltmp12:
0x262: {  	[tilespmem:s26+$0x3530] =	vst.add.f32.msk $0xffff, v13;
	(pc) =	sbr.rel @p0 .LBB2_28-.Ltmp12, $4  }
0x263: {  	[tilespmem:s26+$0x3540] =	vst.add.f32.msk $0xffff, v14;
	s28 =	sadd.s32 s19, s28  }
0x264: {  	[tilespmem:s26+$0x3550] =	vst.add.f32.msk $0xffff, v15;
	s28 =	sshrl.u32 s28, $0x3  }
0x265: {  	[tilespmem:s26+$0x3560] =	vst.add.f32.msk $0xffff, v17;
	s31 =	sadd.s32 s4, s28  }
0x266: {  	[hbm4b:s31+s5] =	stream.linear.scatter [tilespmem:s24], [sflag:$0x3], $0xC000, $0x38;
	[tilespmem:$0x1BF00] =	vst v63  }
0x267: {  	s26 =	rddreg [dreg:$0xb]  }
0x268: {  	s25 =	sadd.s32 s25, s26  }
0x269: {  	v11 =	vmov s25  }
0x26a: {  	v11 =	vand.u32 $0x7FFFFFFE, v11  }
0x26b: {  	v12 =	vadd.s32 v0, v11;
	_ =	sdelay $0x1  }
0x26c: {  	_ =	swait.ge [sflag:s16], $0xC000  }
0x26d: {  	[sflag:s16] =	ssyncset.done $0x0  }
0x26e: {  	[sflag:s16] =	ssyncadd.s32 $0xFFFF4000  }
0x26f: {  	v12 =	vld.idx.msk [tilespmem:v12+s5+$0x0], $0xffff  }
0x270: {  	v13 =	vadd.s32 v2, v11;
	_ =	sdelay $0x3  }
0x271: {  	[tilespmem:$0x2000] =	vst v12  }
0x272: {  	v13 =	vld.idx.msk [tilespmem:v13+s5+$0x0], $0xffff  }
0x273: {  	v14 =	vadd.s32 v3, v11;
	_ =	sdelay $0x3  }
0x274: {  	[tilespmem:$0x2010] =	vst v13  }
0x275: {  	v13 =	vld.idx.msk [tilespmem:v14+s5+$0x0], $0xffff  }
0x276: {  	v11 =	vadd.s32 v6, v11;
	v59 =	vshrl.u32 v12, $0x3  }
0x277: {  	v14 =	vmul.u32 $0x30, v59  }
0x278: {  	v12 =	vand.u32 $0x7, v12  }
0x279: {  	v12 =	vor.u32 v12, v14  }
0x27a: {  	v60 =	vperm.xlane v12, v8;
	[tilespmem:$0x2020] =	vst v13  }
0x27b: {  	v11 =	vld.idx.msk [tilespmem:v11+s5+$0x0], $0xffff  }
0x27c: {  	v13 =	vadd.s32 v9, v60;
	_ =	sdelay $0x3  }
0x27d: {  	[tilespmem:$0x2030] =	vst v11;
	v11 =	vperm.xlane v12, v10  }
0x27e: {  	[tilespmem:s24], [sflag:$0x1] =	stream.indirect_vreg.gather [hbm4b:s1+s5], $0x80, v13, vm0, $0xb8;
	[tilespmem:$0x1BF00] =	vst v63  }
0x27f: {  	s28 =	simm.s32 $0x2900;
	v11 =	vadd.s32 v9, v11  }
0x280: {  	[tilespmem:s28], [sflag:$0x1] =	stream.indirect_vreg.gather [hbm4b:s10+s5], $0x80, v13, vm0, $0xb8;
	[tilespmem:$0x1BF00] =	vst v63  }
0x281: {  	s29 =	simm.s32 $0x3100  }
0x282: {  	[tilespmem:s29], [sflag:$0x1] =	stream.indirect_vreg.gather [hbm4b:s11+s5], $0x80, v13, vm0, $0xb8;
	[tilespmem:$0x1BF00] =	vst v63  }
0x283: {  	s30 =	simm.s32 $0x3900  }
0x284: {  	[tilespmem:s30], [sflag:$0x1] =	stream.indirect_vreg.gather [hbm4b:s1+s5], $0x80, v11, vm0, $0xb8;
	[tilespmem:$0x1BF00] =	vst v63  }
0x285: {  	s31 =	simm.s32 $0x4100  }
0x286: {  	[tilespmem:s31], [sflag:$0x1] =	stream.indirect_vreg.gather [hbm4b:s10+s5], $0x80, v11, vm0, $0xb8;
	[tilespmem:$0x1BF00] =	vst v63  }
0x287: {  	s28 =	simm.s32 $0x4900  }
0x288: {  	[tilespmem:s28], [sflag:$0x1] =	stream.indirect_vreg.gather [hbm4b:s11+s5], $0x80, v11, vm0, $0xb8;
	[tilespmem:$0x1BF00] =	vst v63  }
0x289: {  	v11 =	vld [tilespmem:$0x2010];
	_ =	sdelay $0x4  }
0x28a: {  	v61 =	vshrl.u32 v11, $0x3  }
0x28b: {  	v12 =	vmul.u32 $0x30, v61  }
0x28c: {  	v11 =	vand.u32 $0x7, v11  }
0x28d: {  	v11 =	vor.u32 v11, v12  }
0x28e: {  	v12 =	vperm.xlane v11, v8;
	_ =	sdelay $0x1  }
0x28f: {  	v12 =	vadd.s32 v9, v12;
	_ =	sdelay $0x3  }
0x290: {  	s29 =	simm.s32 $0x5100;
	v11 =	vperm.xlane v11, v10  }
0x291: {  	[tilespmem:s29], [sflag:$0x1] =	stream.indirect_vreg.gather [hbm4b:s1+s5], $0x80, v12, vm0, $0xb8;
	[tilespmem:$0x1BF00] =	vst v63  }
0x292: {  	s30 =	simm.s32 $0x5900;
	v11 =	vadd.s32 v9, v11  }
0x293: {  	[tilespmem:s30], [sflag:$0x1] =	stream.indirect_vreg.gather [hbm4b:s10+s5], $0x80, v12, vm0, $0xb8;
	[tilespmem:$0x1BF00] =	vst v63  }
0x294: {  	s31 =	simm.s32 $0x6100  }
0x295: {  	[tilespmem:s31], [sflag:$0x1] =	stream.indirect_vreg.gather [hbm4b:s11+s5], $0x80, v12, vm0, $0xb8;
	[tilespmem:$0x1BF00] =	vst v63  }
0x296: {  	s28 =	simm.s32 $0x6900  }
0x297: {  	[tilespmem:s28], [sflag:$0x1] =	stream.indirect_vreg.gather [hbm4b:s1+s5], $0x80, v11, vm0, $0xb8;
	[tilespmem:$0x1BF00] =	vst v63  }
0x298: {  	s29 =	simm.s32 $0x7100  }
0x299: {  	[tilespmem:s29], [sflag:$0x1] =	stream.indirect_vreg.gather [hbm4b:s10+s5], $0x80, v11, vm0, $0xb8;
	[tilespmem:$0x1BF00] =	vst v63  }
0x29a: {  	s30 =	simm.s32 $0x7900  }
0x29b: {  	[tilespmem:s30], [sflag:$0x1] =	stream.indirect_vreg.gather [hbm4b:s11+s5], $0x80, v11, vm0, $0xb8;
	[tilespmem:$0x1BF00] =	vst v63  }
0x29c: {  	v11 =	vld [tilespmem:$0x2020];
	_ =	sdelay $0x4  }
0x29d: {  	v62 =	vshrl.u32 v11, $0x3  }
0x29e: {  	v12 =	vmul.u32 $0x30, v62  }
0x29f: {  	v11 =	vand.u32 $0x7, v11  }
0x2a0: {  	v11 =	vor.u32 v11, v12  }
0x2a1: {  	v12 =	vperm.xlane v11, v8;
	_ =	sdelay $0x1  }
0x2a2: {  	v12 =	vadd.s32 v9, v12;
	_ =	sdelay $0x3  }
0x2a3: {  	s31 =	simm.s32 $0x8100;
	v11 =	vperm.xlane v11, v10  }
0x2a4: {  	[tilespmem:s31], [sflag:$0x1] =	stream.indirect_vreg.gather [hbm4b:s1+s5], $0x80, v12, vm0, $0xb8;
	[tilespmem:$0x1BF00] =	vst v63  }
0x2a5: {  	s28 =	simm.s32 $0x8900;
	v11 =	vadd.s32 v9, v11  }
0x2a6: {  	[tilespmem:s28], [sflag:$0x1] =	stream.indirect_vreg.gather [hbm4b:s10+s5], $0x80, v12, vm0, $0xb8;
	[tilespmem:$0x1BF00] =	vst v63  }
0x2a7: {  	s29 =	simm.s32 $0x9100  }
0x2a8: {  	[tilespmem:s29], [sflag:$0x1] =	stream.indirect_vreg.gather [hbm4b:s11+s5], $0x80, v12, vm0, $0xb8;
	[tilespmem:$0x1BF00] =	vst v63  }
0x2a9: {  	s30 =	simm.s32 $0x9900  }
0x2aa: {  	[tilespmem:s30], [sflag:$0x1] =	stream.indirect_vreg.gather [hbm4b:s1+s5], $0x80, v11, vm0, $0xb8;
	[tilespmem:$0x1BF00] =	vst v63  }
0x2ab: {  	s31 =	simm.s32 $0xA100  }
0x2ac: {  	[tilespmem:s31], [sflag:$0x1] =	stream.indirect_vreg.gather [hbm4b:s10+s5], $0x80, v11, vm0, $0xb8;
	[tilespmem:$0x1BF00] =	vst v63  }
0x2ad: {  	s28 =	simm.s32 $0xA900  }
0x2ae: {  	[tilespmem:s28], [sflag:$0x1] =	stream.indirect_vreg.gather [hbm4b:s11+s5], $0x80, v11, vm0, $0xb8;
	[tilespmem:$0x1BF00] =	vst v63  }
0x2af: {  	v11 =	vld [tilespmem:$0x2030];
	_ =	sdelay $0x4  }
0x2b0: {  	v63 =	vshrl.u32 v11, $0x3  }
0x2b1: {  	v12 =	vmul.u32 $0x30, v63  }
0x2b2: {  	v11 =	vand.u32 $0x7, v11  }
0x2b3: {  	v11 =	vor.u32 v11, v12  }
0x2b4: {  	v12 =	vperm.xlane v11, v8;
	_ =	sdelay $0x1  }
0x2b5: {  	v12 =	vadd.s32 v9, v12;
	_ =	sdelay $0x3  }
0x2b6: {  	s29 =	simm.s32 $0xB100;
	v11 =	vperm.xlane v11, v10  }
0x2b7: {  	[tilespmem:s29], [sflag:$0x1] =	stream.indirect_vreg.gather [hbm4b:s1+s5], $0x80, v12, vm0, $0xb8;
	[tilespmem:$0x1BF00] =	vst v63  }
0x2b8: {  	s30 =	simm.s32 $0xB900;
	v11 =	vadd.s32 v9, v11  }
0x2b9: {  	[tilespmem:s30], [sflag:$0x1] =	stream.indirect_vreg.gather [hbm4b:s10+s5], $0x80, v12, vm0, $0xb8;
	[tilespmem:$0x1BF00] =	vst v63  }
0x2ba: {  	s31 =	simm.s32 $0xC100  }
0x2bb: {  	[tilespmem:s31], [sflag:$0x1] =	stream.indirect_vreg.gather [hbm4b:s11+s5], $0x80, v12, vm0, $0xb8;
	[tilespmem:$0x1BF00] =	vst v63  }
0x2bc: {  	s28 =	simm.s32 $0xC900  }
0x2bd: {  	[tilespmem:s28], [sflag:$0x1] =	stream.indirect_vreg.gather [hbm4b:s1+s5], $0x80, v11, vm0, $0xb8;
	[tilespmem:$0x1BF00] =	vst v63  }
0x2be: {  	s29 =	simm.s32 $0xD100  }
0x2bf: {  	[tilespmem:s29], [sflag:$0x1] =	stream.indirect_vreg.gather [hbm4b:s10+s5], $0x80, v11, vm0, $0xb8;
	[tilespmem:$0x1BF00] =	vst v63  }
0x2c0: {  	s25 =	smul.u32 $0x60, s25;
	s30 =	simm.s32 $0xD900  }
0x2c1: {  	[tilespmem:s30], [sflag:$0x1] =	stream.indirect_vreg.gather [hbm4b:s11+s5], $0x80, v11, vm0, $0xb8;
	[tilespmem:$0x1BF00] =	vst v63  }
0x2c2: {  	s25 =	sadd.s32 s7, s25;
	s31 =	simm.s32 $0x1A100  }
0x2c3: {  	[tilespmem:s31], [sflag:$0x1] =	stream.linear.gather [hbm4b:s25+s5], $0x300, $0x38;
	[tilespmem:$0x1BF00] =	vst v63  }
.LBB2_28:
0x2c4: {  	_ =	swait.ge [sflag:s15], $0xC000  }
0x2c5: {  	[sflag:s15] =	ssyncset.done $0x0  }
0x2c6: {  	[sflag:s15] =	ssyncadd.s32 $0xFFFF4000  }
0x2c7: {  	_ =	swait.ge [sflag:s15], $0x300  }
0x2c8: {  	[sflag:s15] =	ssyncset.done $0x0  }
0x2c9: {  	[sflag:s15] =	ssyncadd.s32 $0xFFFFFD00  }
0x2ca: {  	v11 =	vld [tilespmem:$0x1A400]  }
0x2cb: {  	v12 =	vld [tilespmem:$0x1A410]  }
0x2cc: {  	v13 =	vld [tilespmem:$0x1A420]  }
0x2cd: {  	s25 =	simm.s32 $0x0;
	v17 =	vld [tilespmem:$0x1A470]  }
0x2ce: {  	s26 =	smul.u32 $0x6000, s25;
	v14 =	vld [tilespmem:$0x1A430]  }
0x2cf: {  	s25 =	simm.s32 $0x0;
	v15 =	vld [tilespmem:$0x1A440]  }
0x2d0: {  	s28 =	sand.u32 $0x380, s25;
	s26 =	sshra.s32 s26, $0x2;
	v16 =	vld [tilespmem:$0x1A450]  }
0x2d1: {  	s26 =	sor.u32 s28, s26;
	v18 =	vld [tilespmem:$0x1A460]  }
0x2d2: {  	[tilespmem:s26+$0xE170] =	vst.add.f32.msk $0xffff, v17  }
0x2d3: {  	[tilespmem:s26+$0xE100] =	vst.add.f32.msk $0xffff, v11  }
0x2d4: {  	[tilespmem:s26+$0xE110] =	vst.add.f32.msk $0xffff, v12  }
0x2d5: {  	s29 =	simm.s32 $0x0;
	s28 =	simm.s32 $0x2;
	[tilespmem:s26+$0xE120] =	vst.add.f32.msk $0xffff, v13  }
.LBB2_29:
0x2d6: {  	p0 =	sne.s32 s28, $0x3F;
	s29 =	smul.u32 $0x6000, s29;
	[tilespmem:s26+$0xE130] =	vst.add.f32.msk $0xffff, v14  }
0x2d7: {  	s25 =	sadd.s32 $0x80, s25;
	[tilespmem:s26+$0xE140] =	vst.add.f32.msk $0xffff, v15  }
0x2d8: {  	s30 =	sand.u32 $0x380, s25;
	s29 =	sshra.s32 s29, $0x2;
	[tilespmem:s26+$0xE150] =	vst.add.f32.msk $0xffff, v16  }
.Ltmp13:
0x2d9: {  	[tilespmem:s26+$0xE160] =	vst.add.f32.msk $0xffff, v18;
	s26 =	sor.u32 s30, s29;
	(pc) =	sbr.rel @p0 .LBB2_29-.Ltmp13, $4  }
0x2da: {  	[tilespmem:s26+$0xE170] =	vst.add.f32.msk $0xffff, v17  }
0x2db: {  	[tilespmem:s26+$0xE100] =	vst.add.f32.msk $0xffff, v11  }
0x2dc: {  	[tilespmem:s26+$0xE110] =	vst.add.f32.msk $0xffff, v12  }
0x2dd: {  	s29 =	sshrl.u32 s28, $0x3;
	s28 =	sadd.s32 $0x1, s28;
	[tilespmem:s26+$0xE120] =	vst.add.f32.msk $0xffff, v13  }
0x2de: {  	s28 =	smul.u32 $0x6000, s29;
	[tilespmem:s26+$0xE130] =	vst.add.f32.msk $0xffff, v14  }
0x2df: {  	[tilespmem:s26+$0xE140] =	vst.add.f32.msk $0xffff, v15;
	s25 =	sadd.s32 $0x80, s25  }
0x2e0: {  	[tilespmem:s26+$0xE150] =	vst.add.f32.msk $0xffff, v16;
	s25 =	sand.u32 $0x380, s25;
	s28 =	sshra.s32 s28, $0x2  }
0x2e1: {  	[tilespmem:s26+$0xE160] =	vst.add.f32.msk $0xffff, v18;
	s25 =	sor.u32 s25, s28  }
0x2e2: {  	[tilespmem:s25+$0xE170] =	vst.add.f32.msk $0xffff, v17  }
0x2e3: {  	[tilespmem:s25+$0xE100] =	vst.add.f32.msk $0xffff, v11  }
0x2e4: {  	[tilespmem:s25+$0xE110] =	vst.add.f32.msk $0xffff, v12  }
0x2e5: {  	[tilespmem:s25+$0xE120] =	vst.add.f32.msk $0xffff, v13  }
0x2e6: {  	[tilespmem:s25+$0xE130] =	vst.add.f32.msk $0xffff, v14  }
0x2e7: {  	[tilespmem:s25+$0xE140] =	vst.add.f32.msk $0xffff, v15  }
0x2e8: {  	[tilespmem:s25+$0xE150] =	vst.add.f32.msk $0xffff, v16  }
0x2e9: {  	[tilespmem:s25+$0xE160] =	vst.add.f32.msk $0xffff, v18  }
0x2ea: {  	v11 =	vld [tilespmem:$0x1A480]  }
0x2eb: {  	v12 =	vld [tilespmem:$0x1A490]  }
0x2ec: {  	v13 =	vld [tilespmem:$0x1A4A0]  }
0x2ed: {  	s30 =	simm.s32 $0x0;
	v17 =	vld [tilespmem:$0x1A4F0]  }
0x2ee: {  	s31 =	smul.u32 $0x6000, s30;
	v14 =	vld [tilespmem:$0x1A4B0]  }
0x2ef: {  	s25 =	simm.s32 $0x0;
	v15 =	vld [tilespmem:$0x1A4C0]  }
0x2f0: {  	s26 =	sshra.s32 s31, $0x2;
	v16 =	vld [tilespmem:$0x1A4D0];
	s28 =	sand.u32 $0x380, s25  }
0x2f1: {  	v18 =	vld [tilespmem:$0x1A4E0];
	s26 =	sor.u32 s28, s26  }
0x2f2: {  	[tilespmem:s26+$0xE570] =	vst.add.f32.msk $0xffff, v17  }
0x2f3: {  	[tilespmem:s26+$0xE500] =	vst.add.f32.msk $0xffff, v11  }
0x2f4: {  	[tilespmem:s26+$0xE510] =	vst.add.f32.msk $0xffff, v12  }
0x2f5: {  	s29 =	simm.s32 $0x0;
	s28 =	simm.s32 $0x2;
	[tilespmem:s26+$0xE520] =	vst.add.f32.msk $0xffff, v13  }
.LBB2_31:
0x2f6: {  	p0 =	sne.s32 s28, $0x3F;
	s29 =	smul.u32 $0x6000, s29;
	[tilespmem:s26+$0xE530] =	vst.add.f32.msk $0xffff, v14  }
0x2f7: {  	s25 =	sadd.s32 $0x80, s25;
	[tilespmem:s26+$0xE540] =	vst.add.f32.msk $0xffff, v15  }
0x2f8: {  	s30 =	sand.u32 $0x380, s25;
	s29 =	sshra.s32 s29, $0x2;
	[tilespmem:s26+$0xE550] =	vst.add.f32.msk $0xffff, v16  }
.Ltmp14:
0x2f9: {  	[tilespmem:s26+$0xE560] =	vst.add.f32.msk $0xffff, v18;
	s26 =	sor.u32 s30, s29;
	(pc) =	sbr.rel @p0 .LBB2_31-.Ltmp14, $4  }
0x2fa: {  	[tilespmem:s26+$0xE570] =	vst.add.f32.msk $0xffff, v17  }
0x2fb: {  	[tilespmem:s26+$0xE500] =	vst.add.f32.msk $0xffff, v11  }
0x2fc: {  	[tilespmem:s26+$0xE510] =	vst.add.f32.msk $0xffff, v12  }
0x2fd: {  	s29 =	sshrl.u32 s28, $0x3;
	s28 =	sadd.s32 $0x1, s28;
	[tilespmem:s26+$0xE520] =	vst.add.f32.msk $0xffff, v13  }
0x2fe: {  	s28 =	smul.u32 $0x6000, s29;
	[tilespmem:s26+$0xE530] =	vst.add.f32.msk $0xffff, v14  }
0x2ff: {  	[tilespmem:s26+$0xE540] =	vst.add.f32.msk $0xffff, v15;
	s25 =	sadd.s32 $0x80, s25  }
0x300: {  	[tilespmem:s26+$0xE550] =	vst.add.f32.msk $0xffff, v16;
	s25 =	sand.u32 $0x380, s25;
	s28 =	sshra.s32 s28, $0x2  }
0x301: {  	[tilespmem:s26+$0xE560] =	vst.add.f32.msk $0xffff, v18;
	s25 =	sor.u32 s25, s28  }
0x302: {  	[tilespmem:s25+$0xE570] =	vst.add.f32.msk $0xffff, v17  }
0x303: {  	[tilespmem:s25+$0xE500] =	vst.add.f32.msk $0xffff, v11  }
0x304: {  	[tilespmem:s25+$0xE510] =	vst.add.f32.msk $0xffff, v12  }
0x305: {  	[tilespmem:s25+$0xE520] =	vst.add.f32.msk $0xffff, v13  }
0x306: {  	[tilespmem:s25+$0xE530] =	vst.add.f32.msk $0xffff, v14  }
0x307: {  	[tilespmem:s25+$0xE540] =	vst.add.f32.msk $0xffff, v15  }
0x308: {  	[tilespmem:s25+$0xE550] =	vst.add.f32.msk $0xffff, v16  }
0x309: {  	[tilespmem:s25+$0xE560] =	vst.add.f32.msk $0xffff, v18  }
0x30a: {  	v11 =	vld [tilespmem:$0x1A500]  }
0x30b: {  	v12 =	vld [tilespmem:$0x1A510]  }
0x30c: {  	v13 =	vld [tilespmem:$0x1A520]  }
0x30d: {  	s30 =	simm.s32 $0x0;
	v17 =	vld [tilespmem:$0x1A570]  }
0x30e: {  	s31 =	smul.u32 $0x6000, s30;
	v14 =	vld [tilespmem:$0x1A530]  }
0x30f: {  	s25 =	simm.s32 $0x0;
	v15 =	vld [tilespmem:$0x1A540]  }
0x310: {  	s26 =	sshra.s32 s31, $0x2;
	v16 =	vld [tilespmem:$0x1A550];
	s28 =	sand.u32 $0x380, s25  }
0x311: {  	v18 =	vld [tilespmem:$0x1A560];
	s26 =	sor.u32 s28, s26  }
0x312: {  	[tilespmem:s26+$0xE970] =	vst.add.f32.msk $0xffff, v17  }
0x313: {  	[tilespmem:s26+$0xE900] =	vst.add.f32.msk $0xffff, v11  }
0x314: {  	[tilespmem:s26+$0xE910] =	vst.add.f32.msk $0xffff, v12  }
0x315: {  	s29 =	simm.s32 $0x0;
	s28 =	simm.s32 $0x2;
	[tilespmem:s26+$0xE920] =	vst.add.f32.msk $0xffff, v13  }
.LBB2_33:
0x316: {  	p0 =	sne.s32 s28, $0x3F;
	s29 =	smul.u32 $0x6000, s29;
	[tilespmem:s26+$0xE930] =	vst.add.f32.msk $0xffff, v14  }
0x317: {  	s25 =	sadd.s32 $0x80, s25;
	[tilespmem:s26+$0xE940] =	vst.add.f32.msk $0xffff, v15  }
0x318: {  	s30 =	sand.u32 $0x380, s25;
	s29 =	sshra.s32 s29, $0x2;
	[tilespmem:s26+$0xE950] =	vst.add.f32.msk $0xffff, v16  }
.Ltmp15:
0x319: {  	[tilespmem:s26+$0xE960] =	vst.add.f32.msk $0xffff, v18;
	s26 =	sor.u32 s30, s29;
	(pc) =	sbr.rel @p0 .LBB2_33-.Ltmp15, $4  }
0x31a: {  	[tilespmem:s26+$0xE970] =	vst.add.f32.msk $0xffff, v17  }
0x31b: {  	[tilespmem:s26+$0xE900] =	vst.add.f32.msk $0xffff, v11  }
0x31c: {  	[tilespmem:s26+$0xE910] =	vst.add.f32.msk $0xffff, v12  }
0x31d: {  	s29 =	sshrl.u32 s28, $0x3;
	s28 =	sadd.s32 $0x1, s28;
	[tilespmem:s26+$0xE920] =	vst.add.f32.msk $0xffff, v13  }
0x31e: {  	s28 =	smul.u32 $0x6000, s29;
	[tilespmem:s26+$0xE930] =	vst.add.f32.msk $0xffff, v14  }
0x31f: {  	[tilespmem:s26+$0xE940] =	vst.add.f32.msk $0xffff, v15;
	s25 =	sadd.s32 $0x80, s25  }
0x320: {  	[tilespmem:s26+$0xE950] =	vst.add.f32.msk $0xffff, v16;
	s25 =	sand.u32 $0x380, s25;
	s28 =	sshra.s32 s28, $0x2  }
0x321: {  	[tilespmem:s26+$0xE960] =	vst.add.f32.msk $0xffff, v18;
	s25 =	sor.u32 s25, s28  }
0x322: {  	[tilespmem:s25+$0xE970] =	vst.add.f32.msk $0xffff, v17  }
0x323: {  	[tilespmem:s25+$0xE900] =	vst.add.f32.msk $0xffff, v11  }
0x324: {  	[tilespmem:s25+$0xE910] =	vst.add.f32.msk $0xffff, v12  }
0x325: {  	[tilespmem:s25+$0xE920] =	vst.add.f32.msk $0xffff, v13  }
0x326: {  	[tilespmem:s25+$0xE930] =	vst.add.f32.msk $0xffff, v14  }
0x327: {  	[tilespmem:s25+$0xE940] =	vst.add.f32.msk $0xffff, v15  }
0x328: {  	[tilespmem:s25+$0xE950] =	vst.add.f32.msk $0xffff, v16  }
0x329: {  	[tilespmem:s25+$0xE960] =	vst.add.f32.msk $0xffff, v18  }
0x32a: {  	v11 =	vld [tilespmem:$0x1A580]  }
0x32b: {  	v12 =	vld [tilespmem:$0x1A590]  }
0x32c: {  	v13 =	vld [tilespmem:$0x1A5A0]  }
0x32d: {  	s30 =	simm.s32 $0x0;
	v17 =	vld [tilespmem:$0x1A5F0]  }
0x32e: {  	s31 =	smul.u32 $0x6000, s30;
	v14 =	vld [tilespmem:$0x1A5B0]  }
0x32f: {  	s25 =	simm.s32 $0x0;
	v15 =	vld [tilespmem:$0x1A5C0]  }
0x330: {  	s26 =	sshra.s32 s31, $0x2;
	v16 =	vld [tilespmem:$0x1A5D0];
	s28 =	sand.u32 $0x380, s25  }
0x331: {  	v18 =	vld [tilespmem:$0x1A5E0];
	s26 =	sor.u32 s28, s26  }
0x332: {  	[tilespmem:s26+$0xED70] =	vst.add.f32.msk $0xffff, v17  }
0x333: {  	[tilespmem:s26+$0xED00] =	vst.add.f32.msk $0xffff, v11  }
0x334: {  	[tilespmem:s26+$0xED10] =	vst.add.f32.msk $0xffff, v12  }
0x335: {  	s29 =	simm.s32 $0x0;
	s28 =	simm.s32 $0x2;
	[tilespmem:s26+$0xED20] =	vst.add.f32.msk $0xffff, v13  }
.LBB2_35:
0x336: {  	p0 =	sne.s32 s28, $0x3F;
	s29 =	smul.u32 $0x6000, s29;
	[tilespmem:s26+$0xED30] =	vst.add.f32.msk $0xffff, v14  }
0x337: {  	s25 =	sadd.s32 $0x80, s25;
	[tilespmem:s26+$0xED40] =	vst.add.f32.msk $0xffff, v15  }
0x338: {  	s30 =	sand.u32 $0x380, s25;
	s29 =	sshra.s32 s29, $0x2;
	[tilespmem:s26+$0xED50] =	vst.add.f32.msk $0xffff, v16  }
.Ltmp16:
0x339: {  	[tilespmem:s26+$0xED60] =	vst.add.f32.msk $0xffff, v18;
	s26 =	sor.u32 s30, s29;
	(pc) =	sbr.rel @p0 .LBB2_35-.Ltmp16, $4  }
0x33a: {  	[tilespmem:s26+$0xED70] =	vst.add.f32.msk $0xffff, v17  }
0x33b: {  	[tilespmem:s26+$0xED00] =	vst.add.f32.msk $0xffff, v11  }
0x33c: {  	[tilespmem:s26+$0xED10] =	vst.add.f32.msk $0xffff, v12  }
0x33d: {  	s29 =	sshrl.u32 s28, $0x3;
	s28 =	sadd.s32 $0x1, s28;
	[tilespmem:s26+$0xED20] =	vst.add.f32.msk $0xffff, v13  }
0x33e: {  	s28 =	smul.u32 $0x6000, s29;
	[tilespmem:s26+$0xED30] =	vst.add.f32.msk $0xffff, v14  }
0x33f: {  	[tilespmem:s26+$0xED40] =	vst.add.f32.msk $0xffff, v15;
	s25 =	sadd.s32 $0x80, s25  }
0x340: {  	[tilespmem:s26+$0xED50] =	vst.add.f32.msk $0xffff, v16;
	s25 =	sand.u32 $0x380, s25;
	s28 =	sshra.s32 s28, $0x2  }
0x341: {  	[tilespmem:s26+$0xED60] =	vst.add.f32.msk $0xffff, v18;
	s25 =	sor.u32 s25, s28  }
0x342: {  	[tilespmem:s25+$0xED70] =	vst.add.f32.msk $0xffff, v17  }
0x343: {  	[tilespmem:s25+$0xED00] =	vst.add.f32.msk $0xffff, v11  }
0x344: {  	[tilespmem:s25+$0xED10] =	vst.add.f32.msk $0xffff, v12  }
0x345: {  	[tilespmem:s25+$0xED20] =	vst.add.f32.msk $0xffff, v13  }
0x346: {  	[tilespmem:s25+$0xED30] =	vst.add.f32.msk $0xffff, v14  }
0x347: {  	[tilespmem:s25+$0xED40] =	vst.add.f32.msk $0xffff, v15  }
0x348: {  	[tilespmem:s25+$0xED50] =	vst.add.f32.msk $0xffff, v16  }
0x349: {  	[tilespmem:s25+$0xED60] =	vst.add.f32.msk $0xffff, v18  }
0x34a: {  	v11 =	vld [tilespmem:$0x1A600]  }
0x34b: {  	v12 =	vld [tilespmem:$0x1A610]  }
0x34c: {  	v13 =	vld [tilespmem:$0x1A620]  }
0x34d: {  	s30 =	simm.s32 $0x0;
	v17 =	vld [tilespmem:$0x1A670]  }
0x34e: {  	s31 =	smul.u32 $0x6000, s30;
	v14 =	vld [tilespmem:$0x1A630]  }
0x34f: {  	s25 =	simm.s32 $0x0;
	v15 =	vld [tilespmem:$0x1A640]  }
0x350: {  	s26 =	sshra.s32 s31, $0x2;
	v16 =	vld [tilespmem:$0x1A650];
	s28 =	sand.u32 $0x380, s25  }
0x351: {  	v18 =	vld [tilespmem:$0x1A660];
	s26 =	sor.u32 s28, s26  }
0x352: {  	[tilespmem:s26+$0xF170] =	vst.add.f32.msk $0xffff, v17  }
0x353: {  	[tilespmem:s26+$0xF100] =	vst.add.f32.msk $0xffff, v11  }
0x354: {  	[tilespmem:s26+$0xF110] =	vst.add.f32.msk $0xffff, v12  }
0x355: {  	s29 =	simm.s32 $0x0;
	s28 =	simm.s32 $0x2;
	[tilespmem:s26+$0xF120] =	vst.add.f32.msk $0xffff, v13  }
.LBB2_37:
0x356: {  	p0 =	sne.s32 s28, $0x3F;
	s29 =	smul.u32 $0x6000, s29;
	[tilespmem:s26+$0xF130] =	vst.add.f32.msk $0xffff, v14  }
0x357: {  	s25 =	sadd.s32 $0x80, s25;
	[tilespmem:s26+$0xF140] =	vst.add.f32.msk $0xffff, v15  }
0x358: {  	s30 =	sand.u32 $0x380, s25;
	s29 =	sshra.s32 s29, $0x2;
	[tilespmem:s26+$0xF150] =	vst.add.f32.msk $0xffff, v16  }
.Ltmp17:
0x359: {  	[tilespmem:s26+$0xF160] =	vst.add.f32.msk $0xffff, v18;
	s26 =	sor.u32 s30, s29;
	(pc) =	sbr.rel @p0 .LBB2_37-.Ltmp17, $4  }
0x35a: {  	[tilespmem:s26+$0xF170] =	vst.add.f32.msk $0xffff, v17  }
0x35b: {  	[tilespmem:s26+$0xF100] =	vst.add.f32.msk $0xffff, v11  }
0x35c: {  	[tilespmem:s26+$0xF110] =	vst.add.f32.msk $0xffff, v12  }
0x35d: {  	s29 =	sshrl.u32 s28, $0x3;
	s28 =	sadd.s32 $0x1, s28;
	[tilespmem:s26+$0xF120] =	vst.add.f32.msk $0xffff, v13  }
0x35e: {  	s28 =	smul.u32 $0x6000, s29;
	[tilespmem:s26+$0xF130] =	vst.add.f32.msk $0xffff, v14  }
0x35f: {  	[tilespmem:s26+$0xF140] =	vst.add.f32.msk $0xffff, v15;
	s25 =	sadd.s32 $0x80, s25  }
0x360: {  	[tilespmem:s26+$0xF150] =	vst.add.f32.msk $0xffff, v16;
	s25 =	sand.u32 $0x380, s25;
	s28 =	sshra.s32 s28, $0x2  }
0x361: {  	[tilespmem:s26+$0xF160] =	vst.add.f32.msk $0xffff, v18;
	s25 =	sor.u32 s25, s28  }
0x362: {  	[tilespmem:s25+$0xF170] =	vst.add.f32.msk $0xffff, v17  }
0x363: {  	[tilespmem:s25+$0xF100] =	vst.add.f32.msk $0xffff, v11  }
0x364: {  	[tilespmem:s25+$0xF110] =	vst.add.f32.msk $0xffff, v12  }
0x365: {  	[tilespmem:s25+$0xF120] =	vst.add.f32.msk $0xffff, v13  }
0x366: {  	[tilespmem:s25+$0xF130] =	vst.add.f32.msk $0xffff, v14  }
0x367: {  	[tilespmem:s25+$0xF140] =	vst.add.f32.msk $0xffff, v15  }
0x368: {  	[tilespmem:s25+$0xF150] =	vst.add.f32.msk $0xffff, v16  }
0x369: {  	[tilespmem:s25+$0xF160] =	vst.add.f32.msk $0xffff, v18  }
0x36a: {  	v11 =	vld [tilespmem:$0x1A680]  }
0x36b: {  	v12 =	vld [tilespmem:$0x1A690]  }
0x36c: {  	v13 =	vld [tilespmem:$0x1A6A0]  }
0x36d: {  	s30 =	simm.s32 $0x0;
	v18 =	vld [tilespmem:$0x1A6F0]  }
0x36e: {  	s31 =	smul.u32 $0x6000, s30;
	v14 =	vld [tilespmem:$0x1A6B0]  }
0x36f: {  	s25 =	simm.s32 $0x0;
	v15 =	vld [tilespmem:$0x1A6C0]  }
0x370: {  	s26 =	sshra.s32 s31, $0x2;
	v16 =	vld [tilespmem:$0x1A6D0];
	s28 =	sand.u32 $0x380, s25  }
0x371: {  	v17 =	vld [tilespmem:$0x1A6E0];
	s26 =	sor.u32 s28, s26  }
0x372: {  	[tilespmem:s26+$0xF570] =	vst.add.f32.msk $0xffff, v18  }
0x373: {  	[tilespmem:s26+$0xF500] =	vst.add.f32.msk $0xffff, v11  }
0x374: {  	[tilespmem:s26+$0xF510] =	vst.add.f32.msk $0xffff, v12  }
0x375: {  	s29 =	simm.s32 $0x0;
	s28 =	simm.s32 $0x2;
	[tilespmem:s26+$0xF520] =	vst.add.f32.msk $0xffff, v13  }
.LBB2_39:
0x376: {  	p0 =	sne.s32 s28, $0x3F;
	s29 =	smul.u32 $0x6000, s29;
	[tilespmem:s26+$0xF530] =	vst.add.f32.msk $0xffff, v14  }
0x377: {  	s25 =	sadd.s32 $0x80, s25;
	[tilespmem:s26+$0xF540] =	vst.add.f32.msk $0xffff, v15  }
0x378: {  	s30 =	sand.u32 $0x380, s25;
	s29 =	sshra.s32 s29, $0x2;
	[tilespmem:s26+$0xF550] =	vst.add.f32.msk $0xffff, v16  }
.Ltmp18:
0x379: {  	[tilespmem:s26+$0xF560] =	vst.add.f32.msk $0xffff, v17;
	s26 =	sor.u32 s30, s29;
	(pc) =	sbr.rel @p0 .LBB2_39-.Ltmp18, $4  }
0x37a: {  	[tilespmem:s26+$0xF570] =	vst.add.f32.msk $0xffff, v18  }
0x37b: {  	[tilespmem:s26+$0xF500] =	vst.add.f32.msk $0xffff, v11  }
0x37c: {  	[tilespmem:s26+$0xF510] =	vst.add.f32.msk $0xffff, v12  }
0x37d: {  	s29 =	sshrl.u32 s28, $0x3;
	s28 =	sadd.s32 $0x1, s28;
	[tilespmem:s26+$0xF520] =	vst.add.f32.msk $0xffff, v13  }
0x37e: {  	s28 =	smul.u32 $0x6000, s29;
	[tilespmem:s26+$0xF530] =	vst.add.f32.msk $0xffff, v14  }
0x37f: {  	[tilespmem:s26+$0xF540] =	vst.add.f32.msk $0xffff, v15;
	s25 =	sadd.s32 $0x80, s25  }
0x380: {  	[tilespmem:s26+$0xF550] =	vst.add.f32.msk $0xffff, v16;
	s25 =	sand.u32 $0x380, s25;
	s28 =	sshra.s32 s28, $0x2  }
0x381: {  	[tilespmem:s26+$0xF560] =	vst.add.f32.msk $0xffff, v17;
	s25 =	sor.u32 s25, s28  }
0x382: {  	[tilespmem:s25+$0xF570] =	vst.add.f32.msk $0xffff, v18  }
0x383: {  	[tilespmem:s25+$0xF500] =	vst.add.f32.msk $0xffff, v11  }
0x384: {  	s21 =	sadd.s32 $0x1, s21;
	[tilespmem:s25+$0xF510] =	vst.add.f32.msk $0xffff, v12  }
0x385: {  	s23 =	smul.u32 $0xC0000, s23;
	p0 =	sne.s32 s21, $0x11;
	[tilespmem:s25+$0xF520] =	vst.add.f32.msk $0xffff, v13  }
.Ltmp19:
0x386: {  	[tilespmem:s25+$0xF530] =	vst.add.f32.msk $0xffff, v14;
	(pc) =	sbr.rel @p0 .LBB2_14-.Ltmp19, $4  }
0x387: {  	s23 =	sadd.s32 s19, s23;
	[tilespmem:s25+$0xF540] =	vst.add.f32.msk $0xffff, v15  }
0x388: {  	s23 =	sshrl.u32 s23, $0x3;
	[tilespmem:s25+$0xF550] =	vst.add.f32.msk $0xffff, v16  }
0x389: {  	[tilespmem:s25+$0xF560] =	vst.add.f32.msk $0xffff, v17;
	s23 =	sadd.s32 s4, s23  }
0x38a: {  	[hbm4b:s23+s5] =	stream.linear.scatter [tilespmem:s2], [sflag:$0x4], $0xC000, $0x38;
	[tilespmem:$0x1BF00] =	vst v63  }
0x38b: {  	_ =	swait.ge [sflag:s16], $0xC000  }
0x38c: {  	[sflag:s16] =	ssyncset.done $0x0  }
0x38d: {  	s28 =	simm.s32 $0x4;
	[sflag:s16] =	ssyncadd.s32 $0xFFFF4000  }
0x38e: {  	_ =	swait.ge [sflag:s28], $0xC000  }
0x38f: {  	s21 =	rddreg [dreg:$0xd]  }
0x390: {  	s17 =	rddreg [dreg:$0xc];
	s21 =	sadd.s32 $0x1, s21  }
0x391: {  	p0 =	sne.s32 s21, s17  }
.Ltmp20:
0x392: {  	_ = 	snop;
	(pc) =	sbr.rel @p0 .LBB2_1-.Ltmp20, $3  }
0x393: {  	_ =	sdelay $0x1  }
0x394: {  	[sflag:s28] =	ssyncset.done $0x0  }
0x395: {  	[sflag:s28] =	ssyncadd.s32 $0xFFFF4000  }
0x396: {  	_ =	sfence.sel $0x180000  }
0x397: {  	[bflag:$0x0] =	sbarrier.arrive $0xFFFF  }
0x398: {  	_ =	strace $0x90000047  }
0x399: {  	s0 =	stileid.u32;
	[bflag:$0x2] =	sbarrier.arrive $0xFFFF  }
0x39a: {  	p0 =	sne.s32 s0, $0x0;
	s0 =	rddreg [dreg:$0x4]  }
0x39b: {  	s0 =	sadd.s32 @!p0 $0x100000, s0  }
0x39c: {  	[sflag:s0] =	ssyncadd.tile.s32 @!p0 $0x1;
	_ =	shalt  }
.Lfunc_end2:
_tile_overlayer_lowered:
.L_overlay_start_2:
0x39d: {  	(tag) =	ssettag $0x2  }
0x39e: {  	s0 =	rddreg [dreg:$0x0];
	s2 =	stileid.u32  }
0x39f: {  	s1 =	rddreg [dreg:$0x1];
	p0 =	sne.s32 s2, $0x0  }
0x3a0: {  	s3 =	rddreg [dreg:$0x2];
	[bflag:$0x3] =	sbarrier.arrive $0xFFFF;
	s2 =	simm.s32 @!p0 $0x1C05  }
0x3a1: {  	[timem:s3], [sflag:s2] =	dma.local @!p0 [hbm:s0], s1  }
0x3a2: {  	s0 =	simm.s32 @!p0 $0x5  }
0x3a3: {  	_ =	swait.ge @!p0 [sflag:s0], s1  }
0x3a4: {  	s1 =	ssub.s32 @!p0 $0x0, s1;
	[sflag:s0] =	ssyncset.done @!p0 $0x0  }
0x3a5: {  	[sflag:s0] =	ssyncadd.s32 @!p0 s1  }
0x3a6: {  	[bflag:$0x3] =	sbarrier.arrive $0xFFFF  }
0x3a7: {  	_ =	shalt  }

</sc_bundles>
